<compile_context>
chip_gen: v7x
topology: tpu7x:2x2x1
jax: 0.10.2.dev20260603
libtpu: 0.0.44.dev20260713+nightly
codegen_flags: <defaults>
</compile_context>

<pallas_src>
import functools

import jax
import jax.numpy as jnp
from jax import lax
from jax.experimental import pallas as pl
from jax.experimental.pallas import tpu as pltpu
from jax.experimental.pallas import tpu_sc as plsc

N = 10000
E = 320000
DEG_PAD = 10240
CHUNK = 128
NCHUNKS = E // CHUNK
INIT_CHUNK = 80
NICHUNKS = N // INIT_CHUNK
RB = 1000

_mesh = plsc.VectorSubcoreMesh(core_axis_name="c", subcore_axis_name="s")



@functools.partial(
    pl.kernel,
    out_type=jax.ShapeDtypeStruct((2 * DEG_PAD,), jnp.float32),
    mesh=_mesh,
    scratch_types=[
        pltpu.VMEM_SHARED((DEG_PAD,), jnp.float32),
        pltpu.VMEM((640,), jnp.float32),
        pltpu.VMEM((CHUNK,), jnp.int32),
        pltpu.VMEM((CHUNK,), jnp.float32),
    ],
)
def _deg_kernel(dst_hbm, out_hbm, acc, buf, idx, ones):
    c = lax.axis_index("c")
    s = lax.axis_index("s")
    wid = s * 2 + c
    for i in range(640 // 16):
        buf[pl.ds(i * 16, 16)] = jnp.zeros((16,), jnp.float32)
    for i in range(CHUNK // 16):
        ones[pl.ds(i * 16, 16)] = jnp.ones((16,), jnp.float32)
    pltpu.sync_copy(buf, acc.at[pl.ds(s * 640, 640)])
    plsc.subcore_barrier()

    def body(t, carry):
        cid = t * 32 + wid

        @pl.when(cid < NCHUNKS)
        def _():
            pltpu.sync_copy(dst_hbm.at[pl.ds(cid * CHUNK, CHUNK)], idx)
            pltpu.sync_copy(ones, acc.at[idx], add=True)

        return carry

    lax.fori_loop(0, (NCHUNKS + 31) // 32, body, 0)
    plsc.subcore_barrier()
    pltpu.sync_copy(acc.at[pl.ds(s * 640, 640)], buf)
    pltpu.sync_copy(buf, out_hbm.at[pl.ds(c * DEG_PAD + s * 640, 640)])



@functools.partial(
    pl.kernel,
    out_type=[jax.ShapeDtypeStruct((N, 128), jnp.float32),
              jax.ShapeDtypeStruct((N, 128), jnp.float32)],
    mesh=_mesh,
    scratch_types=[
        pltpu.VMEM_SHARED((N, 128), jnp.float32),
        pltpu.VMEM((INIT_CHUNK, 128), jnp.float32),
        pltpu.VMEM((CHUNK,), jnp.int32),
        pltpu.VMEM((CHUNK,), jnp.int32),
        pltpu.VMEM((CHUNK, 128), jnp.float32),
        pltpu.SemaphoreType.DMA,
    ],
)
def _agg_kernel(sa_hbm, sb_hbm, src_hbm, dst_hbm, outa_hbm, outb_hbm,
                acc, ibuf, isrc, idst, rows, sem):
    c = lax.axis_index("c")
    s = lax.axis_index("s")

    def work(s_hbm, out_hbm):
        def init_body(t, carry):
            cidx = t * 16 + s

            @pl.when(cidx < NICHUNKS)
            def _():
                r0 = cidx * INIT_CHUNK
                pltpu.sync_copy(s_hbm.at[pl.ds(r0, INIT_CHUNK)], ibuf)
                pltpu.sync_copy(ibuf, acc.at[pl.ds(r0, INIT_CHUNK)])

            return carry

        lax.fori_loop(0, (NICHUNKS + 15) // 16, init_body, 0)
        plsc.subcore_barrier()

        def body(t, carry):
            cid = t * 16 + s

            @pl.when(cid < NCHUNKS)
            def _():
                base = cid * CHUNK
                pltpu.sync_copy(src_hbm.at[pl.ds(base, CHUNK)], isrc)
                pltpu.sync_copy(dst_hbm.at[pl.ds(base, CHUNK)], idst)
                pltpu.async_copy(s_hbm.at[isrc], rows, sem).wait()
                pltpu.sync_copy(rows, acc.at[idst], add=True)

            return carry

        lax.fori_loop(0, (NCHUNKS + 15) // 16, body, 0)
        plsc.subcore_barrier()

        def drain_body(t, carry):
            cidx = t * 16 + s

            @pl.when(cidx < NICHUNKS)
            def _():
                r0 = cidx * INIT_CHUNK
                pltpu.sync_copy(acc.at[pl.ds(r0, INIT_CHUNK)], ibuf)
                pltpu.sync_copy(ibuf, out_hbm.at[pl.ds(r0, INIT_CHUNK)])

            return carry

        lax.fori_loop(0, (NICHUNKS + 15) // 16, drain_body, 0)

    @pl.when(c == 0)
    def _():
        work(sa_hbm, outa_hbm)

    @pl.when(c == 1)
    def _():
        work(sb_hbm, outb_hbm)



def _row(cols):
    return pl.BlockSpec((RB, cols), lambda i: (i, 0))


def _whole(shape):
    return pl.BlockSpec(shape, lambda i: (0,) * len(shape))


def _tc1_body(x_ref, rni_ref, dega_ref, degb_ref, w1_ref, sa_ref, sb_ref):
    dinv = lax.rsqrt(dega_ref[...] + degb_ref[...] + 1.0)
    hw = (jnp.dot(x_ref[...], w1_ref[:128, :], preferred_element_type=jnp.float32)
          + jnp.dot(rni_ref[...], w1_ref[128:, :], preferred_element_type=jnp.float32))
    sc = hw * dinv
    sa_ref[...] = sc[:, :128]
    sb_ref[...] = sc[:, 128:]


_tc1 = pl.pallas_call(
    _tc1_body,
    grid=(N // RB,),
    in_specs=[_row(128), _row(32), _row(1), _row(1), _whole((160, 256))],
    out_specs=[_row(128), _row(128)],
    out_shape=[jax.ShapeDtypeStruct((N, 128), jnp.float32)] * 2,
)


def _tc2_body(aa_ref, ab_ref, dega_ref, degb_ref, b_ref, w_ref, sa_ref, sb_ref):
    dinv = lax.rsqrt(dega_ref[...] + degb_ref[...] + 1.0)
    h_a = jnp.maximum(aa_ref[...] * dinv + b_ref[:, :128], 0.0)
    h_b = jnp.maximum(ab_ref[...] * dinv + b_ref[:, 128:], 0.0)
    s2 = (jnp.dot(h_a, w_ref[:128, :], preferred_element_type=jnp.float32)
          + jnp.dot(h_b, w_ref[128:, :], preferred_element_type=jnp.float32)) * dinv
    sa_ref[...] = s2[:, :128]
    sb_ref[...] = s2[:, 128:]


_tc2 = pl.pallas_call(
    _tc2_body,
    grid=(N // RB,),
    in_specs=[_row(128), _row(128), _row(1), _row(1),
              _whole((1, 256)), _whole((256, 256))],
    out_specs=[_row(128), _row(128)],
    out_shape=[jax.ShapeDtypeStruct((N, 128), jnp.float32)] * 2,
)


def _tc3_body(aa_ref, ab_ref, dega_ref, degb_ref, b_ref, w_ref, bout_ref, out_ref):
    dinv = lax.rsqrt(dega_ref[...] + degb_ref[...] + 1.0)
    h_a = jnp.maximum(aa_ref[...] * dinv + b_ref[:, :128], 0.0)
    h_b = jnp.maximum(ab_ref[...] * dinv + b_ref[:, 128:], 0.0)
    out_ref[...] = (jnp.dot(h_a, w_ref[:128, :], preferred_element_type=jnp.float32)
                    + jnp.dot(h_b, w_ref[128:, :], preferred_element_type=jnp.float32)
                    + bout_ref[...])


_tc3 = pl.pallas_call(
    _tc3_body,
    grid=(N // RB,),
    in_specs=[_row(128), _row(128), _row(1), _row(1),
              _whole((1, 256)), _whole((256, 256)), _whole((1, 256))],
    out_specs=_row(256),
    out_shape=jax.ShapeDtypeStruct((N, 256), jnp.float32),
)


def kernel(x, edge_index, W1, b1, W2, b2, Wout, bout):
    src = edge_index[0]
    dst = edge_index[1]
    rni = jax.random.normal(jax.random.key(42), (N, 32), dtype=jnp.float32)
    deg = _deg_kernel(dst)
    dega = deg[:N].reshape(N, 1)
    degb = deg[DEG_PAD:DEG_PAD + N].reshape(N, 1)
    b1r = b1.reshape(1, 256)
    b2r = b2.reshape(1, 256)
    boutr = bout.reshape(1, 256)
    s1a, s1b = _tc1(x, rni, dega, degb, W1)
    a1a, a1b = _agg_kernel(s1a, s1b, src, dst)
    s2a, s2b = _tc2(a1a, a1b, dega, degb, b1r, W2)
    a2a, a2b = _agg_kernel(s2a, s2b, src, dst)
    return _tc3(a2a, a2b, dega, degb, b2r, Wout, boutr)

# --- scband reference (transcript-rebuilt; emitter-appended) ---
"""Pipeline reference for scband-gcn-rni-64682207478387 (READ-ONLY COPY).

The authoritative reference and input builder live on the scoring server;
editing this copy changes nothing except your own understanding.
"""

import jax, jax.numpy as jnp
import numpy as np

N = 10000
E = 320000
D = 128
H = 256
RNI = 32


def setup_inputs(seed: int = 0) -> dict:
    key = jax.random.key(seed)
    ks = jax.random.split(key, 9)
    x = jax.random.normal(ks[0], (N, D), dtype=jnp.float32)
    edge_index = jax.random.randint(ks[1], (2, E), 0, N, dtype=jnp.int32)
    W1 = jax.random.normal(ks[2], (D + RNI, H), dtype=jnp.float32) * 0.05
    b1 = jnp.zeros((H,), dtype=jnp.float32)
    W2 = jax.random.normal(ks[3], (H, H), dtype=jnp.float32) * 0.05
    b2 = jnp.zeros((H,), dtype=jnp.float32)
    Wout = jax.random.normal(ks[4], (H, H), dtype=jnp.float32) * 0.05
    bout = jnp.zeros((H,), dtype=jnp.float32)
    return {"x": x, "edge_index": edge_index, "W1": W1, "b1": b1,
            "W2": W2, "b2": b2, "Wout": Wout, "bout": bout}


def _gcn_conv(h, edge_index, W, b, num_nodes):
    # PyG GCNConv: add self-loops, symmetric deg^{-1/2} normalization, scatter-add aggregation
    src = edge_index[0]
    dst = edge_index[1]
    loop = jnp.arange(num_nodes, dtype=src.dtype)
    src = jnp.concatenate([src, loop])
    dst = jnp.concatenate([dst, loop])
    deg = jnp.zeros((num_nodes,), dtype=h.dtype).at[dst].add(1.0)
    dinv = jnp.where(deg > 0, 1.0 / jnp.sqrt(deg), 0.0)
    norm = dinv[src] * dinv[dst]
    hw = h @ W
    msg = hw[src] * norm[:, None]
    out = jnp.zeros((num_nodes, W.shape[1]), dtype=h.dtype).at[dst].add(msg)
    return out + b


def reference(x, edge_index, W1, b1, W2, b2, Wout, bout):
    num_nodes = x.shape[0]
    # RNI: fresh random vector concatenated to every node feature.
    # Fixed key used here for deterministic reference behavior.
    rni = jax.random.normal(jax.random.key(42), (num_nodes, RNI), dtype=jnp.float32)
    h = jnp.concatenate([x, rni], axis=-1)
    h = jax.nn.relu(_gcn_conv(h, edge_index, W1, b1, num_nodes))
    h = jax.nn.relu(_gcn_conv(h, edge_index, W2, b2, num_nodes))
    h = h @ Wout + bout
    return h

if __name__ == "__main__":
    import jax
    _d = setup_inputs()
    print(jax.jit(kernel)(*tuple(_d.values())))

</pallas_src>

<mosaic_0001>
#map = affine_map<(d0, d1) -> (0, 0)>
#map1 = affine_map<(d0, d1) -> (0)>
module attributes {stable_mosaic.version = 14 : i64} {
  func.func @_agg_kernel(%arg0: i32, %arg1: i32, %arg2: memref<10000x128xf32, #tpu.memory_space<hbm>>, %arg3: memref<10000x128xf32, #tpu.memory_space<hbm>>, %arg4: memref<320000xi32, #tpu.memory_space<hbm>>, %arg5: memref<320000xi32, #tpu.memory_space<hbm>>, %arg6: memref<10000x128xf32, #tpu.memory_space<hbm>>, %arg7: memref<10000x128xf32, #tpu.memory_space<hbm>>, %arg8: memref<10000x128xf32, #tpu.memory_space<vmem_shared>>, %arg9: memref<80x128xf32, #tpu.memory_space<vmem>>, %arg10: memref<128xi32, #tpu.memory_space<vmem>>, %arg11: memref<128xi32, #tpu.memory_space<vmem>>, %arg12: memref<128x128xf32, #tpu.memory_space<vmem>>, %arg13: memref<!tpu.dma_semaphore, #tpu.memory_space<semaphore_mem>>) attributes {dimension_semantics = [#tpu.dimension_semantics<core_parallel>, #tpu.dimension_semantics<subcore_parallel>], iteration_bounds = array<i64: 2, 16>, scalar_prefetch = 0 : i64, scratch_operands = 6 : i64, tpu.core_type = #tpu.core_type<sc_vector_subcore>, window_params = [{transform_indices = #map}, {transform_indices = #map}, {transform_indices = #map1}, {transform_indices = #map1}, {transform_indices = #map}, {transform_indices = #map}]} {
    %eq3A = arith.constant 0 : i32
    %eq3A_0 = arith.cmpi eq, %arg0, %eq3A : i32
    %convert_element_type3A = arith.extui %eq3A_0 : i1 to i32
    %cond3A = arith.constant 0 : i32
    %cond3A_1 = arith.cmpi ne, %convert_element_type3A, %cond3A : i32
    scf.if %cond3A_1 {
      %scan3A = arith.constant 0 : i32
      %scan3A_7 = arith.constant 0 : i32
      %scan3A_8 = arith.constant 8 : i32
      %scan3A_9 = arith.addi %scan3A_7, %scan3A_8 : i32
      %scan3A_10 = arith.constant 1 : i32
      scf.for %scan3A_25 = %scan3A_7 to %scan3A_9 step %scan3A_10  : i32 {
        %mul3A = arith.constant 16 : i32
        %mul3A_26 = arith.muli %scan3A_25, %mul3A : i32
        %add3A = arith.addi %mul3A_26, %arg1 : i32
        %lt3A = arith.constant 125 : i32
        %lt3A_27 = arith.cmpi slt, %add3A, %lt3A : i32
        %convert_element_type3A_28 = arith.extui %lt3A_27 : i1 to i32
        %cond3A_29 = arith.constant 0 : i32
        %cond3A_30 = arith.cmpi ne, %convert_element_type3A_28, %cond3A_29 : i32
        scf.if %cond3A_30 {
          %mul3A_31 = arith.constant 80 : i32
          %mul3A_32 = arith.muli %add3A, %mul3A_31 : i32
          "tpu.region"() ({
            %run_scoped3A = tpu.sem_alloc : memref<!tpu.dma_semaphore, #tpu.memory_space<semaphore_mem>>
            %dma_start3A = arith.constant 0 : i32
            %dma_start3A_33 = tpu.memref_slice %arg2[%mul3A_32, %dma_start3A] : memref<10000x128xf32, #tpu.memory_space<hbm>> -> memref<80x128xf32, #tpu.memory_space<hbm>>
            %dma_start3A_34 = arith.constant 0 : i32
            %dma_start3A_35 = tpu.memref_slice %arg2[%mul3A_32, %dma_start3A_34] : memref<10000x128xf32, #tpu.memory_space<hbm>> -> memref<80x128xf32, #tpu.memory_space<hbm>>
            tpu.enqueue_dma source(%dma_start3A_35 : memref<80x128xf32, #tpu.memory_space<hbm>>) target(%arg9 : memref<80x128xf32, #tpu.memory_space<vmem>>) target_semaphore(%run_scoped3A : memref<!tpu.dma_semaphore, #tpu.memory_space<semaphore_mem>>)
            %dma_wait3A = arith.constant 0 : i32
            %dma_wait3A_36 = tpu.memref_slice %arg2[%mul3A_32, %dma_wait3A] : memref<10000x128xf32, #tpu.memory_space<hbm>> -> memref<80x128xf32, #tpu.memory_space<hbm>>
            %dma_wait3A_37 = arith.constant 0 : i32
            %dma_wait3A_38 = tpu.memref_slice %arg2[%mul3A_32, %dma_wait3A_37] : memref<10000x128xf32, #tpu.memory_space<hbm>> -> memref<80x128xf32, #tpu.memory_space<hbm>>
            tpu.wait_dma2 semaphore(%run_scoped3A : memref<!tpu.dma_semaphore, #tpu.memory_space<semaphore_mem>>) src(%dma_wait3A_38 : memref<80x128xf32, #tpu.memory_space<hbm>>) dst(%arg9 : memref<80x128xf32, #tpu.memory_space<vmem>>)
            tpu.yield
          }) : () -> ()
          "tpu.region"() ({
            %run_scoped3A = tpu.sem_alloc : memref<!tpu.dma_semaphore, #tpu.memory_space<semaphore_mem>>
            %dma_start3A = arith.constant 0 : i32
            %dma_start3A_33 = tpu.memref_slice %arg8[%mul3A_32, %dma_start3A] : memref<10000x128xf32, #tpu.memory_space<vmem_shared>> -> memref<80x128xf32, #tpu.memory_space<vmem_shared>>
            %dma_start3A_34 = arith.constant 0 : i32
            %dma_start3A_35 = tpu.memref_slice %arg8[%mul3A_32, %dma_start3A_34] : memref<10000x128xf32, #tpu.memory_space<vmem_shared>> -> memref<80x128xf32, #tpu.memory_space<vmem_shared>>
            tpu.enqueue_dma source(%arg9 : memref<80x128xf32, #tpu.memory_space<vmem>>) target(%dma_start3A_35 : memref<80x128xf32, #tpu.memory_space<vmem_shared>>) target_semaphore(%run_scoped3A : memref<!tpu.dma_semaphore, #tpu.memory_space<semaphore_mem>>)
            %dma_wait3A = arith.constant 0 : i32
            %dma_wait3A_36 = tpu.memref_slice %arg8[%mul3A_32, %dma_wait3A] : memref<10000x128xf32, #tpu.memory_space<vmem_shared>> -> memref<80x128xf32, #tpu.memory_space<vmem_shared>>
            %dma_wait3A_37 = arith.constant 0 : i32
            %dma_wait3A_38 = tpu.memref_slice %arg8[%mul3A_32, %dma_wait3A_37] : memref<10000x128xf32, #tpu.memory_space<vmem_shared>> -> memref<80x128xf32, #tpu.memory_space<vmem_shared>>
            tpu.wait_dma2 semaphore(%run_scoped3A : memref<!tpu.dma_semaphore, #tpu.memory_space<semaphore_mem>>) src(%arg9 : memref<80x128xf32, #tpu.memory_space<vmem>>) dst(%dma_wait3A_38 : memref<80x128xf32, #tpu.memory_space<vmem_shared>>)
            tpu.yield
          }) : () -> ()
        } else {
        }
      }
      %scan3A_11 = arith.constant 8 : i32
      %barrier3A = arith.constant 0 : index
      tpu.barrier barrier_id(%barrier3A)
      %scan3A_12 = arith.constant 0 : i32
      %scan3A_13 = arith.constant 0 : i32
      %scan3A_14 = arith.constant 157 : i32
      %scan3A_15 = arith.addi %scan3A_13, %scan3A_14 : i32
      %scan3A_16 = arith.constant 1 : i32
      scf.for %scan3A_25 = %scan3A_13 to %scan3A_15 step %scan3A_16  : i32 {
        %mul3A = arith.constant 16 : i32
        %mul3A_26 = arith.muli %scan3A_25, %mul3A : i32
        %add3A = arith.addi %mul3A_26, %arg1 : i32
        %lt3A = arith.constant 2500 : i32
        %lt3A_27 = arith.cmpi slt, %add3A, %lt3A : i32
        %convert_element_type3A_28 = arith.extui %lt3A_27 : i1 to i32
        %cond3A_29 = arith.constant 0 : i32
        %cond3A_30 = arith.cmpi ne, %convert_element_type3A_28, %cond3A_29 : i32
        scf.if %cond3A_30 {
          %mul3A_31 = arith.constant 128 : i32
          %mul3A_32 = arith.muli %add3A, %mul3A_31 : i32
          "tpu.region"() ({
            %run_scoped3A = tpu.sem_alloc : memref<!tpu.dma_semaphore, #tpu.memory_space<semaphore_mem>>
            %dma_start3A_37 = tpu.memref_slice %arg4[%mul3A_32] : memref<320000xi32, #tpu.memory_space<hbm>> -> memref<128xi32, #tpu.memory_space<hbm>>
            %dma_start3A_38 = tpu.memref_slice %arg4[%mul3A_32] : memref<320000xi32, #tpu.memory_space<hbm>> -> memref<128xi32, #tpu.memory_space<hbm>>
            tpu.enqueue_dma source(%dma_start3A_38 : memref<128xi32, #tpu.memory_space<hbm>>) target(%arg10 : memref<128xi32, #tpu.memory_space<vmem>>) target_semaphore(%run_scoped3A : memref<!tpu.dma_semaphore, #tpu.memory_space<semaphore_mem>>)
            %dma_wait3A_39 = tpu.memref_slice %arg4[%mul3A_32] : memref<320000xi32, #tpu.memory_space<hbm>> -> memref<128xi32, #tpu.memory_space<hbm>>
            %dma_wait3A_40 = tpu.memref_slice %arg4[%mul3A_32] : memref<320000xi32, #tpu.memory_space<hbm>> -> memref<128xi32, #tpu.memory_space<hbm>>
            tpu.wait_dma2 semaphore(%run_scoped3A : memref<!tpu.dma_semaphore, #tpu.memory_space<semaphore_mem>>) src(%dma_wait3A_40 : memref<128xi32, #tpu.memory_space<hbm>>) dst(%arg10 : memref<128xi32, #tpu.memory_space<vmem>>)
            tpu.yield
          }) : () -> ()
          "tpu.region"() ({
            %run_scoped3A = tpu.sem_alloc : memref<!tpu.dma_semaphore, #tpu.memory_space<semaphore_mem>>
            %dma_start3A_37 = tpu.memref_slice %arg5[%mul3A_32] : memref<320000xi32, #tpu.memory_space<hbm>> -> memref<128xi32, #tpu.memory_space<hbm>>
            %dma_start3A_38 = tpu.memref_slice %arg5[%mul3A_32] : memref<320000xi32, #tpu.memory_space<hbm>> -> memref<128xi32, #tpu.memory_space<hbm>>
            tpu.enqueue_dma source(%dma_start3A_38 : memref<128xi32, #tpu.memory_space<hbm>>) target(%arg11 : memref<128xi32, #tpu.memory_space<vmem>>) target_semaphore(%run_scoped3A : memref<!tpu.dma_semaphore, #tpu.memory_space<semaphore_mem>>)
            %dma_wait3A_39 = tpu.memref_slice %arg5[%mul3A_32] : memref<320000xi32, #tpu.memory_space<hbm>> -> memref<128xi32, #tpu.memory_space<hbm>>
            %dma_wait3A_40 = tpu.memref_slice %arg5[%mul3A_32] : memref<320000xi32, #tpu.memory_space<hbm>> -> memref<128xi32, #tpu.memory_space<hbm>>
            tpu.wait_dma2 semaphore(%run_scoped3A : memref<!tpu.dma_semaphore, #tpu.memory_space<semaphore_mem>>) src(%dma_wait3A_40 : memref<128xi32, #tpu.memory_space<hbm>>) dst(%arg11 : memref<128xi32, #tpu.memory_space<vmem>>)
            tpu.yield
          }) : () -> ()
          %dma_start3A = arith.constant 0 : i32
          %dma_start3A_33 = arith.constant 0 : i32
          %dma_start3A_34 = tpu.memref_slice %arg2[%dma_start3A, %dma_start3A_33] : memref<10000x128xf32, #tpu.memory_space<hbm>> -> memref<10000x128xf32, #tpu.memory_space<hbm>>
          tpu.enqueue_indirect_dma source(%dma_start3A_34 : memref<10000x128xf32, #tpu.memory_space<hbm>>) target(%arg12 : memref<128x128xf32, #tpu.memory_space<vmem>>) offsets(%arg10 : memref<128xi32, #tpu.memory_space<vmem>>) semaphore(%arg13 : memref<!tpu.dma_semaphore, #tpu.memory_space<semaphore_mem>>)
          %dma_wait3A = arith.constant 0 : i32
          %dma_wait3A_35 = arith.constant 0 : i32
          %dma_wait3A_36 = tpu.memref_slice %arg2[%dma_wait3A, %dma_wait3A_35] : memref<10000x128xf32, #tpu.memory_space<hbm>> -> memref<10000x128xf32, #tpu.memory_space<hbm>>
          tpu.wait_indirect_dma semaphore(%arg13 : memref<!tpu.dma_semaphore, #tpu.memory_space<semaphore_mem>>) src(%dma_wait3A_36 : memref<10000x128xf32, #tpu.memory_space<hbm>>) dst(%arg12 : memref<128x128xf32, #tpu.memory_space<vmem>>)
          "tpu.region"() ({
            %run_scoped3A = tpu.sem_alloc : memref<!tpu.dma_semaphore, #tpu.memory_space<semaphore_mem>>
            %dma_start3A_37 = arith.constant 0 : i32
            %dma_start3A_38 = arith.constant 0 : i32
            %dma_start3A_39 = tpu.memref_slice %arg8[%dma_start3A_37, %dma_start3A_38] : memref<10000x128xf32, #tpu.memory_space<vmem_shared>> -> memref<10000x128xf32, #tpu.memory_space<vmem_shared>>
            tpu.enqueue_indirect_dma source(%arg12 : memref<128x128xf32, #tpu.memory_space<vmem>>) target(%dma_start3A_39 : memref<10000x128xf32, #tpu.memory_space<vmem_shared>>) offsets(%arg11 : memref<128xi32, #tpu.memory_space<vmem>>) semaphore(%run_scoped3A : memref<!tpu.dma_semaphore, #tpu.memory_space<semaphore_mem>>) {add = true}
            %dma_wait3A_40 = arith.constant 0 : i32
            %dma_wait3A_41 = arith.constant 0 : i32
            %dma_wait3A_42 = tpu.memref_slice %arg8[%dma_wait3A_40, %dma_wait3A_41] : memref<10000x128xf32, #tpu.memory_space<vmem_shared>> -> memref<10000x128xf32, #tpu.memory_space<vmem_shared>>
            tpu.wait_indirect_dma semaphore(%run_scoped3A : memref<!tpu.dma_semaphore, #tpu.memory_space<semaphore_mem>>) src(%arg12 : memref<128x128xf32, #tpu.memory_space<vmem>>) dst(%dma_wait3A_42 : memref<10000x128xf32, #tpu.memory_space<vmem_shared>>)
            tpu.yield
          }) : () -> ()
        } else {
        }
      }
      %scan3A_17 = arith.constant 157 : i32
      %barrier3A_18 = arith.constant 0 : index
      tpu.barrier barrier_id(%barrier3A_18)
      %scan3A_19 = arith.constant 0 : i32
      %scan3A_20 = arith.constant 0 : i32
      %scan3A_21 = arith.constant 8 : i32
      %scan3A_22 = arith.addi %scan3A_20, %scan3A_21 : i32
      %scan3A_23 = arith.constant 1 : i32
      scf.for %scan3A_25 = %scan3A_20 to %scan3A_22 step %scan3A_23  : i32 {
        %mul3A = arith.constant 16 : i32
        %mul3A_26 = arith.muli %scan3A_25, %mul3A : i32
        %add3A = arith.addi %mul3A_26, %arg1 : i32
        %lt3A = arith.constant 125 : i32
        %lt3A_27 = arith.cmpi slt, %add3A, %lt3A : i32
        %convert_element_type3A_28 = arith.extui %lt3A_27 : i1 to i32
        %cond3A_29 = arith.constant 0 : i32
        %cond3A_30 = arith.cmpi ne, %convert_element_type3A_28, %cond3A_29 : i32
        scf.if %cond3A_30 {
          %mul3A_31 = arith.constant 80 : i32
          %mul3A_32 = arith.muli %add3A, %mul3A_31 : i32
          "tpu.region"() ({
            %run_scoped3A = tpu.sem_alloc : memref<!tpu.dma_semaphore, #tpu.memory_space<semaphore_mem>>
            %dma_start3A = arith.constant 0 : i32
            %dma_start3A_33 = tpu.memref_slice %arg8[%mul3A_32, %dma_start3A] : memref<10000x128xf32, #tpu.memory_space<vmem_shared>> -> memref<80x128xf32, #tpu.memory_space<vmem_shared>>
            %dma_start3A_34 = arith.constant 0 : i32
            %dma_start3A_35 = tpu.memref_slice %arg8[%mul3A_32, %dma_start3A_34] : memref<10000x128xf32, #tpu.memory_space<vmem_shared>> -> memref<80x128xf32, #tpu.memory_space<vmem_shared>>
            tpu.enqueue_dma source(%dma_start3A_35 : memref<80x128xf32, #tpu.memory_space<vmem_shared>>) target(%arg9 : memref<80x128xf32, #tpu.memory_space<vmem>>) target_semaphore(%run_scoped3A : memref<!tpu.dma_semaphore, #tpu.memory_space<semaphore_mem>>)
            %dma_wait3A = arith.constant 0 : i32
            %dma_wait3A_36 = tpu.memref_slice %arg8[%mul3A_32, %dma_wait3A] : memref<10000x128xf32, #tpu.memory_space<vmem_shared>> -> memref<80x128xf32, #tpu.memory_space<vmem_shared>>
            %dma_wait3A_37 = arith.constant 0 : i32
            %dma_wait3A_38 = tpu.memref_slice %arg8[%mul3A_32, %dma_wait3A_37] : memref<10000x128xf32, #tpu.memory_space<vmem_shared>> -> memref<80x128xf32, #tpu.memory_space<vmem_shared>>
            tpu.wait_dma2 semaphore(%run_scoped3A : memref<!tpu.dma_semaphore, #tpu.memory_space<semaphore_mem>>) src(%dma_wait3A_38 : memref<80x128xf32, #tpu.memory_space<vmem_shared>>) dst(%arg9 : memref<80x128xf32, #tpu.memory_space<vmem>>)
            tpu.yield
          }) : () -> ()
          "tpu.region"() ({
            %run_scoped3A = tpu.sem_alloc : memref<!tpu.dma_semaphore, #tpu.memory_space<semaphore_mem>>
            %dma_start3A = arith.constant 0 : i32
            %dma_start3A_33 = tpu.memref_slice %arg6[%mul3A_32, %dma_start3A] : memref<10000x128xf32, #tpu.memory_space<hbm>> -> memref<80x128xf32, #tpu.memory_space<hbm>>
            %dma_start3A_34 = arith.constant 0 : i32
            %dma_start3A_35 = tpu.memref_slice %arg6[%mul3A_32, %dma_start3A_34] : memref<10000x128xf32, #tpu.memory_space<hbm>> -> memref<80x128xf32, #tpu.memory_space<hbm>>
            tpu.enqueue_dma source(%arg9 : memref<80x128xf32, #tpu.memory_space<vmem>>) target(%dma_start3A_35 : memref<80x128xf32, #tpu.memory_space<hbm>>) target_semaphore(%run_scoped3A : memref<!tpu.dma_semaphore, #tpu.memory_space<semaphore_mem>>)
            %dma_wait3A = arith.constant 0 : i32
            %dma_wait3A_36 = tpu.memref_slice %arg6[%mul3A_32, %dma_wait3A] : memref<10000x128xf32, #tpu.memory_space<hbm>> -> memref<80x128xf32, #tpu.memory_space<hbm>>
            %dma_wait3A_37 = arith.constant 0 : i32
            %dma_wait3A_38 = tpu.memref_slice %arg6[%mul3A_32, %dma_wait3A_37] : memref<10000x128xf32, #tpu.memory_space<hbm>> -> memref<80x128xf32, #tpu.memory_space<hbm>>
            tpu.wait_dma2 semaphore(%run_scoped3A : memref<!tpu.dma_semaphore, #tpu.memory_space<semaphore_mem>>) src(%arg9 : memref<80x128xf32, #tpu.memory_space<vmem>>) dst(%dma_wait3A_38 : memref<80x128xf32, #tpu.memory_space<hbm>>)
            tpu.yield
          }) : () -> ()
        } else {
        }
      }
      %scan3A_24 = arith.constant 8 : i32
    } else {
    }
    %eq3A_2 = arith.constant 1 : i32
    %eq3A_3 = arith.cmpi eq, %arg0, %eq3A_2 : i32
    %convert_element_type3A_4 = arith.extui %eq3A_3 : i1 to i32
    %cond3A_5 = arith.constant 0 : i32
    %cond3A_6 = arith.cmpi ne, %convert_element_type3A_4, %cond3A_5 : i32
    scf.if %cond3A_6 {
      %scan3A = arith.constant 0 : i32
      %scan3A_7 = arith.constant 0 : i32
      %scan3A_8 = arith.constant 8 : i32
      %scan3A_9 = arith.addi %scan3A_7, %scan3A_8 : i32
      %scan3A_10 = arith.constant 1 : i32
      scf.for %scan3A_25 = %scan3A_7 to %scan3A_9 step %scan3A_10  : i32 {
        %mul3A = arith.constant 16 : i32
        %mul3A_26 = arith.muli %scan3A_25, %mul3A : i32
        %add3A = arith.addi %mul3A_26, %arg1 : i32
        %lt3A = arith.constant 125 : i32
        %lt3A_27 = arith.cmpi slt, %add3A, %lt3A : i32
        %convert_element_type3A_28 = arith.extui %lt3A_27 : i1 to i32
        %cond3A_29 = arith.constant 0 : i32
        %cond3A_30 = arith.cmpi ne, %convert_element_type3A_28, %cond3A_29 : i32
        scf.if %cond3A_30 {
          %mul3A_31 = arith.constant 80 : i32
          %mul3A_32 = arith.muli %add3A, %mul3A_31 : i32
          "tpu.region"() ({
            %run_scoped3A = tpu.sem_alloc : memref<!tpu.dma_semaphore, #tpu.memory_space<semaphore_mem>>
            %dma_start3A = arith.constant 0 : i32
            %dma_start3A_33 = tpu.memref_slice %arg3[%mul3A_32, %dma_start3A] : memref<10000x128xf32, #tpu.memory_space<hbm>> -> memref<80x128xf32, #tpu.memory_space<hbm>>
            %dma_start3A_34 = arith.constant 0 : i32
            %dma_start3A_35 = tpu.memref_slice %arg3[%mul3A_32, %dma_start3A_34] : memref<10000x128xf32, #tpu.memory_space<hbm>> -> memref<80x128xf32, #tpu.memory_space<hbm>>
            tpu.enqueue_dma source(%dma_start3A_35 : memref<80x128xf32, #tpu.memory_space<hbm>>) target(%arg9 : memref<80x128xf32, #tpu.memory_space<vmem>>) target_semaphore(%run_scoped3A : memref<!tpu.dma_semaphore, #tpu.memory_space<semaphore_mem>>)
            %dma_wait3A = arith.constant 0 : i32
            %dma_wait3A_36 = tpu.memref_slice %arg3[%mul3A_32, %dma_wait3A] : memref<10000x128xf32, #tpu.memory_space<hbm>> -> memref<80x128xf32, #tpu.memory_space<hbm>>
            %dma_wait3A_37 = arith.constant 0 : i32
            %dma_wait3A_38 = tpu.memref_slice %arg3[%mul3A_32, %dma_wait3A_37] : memref<10000x128xf32, #tpu.memory_space<hbm>> -> memref<80x128xf32, #tpu.memory_space<hbm>>
            tpu.wait_dma2 semaphore(%run_scoped3A : memref<!tpu.dma_semaphore, #tpu.memory_space<semaphore_mem>>) src(%dma_wait3A_38 : memref<80x128xf32, #tpu.memory_space<hbm>>) dst(%arg9 : memref<80x128xf32, #tpu.memory_space<vmem>>)
            tpu.yield
          }) : () -> ()
          "tpu.region"() ({
            %run_scoped3A = tpu.sem_alloc : memref<!tpu.dma_semaphore, #tpu.memory_space<semaphore_mem>>
            %dma_start3A = arith.constant 0 : i32
            %dma_start3A_33 = tpu.memref_slice %arg8[%mul3A_32, %dma_start3A] : memref<10000x128xf32, #tpu.memory_space<vmem_shared>> -> memref<80x128xf32, #tpu.memory_space<vmem_shared>>
            %dma_start3A_34 = arith.constant 0 : i32
            %dma_start3A_35 = tpu.memref_slice %arg8[%mul3A_32, %dma_start3A_34] : memref<10000x128xf32, #tpu.memory_space<vmem_shared>> -> memref<80x128xf32, #tpu.memory_space<vmem_shared>>
            tpu.enqueue_dma source(%arg9 : memref<80x128xf32, #tpu.memory_space<vmem>>) target(%dma_start3A_35 : memref<80x128xf32, #tpu.memory_space<vmem_shared>>) target_semaphore(%run_scoped3A : memref<!tpu.dma_semaphore, #tpu.memory_space<semaphore_mem>>)
            %dma_wait3A = arith.constant 0 : i32
            %dma_wait3A_36 = tpu.memref_slice %arg8[%mul3A_32, %dma_wait3A] : memref<10000x128xf32, #tpu.memory_space<vmem_shared>> -> memref<80x128xf32, #tpu.memory_space<vmem_shared>>
            %dma_wait3A_37 = arith.constant 0 : i32
            %dma_wait3A_38 = tpu.memref_slice %arg8[%mul3A_32, %dma_wait3A_37] : memref<10000x128xf32, #tpu.memory_space<vmem_shared>> -> memref<80x128xf32, #tpu.memory_space<vmem_shared>>
            tpu.wait_dma2 semaphore(%run_scoped3A : memref<!tpu.dma_semaphore, #tpu.memory_space<semaphore_mem>>) src(%arg9 : memref<80x128xf32, #tpu.memory_space<vmem>>) dst(%dma_wait3A_38 : memref<80x128xf32, #tpu.memory_space<vmem_shared>>)
            tpu.yield
          }) : () -> ()
        } else {
        }
      }
      %scan3A_11 = arith.constant 8 : i32
      %barrier3A = arith.constant 0 : index
      tpu.barrier barrier_id(%barrier3A)
      %scan3A_12 = arith.constant 0 : i32
      %scan3A_13 = arith.constant 0 : i32
      %scan3A_14 = arith.constant 157 : i32
      %scan3A_15 = arith.addi %scan3A_13, %scan3A_14 : i32
      %scan3A_16 = arith.constant 1 : i32
      scf.for %scan3A_25 = %scan3A_13 to %scan3A_15 step %scan3A_16  : i32 {
        %mul3A = arith.constant 16 : i32
        %mul3A_26 = arith.muli %scan3A_25, %mul3A : i32
        %add3A = arith.addi %mul3A_26, %arg1 : i32
        %lt3A = arith.constant 2500 : i32
        %lt3A_27 = arith.cmpi slt, %add3A, %lt3A : i32
        %convert_element_type3A_28 = arith.extui %lt3A_27 : i1 to i32
        %cond3A_29 = arith.constant 0 : i32
        %cond3A_30 = arith.cmpi ne, %convert_element_type3A_28, %cond3A_29 : i32
        scf.if %cond3A_30 {
          %mul3A_31 = arith.constant 128 : i32
          %mul3A_32 = arith.muli %add3A, %mul3A_31 : i32
          "tpu.region"() ({
            %run_scoped3A = tpu.sem_alloc : memref<!tpu.dma_semaphore, #tpu.memory_space<semaphore_mem>>
            %dma_start3A_37 = tpu.memref_slice %arg4[%mul3A_32] : memref<320000xi32, #tpu.memory_space<hbm>> -> memref<128xi32, #tpu.memory_space<hbm>>
            %dma_start3A_38 = tpu.memref_slice %arg4[%mul3A_32] : memref<320000xi32, #tpu.memory_space<hbm>> -> memref<128xi32, #tpu.memory_space<hbm>>
            tpu.enqueue_dma source(%dma_start3A_38 : memref<128xi32, #tpu.memory_space<hbm>>) target(%arg10 : memref<128xi32, #tpu.memory_space<vmem>>) target_semaphore(%run_scoped3A : memref<!tpu.dma_semaphore, #tpu.memory_space<semaphore_mem>>)
            %dma_wait3A_39 = tpu.memref_slice %arg4[%mul3A_32] : memref<320000xi32, #tpu.memory_space<hbm>> -> memref<128xi32, #tpu.memory_space<hbm>>
            %dma_wait3A_40 = tpu.memref_slice %arg4[%mul3A_32] : memref<320000xi32, #tpu.memory_space<hbm>> -> memref<128xi32, #tpu.memory_space<hbm>>
            tpu.wait_dma2 semaphore(%run_scoped3A : memref<!tpu.dma_semaphore, #tpu.memory_space<semaphore_mem>>) src(%dma_wait3A_40 : memref<128xi32, #tpu.memory_space<hbm>>) dst(%arg10 : memref<128xi32, #tpu.memory_space<vmem>>)
            tpu.yield
          }) : () -> ()
          "tpu.region"() ({
            %run_scoped3A = tpu.sem_alloc : memref<!tpu.dma_semaphore, #tpu.memory_space<semaphore_mem>>
            %dma_start3A_37 = tpu.memref_slice %arg5[%mul3A_32] : memref<320000xi32, #tpu.memory_space<hbm>> -> memref<128xi32, #tpu.memory_space<hbm>>
            %dma_start3A_38 = tpu.memref_slice %arg5[%mul3A_32] : memref<320000xi32, #tpu.memory_space<hbm>> -> memref<128xi32, #tpu.memory_space<hbm>>
            tpu.enqueue_dma source(%dma_start3A_38 : memref<128xi32, #tpu.memory_space<hbm>>) target(%arg11 : memref<128xi32, #tpu.memory_space<vmem>>) target_semaphore(%run_scoped3A : memref<!tpu.dma_semaphore, #tpu.memory_space<semaphore_mem>>)
            %dma_wait3A_39 = tpu.memref_slice %arg5[%mul3A_32] : memref<320000xi32, #tpu.memory_space<hbm>> -> memref<128xi32, #tpu.memory_space<hbm>>
            %dma_wait3A_40 = tpu.memref_slice %arg5[%mul3A_32] : memref<320000xi32, #tpu.memory_space<hbm>> -> memref<128xi32, #tpu.memory_space<hbm>>
            tpu.wait_dma2 semaphore(%run_scoped3A : memref<!tpu.dma_semaphore, #tpu.memory_space<semaphore_mem>>) src(%dma_wait3A_40 : memref<128xi32, #tpu.memory_space<hbm>>) dst(%arg11 : memref<128xi32, #tpu.memory_space<vmem>>)
            tpu.yield
          }) : () -> ()
          %dma_start3A = arith.constant 0 : i32
          %dma_start3A_33 = arith.constant 0 : i32
          %dma_start3A_34 = tpu.memref_slice %arg3[%dma_start3A, %dma_start3A_33] : memref<10000x128xf32, #tpu.memory_space<hbm>> -> memref<10000x128xf32, #tpu.memory_space<hbm>>
          tpu.enqueue_indirect_dma source(%dma_start3A_34 : memref<10000x128xf32, #tpu.memory_space<hbm>>) target(%arg12 : memref<128x128xf32, #tpu.memory_space<vmem>>) offsets(%arg10 : memref<128xi32, #tpu.memory_space<vmem>>) semaphore(%arg13 : memref<!tpu.dma_semaphore, #tpu.memory_space<semaphore_mem>>)
          %dma_wait3A = arith.constant 0 : i32
          %dma_wait3A_35 = arith.constant 0 : i32
          %dma_wait3A_36 = tpu.memref_slice %arg3[%dma_wait3A, %dma_wait3A_35] : memref<10000x128xf32, #tpu.memory_space<hbm>> -> memref<10000x128xf32, #tpu.memory_space<hbm>>
          tpu.wait_indirect_dma semaphore(%arg13 : memref<!tpu.dma_semaphore, #tpu.memory_space<semaphore_mem>>) src(%dma_wait3A_36 : memref<10000x128xf32, #tpu.memory_space<hbm>>) dst(%arg12 : memref<128x128xf32, #tpu.memory_space<vmem>>)
          "tpu.region"() ({
            %run_scoped3A = tpu.sem_alloc : memref<!tpu.dma_semaphore, #tpu.memory_space<semaphore_mem>>
            %dma_start3A_37 = arith.constant 0 : i32
            %dma_start3A_38 = arith.constant 0 : i32
            %dma_start3A_39 = tpu.memref_slice %arg8[%dma_start3A_37, %dma_start3A_38] : memref<10000x128xf32, #tpu.memory_space<vmem_shared>> -> memref<10000x128xf32, #tpu.memory_space<vmem_shared>>
            tpu.enqueue_indirect_dma source(%arg12 : memref<128x128xf32, #tpu.memory_space<vmem>>) target(%dma_start3A_39 : memref<10000x128xf32, #tpu.memory_space<vmem_shared>>) offsets(%arg11 : memref<128xi32, #tpu.memory_space<vmem>>) semaphore(%run_scoped3A : memref<!tpu.dma_semaphore, #tpu.memory_space<semaphore_mem>>) {add = true}
            %dma_wait3A_40 = arith.constant 0 : i32
            %dma_wait3A_41 = arith.constant 0 : i32
            %dma_wait3A_42 = tpu.memref_slice %arg8[%dma_wait3A_40, %dma_wait3A_41] : memref<10000x128xf32, #tpu.memory_space<vmem_shared>> -> memref<10000x128xf32, #tpu.memory_space<vmem_shared>>
            tpu.wait_indirect_dma semaphore(%run_scoped3A : memref<!tpu.dma_semaphore, #tpu.memory_space<semaphore_mem>>) src(%arg12 : memref<128x128xf32, #tpu.memory_space<vmem>>) dst(%dma_wait3A_42 : memref<10000x128xf32, #tpu.memory_space<vmem_shared>>)
            tpu.yield
          }) : () -> ()
        } else {
        }
      }
      %scan3A_17 = arith.constant 157 : i32
      %barrier3A_18 = arith.constant 0 : index
      tpu.barrier barrier_id(%barrier3A_18)
      %scan3A_19 = arith.constant 0 : i32
      %scan3A_20 = arith.constant 0 : i32
      %scan3A_21 = arith.constant 8 : i32
      %scan3A_22 = arith.addi %scan3A_20, %scan3A_21 : i32
      %scan3A_23 = arith.constant 1 : i32
      scf.for %scan3A_25 = %scan3A_20 to %scan3A_22 step %scan3A_23  : i32 {
        %mul3A = arith.constant 16 : i32
        %mul3A_26 = arith.muli %scan3A_25, %mul3A : i32
        %add3A = arith.addi %mul3A_26, %arg1 : i32
        %lt3A = arith.constant 125 : i32
        %lt3A_27 = arith.cmpi slt, %add3A, %lt3A : i32
        %convert_element_type3A_28 = arith.extui %lt3A_27 : i1 to i32
        %cond3A_29 = arith.constant 0 : i32
        %cond3A_30 = arith.cmpi ne, %convert_element_type3A_28, %cond3A_29 : i32
        scf.if %cond3A_30 {
          %mul3A_31 = arith.constant 80 : i32
          %mul3A_32 = arith.muli %add3A, %mul3A_31 : i32
          "tpu.region"() ({
            %run_scoped3A = tpu.sem_alloc : memref<!tpu.dma_semaphore, #tpu.memory_space<semaphore_mem>>
            %dma_start3A = arith.constant 0 : i32
            %dma_start3A_33 = tpu.memref_slice %arg8[%mul3A_32, %dma_start3A] : memref<10000x128xf32, #tpu.memory_space<vmem_shared>> -> memref<80x128xf32, #tpu.memory_space<vmem_shared>>
            %dma_start3A_34 = arith.constant 0 : i32
            %dma_start3A_35 = tpu.memref_slice %arg8[%mul3A_32, %dma_start3A_34] : memref<10000x128xf32, #tpu.memory_space<vmem_shared>> -> memref<80x128xf32, #tpu.memory_space<vmem_shared>>
            tpu.enqueue_dma source(%dma_start3A_35 : memref<80x128xf32, #tpu.memory_space<vmem_shared>>) target(%arg9 : memref<80x128xf32, #tpu.memory_space<vmem>>) target_semaphore(%run_scoped3A : memref<!tpu.dma_semaphore, #tpu.memory_space<semaphore_mem>>)
            %dma_wait3A = arith.constant 0 : i32
            %dma_wait3A_36 = tpu.memref_slice %arg8[%mul3A_32, %dma_wait3A] : memref<10000x128xf32, #tpu.memory_space<vmem_shared>> -> memref<80x128xf32, #tpu.memory_space<vmem_shared>>
            %dma_wait3A_37 = arith.constant 0 : i32
            %dma_wait3A_38 = tpu.memref_slice %arg8[%mul3A_32, %dma_wait3A_37] : memref<10000x128xf32, #tpu.memory_space<vmem_shared>> -> memref<80x128xf32, #tpu.memory_space<vmem_shared>>
            tpu.wait_dma2 semaphore(%run_scoped3A : memref<!tpu.dma_semaphore, #tpu.memory_space<semaphore_mem>>) src(%dma_wait3A_38 : memref<80x128xf32, #tpu.memory_space<vmem_shared>>) dst(%arg9 : memref<80x128xf32, #tpu.memory_space<vmem>>)
            tpu.yield
          }) : () -> ()
          "tpu.region"() ({
            %run_scoped3A = tpu.sem_alloc : memref<!tpu.dma_semaphore, #tpu.memory_space<semaphore_mem>>
            %dma_start3A = arith.constant 0 : i32
            %dma_start3A_33 = tpu.memref_slice %arg7[%mul3A_32, %dma_start3A] : memref<10000x128xf32, #tpu.memory_space<hbm>> -> memref<80x128xf32, #tpu.memory_space<hbm>>
            %dma_start3A_34 = arith.constant 0 : i32
            %dma_start3A_35 = tpu.memref_slice %arg7[%mul3A_32, %dma_start3A_34] : memref<10000x128xf32, #tpu.memory_space<hbm>> -> memref<80x128xf32, #tpu.memory_space<hbm>>
            tpu.enqueue_dma source(%arg9 : memref<80x128xf32, #tpu.memory_space<vmem>>) target(%dma_start3A_35 : memref<80x128xf32, #tpu.memory_space<hbm>>) target_semaphore(%run_scoped3A : memref<!tpu.dma_semaphore, #tpu.memory_space<semaphore_mem>>)
            %dma_wait3A = arith.constant 0 : i32
            %dma_wait3A_36 = tpu.memref_slice %arg7[%mul3A_32, %dma_wait3A] : memref<10000x128xf32, #tpu.memory_space<hbm>> -> memref<80x128xf32, #tpu.memory_space<hbm>>
            %dma_wait3A_37 = arith.constant 0 : i32
            %dma_wait3A_38 = tpu.memref_slice %arg7[%mul3A_32, %dma_wait3A_37] : memref<10000x128xf32, #tpu.memory_space<hbm>> -> memref<80x128xf32, #tpu.memory_space<hbm>>
            tpu.wait_dma2 semaphore(%run_scoped3A : memref<!tpu.dma_semaphore, #tpu.memory_space<semaphore_mem>>) src(%arg9 : memref<80x128xf32, #tpu.memory_space<vmem>>) dst(%dma_wait3A_38 : memref<80x128xf32, #tpu.memory_space<hbm>>)
            tpu.yield
          }) : () -> ()
        } else {
        }
      }
      %scan3A_24 = arith.constant 8 : i32
    } else {
    }
    return
  }
}

#map = affine_map<(d0, d1) -> (0, 0)>
#map1 = affine_map<(d0, d1) -> (0)>
module attributes {stable_mosaic.version = 14 : i64} {
  func.func @_agg_kernel(%arg0: i32, %arg1: i32, %arg2: memref<10000x128xf32, #tpu.memory_space<hbm>>, %arg3: memref<10000x128xf32, #tpu.memory_space<hbm>>, %arg4: memref<320000xi32, #tpu.memory_space<hbm>>, %arg5: memref<320000xi32, #tpu.memory_space<hbm>>, %arg6: memref<10000x128xf32, #tpu.memory_space<hbm>>, %arg7: memref<10000x128xf32, #tpu.memory_space<hbm>>, %arg8: memref<10000x128xf32, #tpu.memory_space<vmem_shared>>, %arg9: memref<80x128xf32, #tpu.memory_space<vmem>>, %arg10: memref<128xi32, #tpu.memory_space<vmem>>, %arg11: memref<128xi32, #tpu.memory_space<vmem>>, %arg12: memref<128x128xf32, #tpu.memory_space<vmem>>, %arg13: memref<!tpu.dma_semaphore, #tpu.memory_space<semaphore_mem>>) attributes {dimension_semantics = [#tpu.dimension_semantics<core_parallel>, #tpu.dimension_semantics<subcore_parallel>], iteration_bounds = array<i64: 2, 16>, scalar_prefetch = 0 : i64, scratch_operands = 6 : i64, tpu.core_type = #tpu.core_type<sc_vector_subcore>, window_params = [{transform_indices = #map}, {transform_indices = #map}, {transform_indices = #map1}, {transform_indices = #map1}, {transform_indices = #map}, {transform_indices = #map}]} {
    %eq3A = arith.constant 0 : i32
    %eq3A_0 = arith.cmpi eq, %arg0, %eq3A : i32
    %convert_element_type3A = arith.extui %eq3A_0 : i1 to i32
    %cond3A = arith.constant 0 : i32
    %cond3A_1 = arith.cmpi ne, %convert_element_type3A, %cond3A : i32
    scf.if %cond3A_1 {
      %scan3A = arith.constant 0 : i32
      %scan3A_7 = arith.constant 0 : i32
      %scan3A_8 = arith.constant 8 : i32
      %scan3A_9 = arith.addi %scan3A_7, %scan3A_8 : i32
      %scan3A_10 = arith.constant 1 : i32
      scf.for %scan3A_25 = %scan3A_7 to %scan3A_9 step %scan3A_10  : i32 {
        %mul3A = arith.constant 16 : i32
        %mul3A_26 = arith.muli %scan3A_25, %mul3A : i32
        %add3A = arith.addi %mul3A_26, %arg1 : i32
        %lt3A = arith.constant 125 : i32
        %lt3A_27 = arith.cmpi slt, %add3A, %lt3A : i32
        %convert_element_type3A_28 = arith.extui %lt3A_27 : i1 to i32
        %cond3A_29 = arith.constant 0 : i32
        %cond3A_30 = arith.cmpi ne, %convert_element_type3A_28, %cond3A_29 : i32
        scf.if %cond3A_30 {
          %mul3A_31 = arith.constant 80 : i32
          %mul3A_32 = arith.muli %add3A, %mul3A_31 : i32
          "tpu.region"() ({
            %run_scoped3A = tpu.sem_alloc : memref<!tpu.dma_semaphore, #tpu.memory_space<semaphore_mem>>
            %dma_start3A = arith.constant 0 : i32
            %dma_start3A_33 = tpu.memref_slice %arg2[%mul3A_32, %dma_start3A] : memref<10000x128xf32, #tpu.memory_space<hbm>> -> memref<80x128xf32, #tpu.memory_space<hbm>>
            %dma_start3A_34 = arith.constant 0 : i32
            %dma_start3A_35 = tpu.memref_slice %arg2[%mul3A_32, %dma_start3A_34] : memref<10000x128xf32, #tpu.memory_space<hbm>> -> memref<80x128xf32, #tpu.memory_space<hbm>>
            tpu.enqueue_dma source(%dma_start3A_35 : memref<80x128xf32, #tpu.memory_space<hbm>>) target(%arg9 : memref<80x128xf32, #tpu.memory_space<vmem>>) target_semaphore(%run_scoped3A : memref<!tpu.dma_semaphore, #tpu.memory_space<semaphore_mem>>)
            %dma_wait3A = arith.constant 0 : i32
            %dma_wait3A_36 = tpu.memref_slice %arg2[%mul3A_32, %dma_wait3A] : memref<10000x128xf32, #tpu.memory_space<hbm>> -> memref<80x128xf32, #tpu.memory_space<hbm>>
            %dma_wait3A_37 = arith.constant 0 : i32
            %dma_wait3A_38 = tpu.memref_slice %arg2[%mul3A_32, %dma_wait3A_37] : memref<10000x128xf32, #tpu.memory_space<hbm>> -> memref<80x128xf32, #tpu.memory_space<hbm>>
            tpu.wait_dma2 semaphore(%run_scoped3A : memref<!tpu.dma_semaphore, #tpu.memory_space<semaphore_mem>>) src(%dma_wait3A_38 : memref<80x128xf32, #tpu.memory_space<hbm>>) dst(%arg9 : memref<80x128xf32, #tpu.memory_space<vmem>>)
            tpu.yield
          }) : () -> ()
          "tpu.region"() ({
            %run_scoped3A = tpu.sem_alloc : memref<!tpu.dma_semaphore, #tpu.memory_space<semaphore_mem>>
            %dma_start3A = arith.constant 0 : i32
            %dma_start3A_33 = tpu.memref_slice %arg8[%mul3A_32, %dma_start3A] : memref<10000x128xf32, #tpu.memory_space<vmem_shared>> -> memref<80x128xf32, #tpu.memory_space<vmem_shared>>
            %dma_start3A_34 = arith.constant 0 : i32
            %dma_start3A_35 = tpu.memref_slice %arg8[%mul3A_32, %dma_start3A_34] : memref<10000x128xf32, #tpu.memory_space<vmem_shared>> -> memref<80x128xf32, #tpu.memory_space<vmem_shared>>
            tpu.enqueue_dma source(%arg9 : memref<80x128xf32, #tpu.memory_space<vmem>>) target(%dma_start3A_35 : memref<80x128xf32, #tpu.memory_space<vmem_shared>>) target_semaphore(%run_scoped3A : memref<!tpu.dma_semaphore, #tpu.memory_space<semaphore_mem>>)
            %dma_wait3A = arith.constant 0 : i32
            %dma_wait3A_36 = tpu.memref_slice %arg8[%mul3A_32, %dma_wait3A] : memref<10000x128xf32, #tpu.memory_space<vmem_shared>> -> memref<80x128xf32, #tpu.memory_space<vmem_shared>>
            %dma_wait3A_37 = arith.constant 0 : i32
            %dma_wait3A_38 = tpu.memref_slice %arg8[%mul3A_32, %dma_wait3A_37] : memref<10000x128xf32, #tpu.memory_space<vmem_shared>> -> memref<80x128xf32, #tpu.memory_space<vmem_shared>>
            tpu.wait_dma2 semaphore(%run_scoped3A : memref<!tpu.dma_semaphore, #tpu.memory_space<semaphore_mem>>) src(%arg9 : memref<80x128xf32, #tpu.memory_space<vmem>>) dst(%dma_wait3A_38 : memref<80x128xf32, #tpu.memory_space<vmem_shared>>)
            tpu.yield
          }) : () -> ()
        } else {
        }
      }
      %scan3A_11 = arith.constant 8 : i32
      %barrier3A = arith.constant 0 : index
      tpu.barrier barrier_id(%barrier3A)
      %scan3A_12 = arith.constant 0 : i32
      %scan3A_13 = arith.constant 0 : i32
      %scan3A_14 = arith.constant 157 : i32
      %scan3A_15 = arith.addi %scan3A_13, %scan3A_14 : i32
      %scan3A_16 = arith.constant 1 : i32
      scf.for %scan3A_25 = %scan3A_13 to %scan3A_15 step %scan3A_16  : i32 {
        %mul3A = arith.constant 16 : i32
        %mul3A_26 = arith.muli %scan3A_25, %mul3A : i32
        %add3A = arith.addi %mul3A_26, %arg1 : i32
        %lt3A = arith.constant 2500 : i32
        %lt3A_27 = arith.cmpi slt, %add3A, %lt3A : i32
        %convert_element_type3A_28 = arith.extui %lt3A_27 : i1 to i32
        %cond3A_29 = arith.constant 0 : i32
        %cond3A_30 = arith.cmpi ne, %convert_element_type3A_28, %cond3A_29 : i32
        scf.if %cond3A_30 {
          %mul3A_31 = arith.constant 128 : i32
          %mul3A_32 = arith.muli %add3A, %mul3A_31 : i32
          "tpu.region"() ({
            %run_scoped3A = tpu.sem_alloc : memref<!tpu.dma_semaphore, #tpu.memory_space<semaphore_mem>>
            %dma_start3A_37 = tpu.memref_slice %arg4[%mul3A_32] : memref<320000xi32, #tpu.memory_space<hbm>> -> memref<128xi32, #tpu.memory_space<hbm>>
            %dma_start3A_38 = tpu.memref_slice %arg4[%mul3A_32] : memref<320000xi32, #tpu.memory_space<hbm>> -> memref<128xi32, #tpu.memory_space<hbm>>
            tpu.enqueue_dma source(%dma_start3A_38 : memref<128xi32, #tpu.memory_space<hbm>>) target(%arg10 : memref<128xi32, #tpu.memory_space<vmem>>) target_semaphore(%run_scoped3A : memref<!tpu.dma_semaphore, #tpu.memory_space<semaphore_mem>>)
            %dma_wait3A_39 = tpu.memref_slice %arg4[%mul3A_32] : memref<320000xi32, #tpu.memory_space<hbm>> -> memref<128xi32, #tpu.memory_space<hbm>>
            %dma_wait3A_40 = tpu.memref_slice %arg4[%mul3A_32] : memref<320000xi32, #tpu.memory_space<hbm>> -> memref<128xi32, #tpu.memory_space<hbm>>
            tpu.wait_dma2 semaphore(%run_scoped3A : memref<!tpu.dma_semaphore, #tpu.memory_space<semaphore_mem>>) src(%dma_wait3A_40 : memref<128xi32, #tpu.memory_space<hbm>>) dst(%arg10 : memref<128xi32, #tpu.memory_space<vmem>>)
            tpu.yield
          }) : () -> ()
          "tpu.region"() ({
            %run_scoped3A = tpu.sem_alloc : memref<!tpu.dma_semaphore, #tpu.memory_space<semaphore_mem>>
            %dma_start3A_37 = tpu.memref_slice %arg5[%mul3A_32] : memref<320000xi32, #tpu.memory_space<hbm>> -> memref<128xi32, #tpu.memory_space<hbm>>
            %dma_start3A_38 = tpu.memref_slice %arg5[%mul3A_32] : memref<320000xi32, #tpu.memory_space<hbm>> -> memref<128xi32, #tpu.memory_space<hbm>>
            tpu.enqueue_dma source(%dma_start3A_38 : memref<128xi32, #tpu.memory_space<hbm>>) target(%arg11 : memref<128xi32, #tpu.memory_space<vmem>>) target_semaphore(%run_scoped3A : memref<!tpu.dma_semaphore, #tpu.memory_space<semaphore_mem>>)
            %dma_wait3A_39 = tpu.memref_slice %arg5[%mul3A_32] : memref<320000xi32, #tpu.memory_space<hbm>> -> memref<128xi32, #tpu.memory_space<hbm>>
            %dma_wait3A_40 = tpu.memref_slice %arg5[%mul3A_32] : memref<320000xi32, #tpu.memory_space<hbm>> -> memref<128xi32, #tpu.memory_space<hbm>>
            tpu.wait_dma2 semaphore(%run_scoped3A : memref<!tpu.dma_semaphore, #tpu.memory_space<semaphore_mem>>) src(%dma_wait3A_40 : memref<128xi32, #tpu.memory_space<hbm>>) dst(%arg11 : memref<128xi32, #tpu.memory_space<vmem>>)
            tpu.yield
          }) : () -> ()
          %dma_start3A = arith.constant 0 : i32
          %dma_start3A_33 = arith.constant 0 : i32
          %dma_start3A_34 = tpu.memref_slice %arg2[%dma_start3A, %dma_start3A_33] : memref<10000x128xf32, #tpu.memory_space<hbm>> -> memref<10000x128xf32, #tpu.memory_space<hbm>>
          tpu.enqueue_indirect_dma source(%dma_start3A_34 : memref<10000x128xf32, #tpu.memory_space<hbm>>) target(%arg12 : memref<128x128xf32, #tpu.memory_space<vmem>>) offsets(%arg10 : memref<128xi32, #tpu.memory_space<vmem>>) semaphore(%arg13 : memref<!tpu.dma_semaphore, #tpu.memory_space<semaphore_mem>>)
          %dma_wait3A = arith.constant 0 : i32
          %dma_wait3A_35 = arith.constant 0 : i32
          %dma_wait3A_36 = tpu.memref_slice %arg2[%dma_wait3A, %dma_wait3A_35] : memref<10000x128xf32, #tpu.memory_space<hbm>> -> memref<10000x128xf32, #tpu.memory_space<hbm>>
          tpu.wait_indirect_dma semaphore(%arg13 : memref<!tpu.dma_semaphore, #tpu.memory_space<semaphore_mem>>) src(%dma_wait3A_36 : memref<10000x128xf32, #tpu.memory_space<hbm>>) dst(%arg12 : memref<128x128xf32, #tpu.memory_space<vmem>>)
          "tpu.region"() ({
            %run_scoped3A = tpu.sem_alloc : memref<!tpu.dma_semaphore, #tpu.memory_space<semaphore_mem>>
            %dma_start3A_37 = arith.constant 0 : i32
            %dma_start3A_38 = arith.constant 0 : i32
            %dma_start3A_39 = tpu.memref_slice %arg8[%dma_start3A_37, %dma_start3A_38] : memref<10000x128xf32, #tpu.memory_space<vmem_shared>> -> memref<10000x128xf32, #tpu.memory_space<vmem_shared>>
            tpu.enqueue_indirect_dma source(%arg12 : memref<128x128xf32, #tpu.memory_space<vmem>>) target(%dma_start3A_39 : memref<10000x128xf32, #tpu.memory_space<vmem_shared>>) offsets(%arg11 : memref<128xi32, #tpu.memory_space<vmem>>) semaphore(%run_scoped3A : memref<!tpu.dma_semaphore, #tpu.memory_space<semaphore_mem>>) {add = true}
            %dma_wait3A_40 = arith.constant 0 : i32
            %dma_wait3A_41 = arith.constant 0 : i32
            %dma_wait3A_42 = tpu.memref_slice %arg8[%dma_wait3A_40, %dma_wait3A_41] : memref<10000x128xf32, #tpu.memory_space<vmem_shared>> -> memref<10000x128xf32, #tpu.memory_space<vmem_shared>>
            tpu.wait_indirect_dma semaphore(%run_scoped3A : memref<!tpu.dma_semaphore, #tpu.memory_space<semaphore_mem>>) src(%arg12 : memref<128x128xf32, #tpu.memory_space<vmem>>) dst(%dma_wait3A_42 : memref<10000x128xf32, #tpu.memory_space<vmem_shared>>)
            tpu.yield
          }) : () -> ()
        } else {
        }
      }
      %scan3A_17 = arith.constant 157 : i32
      %barrier3A_18 = arith.constant 0 : index
      tpu.barrier barrier_id(%barrier3A_18)
      %scan3A_19 = arith.constant 0 : i32
      %scan3A_20 = arith.constant 0 : i32
      %scan3A_21 = arith.constant 8 : i32
      %scan3A_22 = arith.addi %scan3A_20, %scan3A_21 : i32
      %scan3A_23 = arith.constant 1 : i32
      scf.for %scan3A_25 = %scan3A_20 to %scan3A_22 step %scan3A_23  : i32 {
        %mul3A = arith.constant 16 : i32
        %mul3A_26 = arith.muli %scan3A_25, %mul3A : i32
        %add3A = arith.addi %mul3A_26, %arg1 : i32
        %lt3A = arith.constant 125 : i32
        %lt3A_27 = arith.cmpi slt, %add3A, %lt3A : i32
        %convert_element_type3A_28 = arith.extui %lt3A_27 : i1 to i32
        %cond3A_29 = arith.constant 0 : i32
        %cond3A_30 = arith.cmpi ne, %convert_element_type3A_28, %cond3A_29 : i32
        scf.if %cond3A_30 {
          %mul3A_31 = arith.constant 80 : i32
          %mul3A_32 = arith.muli %add3A, %mul3A_31 : i32
          "tpu.region"() ({
            %run_scoped3A = tpu.sem_alloc : memref<!tpu.dma_semaphore, #tpu.memory_space<semaphore_mem>>
            %dma_start3A = arith.constant 0 : i32
            %dma_start3A_33 = tpu.memref_slice %arg8[%mul3A_32, %dma_start3A] : memref<10000x128xf32, #tpu.memory_space<vmem_shared>> -> memref<80x128xf32, #tpu.memory_space<vmem_shared>>
            %dma_start3A_34 = arith.constant 0 : i32
            %dma_start3A_35 = tpu.memref_slice %arg8[%mul3A_32, %dma_start3A_34] : memref<10000x128xf32, #tpu.memory_space<vmem_shared>> -> memref<80x128xf32, #tpu.memory_space<vmem_shared>>
            tpu.enqueue_dma source(%dma_start3A_35 : memref<80x128xf32, #tpu.memory_space<vmem_shared>>) target(%arg9 : memref<80x128xf32, #tpu.memory_space<vmem>>) target_semaphore(%run_scoped3A : memref<!tpu.dma_semaphore, #tpu.memory_space<semaphore_mem>>)
            %dma_wait3A = arith.constant 0 : i32
            %dma_wait3A_36 = tpu.memref_slice %arg8[%mul3A_32, %dma_wait3A] : memref<10000x128xf32, #tpu.memory_space<vmem_shared>> -> memref<80x128xf32, #tpu.memory_space<vmem_shared>>
            %dma_wait3A_37 = arith.constant 0 : i32
            %dma_wait3A_38 = tpu.memref_slice %arg8[%mul3A_32, %dma_wait3A_37] : memref<10000x128xf32, #tpu.memory_space<vmem_shared>> -> memref<80x128xf32, #tpu.memory_space<vmem_shared>>
            tpu.wait_dma2 semaphore(%run_scoped3A : memref<!tpu.dma_semaphore, #tpu.memory_space<semaphore_mem>>) src(%dma_wait3A_38 : memref<80x128xf32, #tpu.memory_space<vmem_shared>>) dst(%arg9 : memref<80x128xf32, #tpu.memory_space<vmem>>)
            tpu.yield
          }) : () -> ()
          "tpu.region"() ({
            %run_scoped3A = tpu.sem_alloc : memref<!tpu.dma_semaphore, #tpu.memory_space<semaphore_mem>>
            %dma_start3A = arith.constant 0 : i32
            %dma_start3A_33 = tpu.memref_slice %arg6[%mul3A_32, %dma_start3A] : memref<10000x128xf32, #tpu.memory_space<hbm>> -> memref<80x128xf32, #tpu.memory_space<hbm>>
            %dma_start3A_34 = arith.constant 0 : i32
            %dma_start3A_35 = tpu.memref_slice %arg6[%mul3A_32, %dma_start3A_34] : memref<10000x128xf32, #tpu.memory_space<hbm>> -> memref<80x128xf32, #tpu.memory_space<hbm>>
            tpu.enqueue_dma source(%arg9 : memref<80x128xf32, #tpu.memory_space<vmem>>) target(%dma_start3A_35 : memref<80x128xf32, #tpu.memory_space<hbm>>) target_semaphore(%run_scoped3A : memref<!tpu.dma_semaphore, #tpu.memory_space<semaphore_mem>>)
            %dma_wait3A = arith.constant 0 : i32
            %dma_wait3A_36 = tpu.memref_slice %arg6[%mul3A_32, %dma_wait3A] : memref<10000x128xf32, #tpu.memory_space<hbm>> -> memref<80x128xf32, #tpu.memory_space<hbm>>
            %dma_wait3A_37 = arith.constant 0 : i32
            %dma_wait3A_38 = tpu.memref_slice %arg6[%mul3A_32, %dma_wait3A_37] : memref<10000x128xf32, #tpu.memory_space<hbm>> -> memref<80x128xf32, #tpu.memory_space<hbm>>
            tpu.wait_dma2 semaphore(%run_scoped3A : memref<!tpu.dma_semaphore, #tpu.memory_space<semaphore_mem>>) src(%arg9 : memref<80x128xf32, #tpu.memory_space<vmem>>) dst(%dma_wait3A_38 : memref<80x128xf32, #tpu.memory_space<hbm>>)
            tpu.yield
          }) : () -> ()
        } else {
        }
      }
      %scan3A_24 = arith.constant 8 : i32
    } else {
    }
    %eq3A_2 = arith.constant 1 : i32
    %eq3A_3 = arith.cmpi eq, %arg0, %eq3A_2 : i32
    %convert_element_type3A_4 = arith.extui %eq3A_3 : i1 to i32
    %cond3A_5 = arith.constant 0 : i32
    %cond3A_6 = arith.cmpi ne, %convert_element_type3A_4, %cond3A_5 : i32
    scf.if %cond3A_6 {
      %scan3A = arith.constant 0 : i32
      %scan3A_7 = arith.constant 0 : i32
      %scan3A_8 = arith.constant 8 : i32
      %scan3A_9 = arith.addi %scan3A_7, %scan3A_8 : i32
      %scan3A_10 = arith.constant 1 : i32
      scf.for %scan3A_25 = %scan3A_7 to %scan3A_9 step %scan3A_10  : i32 {
        %mul3A = arith.constant 16 : i32
        %mul3A_26 = arith.muli %scan3A_25, %mul3A : i32
        %add3A = arith.addi %mul3A_26, %arg1 : i32
        %lt3A = arith.constant 125 : i32
        %lt3A_27 = arith.cmpi slt, %add3A, %lt3A : i32
        %convert_element_type3A_28 = arith.extui %lt3A_27 : i1 to i32
        %cond3A_29 = arith.constant 0 : i32
        %cond3A_30 = arith.cmpi ne, %convert_element_type3A_28, %cond3A_29 : i32
        scf.if %cond3A_30 {
          %mul3A_31 = arith.constant 80 : i32
          %mul3A_32 = arith.muli %add3A, %mul3A_31 : i32
          "tpu.region"() ({
            %run_scoped3A = tpu.sem_alloc : memref<!tpu.dma_semaphore, #tpu.memory_space<semaphore_mem>>
            %dma_start3A = arith.constant 0 : i32
            %dma_start3A_33 = tpu.memref_slice %arg3[%mul3A_32, %dma_start3A] : memref<10000x128xf32, #tpu.memory_space<hbm>> -> memref<80x128xf32, #tpu.memory_space<hbm>>
            %dma_start3A_34 = arith.constant 0 : i32
            %dma_start3A_35 = tpu.memref_slice %arg3[%mul3A_32, %dma_start3A_34] : memref<10000x128xf32, #tpu.memory_space<hbm>> -> memref<80x128xf32, #tpu.memory_space<hbm>>
            tpu.enqueue_dma source(%dma_start3A_35 : memref<80x128xf32, #tpu.memory_space<hbm>>) target(%arg9 : memref<80x128xf32, #tpu.memory_space<vmem>>) target_semaphore(%run_scoped3A : memref<!tpu.dma_semaphore, #tpu.memory_space<semaphore_mem>>)
            %dma_wait3A = arith.constant 0 : i32
            %dma_wait3A_36 = tpu.memref_slice %arg3[%mul3A_32, %dma_wait3A] : memref<10000x128xf32, #tpu.memory_space<hbm>> -> memref<80x128xf32, #tpu.memory_space<hbm>>
            %dma_wait3A_37 = arith.constant 0 : i32
            %dma_wait3A_38 = tpu.memref_slice %arg3[%mul3A_32, %dma_wait3A_37] : memref<10000x128xf32, #tpu.memory_space<hbm>> -> memref<80x128xf32, #tpu.memory_space<hbm>>
            tpu.wait_dma2 semaphore(%run_scoped3A : memref<!tpu.dma_semaphore, #tpu.memory_space<semaphore_mem>>) src(%dma_wait3A_38 : memref<80x128xf32, #tpu.memory_space<hbm>>) dst(%arg9 : memref<80x128xf32, #tpu.memory_space<vmem>>)
            tpu.yield
          }) : () -> ()
          "tpu.region"() ({
            %run_scoped3A = tpu.sem_alloc : memref<!tpu.dma_semaphore, #tpu.memory_space<semaphore_mem>>
            %dma_start3A = arith.constant 0 : i32
            %dma_start3A_33 = tpu.memref_slice %arg8[%mul3A_32, %dma_start3A] : memref<10000x128xf32, #tpu.memory_space<vmem_shared>> -> memref<80x128xf32, #tpu.memory_space<vmem_shared>>
            %dma_start3A_34 = arith.constant 0 : i32
            %dma_start3A_35 = tpu.memref_slice %arg8[%mul3A_32, %dma_start3A_34] : memref<10000x128xf32, #tpu.memory_space<vmem_shared>> -> memref<80x128xf32, #tpu.memory_space<vmem_shared>>
            tpu.enqueue_dma source(%arg9 : memref<80x128xf32, #tpu.memory_space<vmem>>) target(%dma_start3A_35 : memref<80x128xf32, #tpu.memory_space<vmem_shared>>) target_semaphore(%run_scoped3A : memref<!tpu.dma_semaphore, #tpu.memory_space<semaphore_mem>>)
            %dma_wait3A = arith.constant 0 : i32
            %dma_wait3A_36 = tpu.memref_slice %arg8[%mul3A_32, %dma_wait3A] : memref<10000x128xf32, #tpu.memory_space<vmem_shared>> -> memref<80x128xf32, #tpu.memory_space<vmem_shared>>
            %dma_wait3A_37 = arith.constant 0 : i32
            %dma_wait3A_38 = tpu.memref_slice %arg8[%mul3A_32, %dma_wait3A_37] : memref<10000x128xf32, #tpu.memory_space<vmem_shared>> -> memref<80x128xf32, #tpu.memory_space<vmem_shared>>
            tpu.wait_dma2 semaphore(%run_scoped3A : memref<!tpu.dma_semaphore, #tpu.memory_space<semaphore_mem>>) src(%arg9 : memref<80x128xf32, #tpu.memory_space<vmem>>) dst(%dma_wait3A_38 : memref<80x128xf32, #tpu.memory_space<vmem_shared>>)
            tpu.yield
          }) : () -> ()
        } else {
        }
      }
      %scan3A_11 = arith.constant 8 : i32
      %barrier3A = arith.constant 0 : index
      tpu.barrier barrier_id(%barrier3A)
      %scan3A_12 = arith.constant 0 : i32
      %scan3A_13 = arith.constant 0 : i32
      %scan3A_14 = arith.constant 157 : i32
      %scan3A_15 = arith.addi %scan3A_13, %scan3A_14 : i32
      %scan3A_16 = arith.constant 1 : i32
      scf.for %scan3A_25 = %scan3A_13 to %scan3A_15 step %scan3A_16  : i32 {
        %mul3A = arith.constant 16 : i32
        %mul3A_26 = arith.muli %scan3A_25, %mul3A : i32
        %add3A = arith.addi %mul3A_26, %arg1 : i32
        %lt3A = arith.constant 2500 : i32
        %lt3A_27 = arith.cmpi slt, %add3A, %lt3A : i32
        %convert_element_type3A_28 = arith.extui %lt3A_27 : i1 to i32
        %cond3A_29 = arith.constant 0 : i32
        %cond3A_30 = arith.cmpi ne, %convert_element_type3A_28, %cond3A_29 : i32
        scf.if %cond3A_30 {
          %mul3A_31 = arith.constant 128 : i32
          %mul3A_32 = arith.muli %add3A, %mul3A_31 : i32
          "tpu.region"() ({
            %run_scoped3A = tpu.sem_alloc : memref<!tpu.dma_semaphore, #tpu.memory_space<semaphore_mem>>
            %dma_start3A_37 = tpu.memref_slice %arg4[%mul3A_32] : memref<320000xi32, #tpu.memory_space<hbm>> -> memref<128xi32, #tpu.memory_space<hbm>>
            %dma_start3A_38 = tpu.memref_slice %arg4[%mul3A_32] : memref<320000xi32, #tpu.memory_space<hbm>> -> memref<128xi32, #tpu.memory_space<hbm>>
            tpu.enqueue_dma source(%dma_start3A_38 : memref<128xi32, #tpu.memory_space<hbm>>) target(%arg10 : memref<128xi32, #tpu.memory_space<vmem>>) target_semaphore(%run_scoped3A : memref<!tpu.dma_semaphore, #tpu.memory_space<semaphore_mem>>)
            %dma_wait3A_39 = tpu.memref_slice %arg4[%mul3A_32] : memref<320000xi32, #tpu.memory_space<hbm>> -> memref<128xi32, #tpu.memory_space<hbm>>
            %dma_wait3A_40 = tpu.memref_slice %arg4[%mul3A_32] : memref<320000xi32, #tpu.memory_space<hbm>> -> memref<128xi32, #tpu.memory_space<hbm>>
            tpu.wait_dma2 semaphore(%run_scoped3A : memref<!tpu.dma_semaphore, #tpu.memory_space<semaphore_mem>>) src(%dma_wait3A_40 : memref<128xi32, #tpu.memory_space<hbm>>) dst(%arg10 : memref<128xi32, #tpu.memory_space<vmem>>)
            tpu.yield
          }) : () -> ()
          "tpu.region"() ({
            %run_scoped3A = tpu.sem_alloc : memref<!tpu.dma_semaphore, #tpu.memory_space<semaphore_mem>>
            %dma_start3A_37 = tpu.memref_slice %arg5[%mul3A_32] : memref<320000xi32, #tpu.memory_space<hbm>> -> memref<128xi32, #tpu.memory_space<hbm>>
            %dma_start3A_38 = tpu.memref_slice %arg5[%mul3A_32] : memref<320000xi32, #tpu.memory_space<hbm>> -> memref<128xi32, #tpu.memory_space<hbm>>
            tpu.enqueue_dma source(%dma_start3A_38 : memref<128xi32, #tpu.memory_space<hbm>>) target(%arg11 : memref<128xi32, #tpu.memory_space<vmem>>) target_semaphore(%run_scoped3A : memref<!tpu.dma_semaphore, #tpu.memory_space<semaphore_mem>>)
            %dma_wait3A_39 = tpu.memref_slice %arg5[%mul3A_32] : memref<320000xi32, #tpu.memory_space<hbm>> -> memref<128xi32, #tpu.memory_space<hbm>>
            %dma_wait3A_40 = tpu.memref_slice %arg5[%mul3A_32] : memref<320000xi32, #tpu.memory_space<hbm>> -> memref<128xi32, #tpu.memory_space<hbm>>
            tpu.wait_dma2 semaphore(%run_scoped3A : memref<!tpu.dma_semaphore, #tpu.memory_space<semaphore_mem>>) src(%dma_wait3A_40 : memref<128xi32, #tpu.memory_space<hbm>>) dst(%arg11 : memref<128xi32, #tpu.memory_space<vmem>>)
            tpu.yield
          }) : () -> ()
          %dma_start3A = arith.constant 0 : i32
          %dma_start3A_33 = arith.constant 0 : i32
          %dma_start3A_34 = tpu.memref_slice %arg3[%dma_start3A, %dma_start3A_33] : memref<10000x128xf32, #tpu.memory_space<hbm>> -> memref<10000x128xf32, #tpu.memory_space<hbm>>
          tpu.enqueue_indirect_dma source(%dma_start3A_34 : memref<10000x128xf32, #tpu.memory_space<hbm>>) target(%arg12 : memref<128x128xf32, #tpu.memory_space<vmem>>) offsets(%arg10 : memref<128xi32, #tpu.memory_space<vmem>>) semaphore(%arg13 : memref<!tpu.dma_semaphore, #tpu.memory_space<semaphore_mem>>)
          %dma_wait3A = arith.constant 0 : i32
          %dma_wait3A_35 = arith.constant 0 : i32
          %dma_wait3A_36 = tpu.memref_slice %arg3[%dma_wait3A, %dma_wait3A_35] : memref<10000x128xf32, #tpu.memory_space<hbm>> -> memref<10000x128xf32, #tpu.memory_space<hbm>>
          tpu.wait_indirect_dma semaphore(%arg13 : memref<!tpu.dma_semaphore, #tpu.memory_space<semaphore_mem>>) src(%dma_wait3A_36 : memref<10000x128xf32, #tpu.memory_space<hbm>>) dst(%arg12 : memref<128x128xf32, #tpu.memory_space<vmem>>)
          "tpu.region"() ({
            %run_scoped3A = tpu.sem_alloc : memref<!tpu.dma_semaphore, #tpu.memory_space<semaphore_mem>>
            %dma_start3A_37 = arith.constant 0 : i32
            %dma_start3A_38 = arith.constant 0 : i32
            %dma_start3A_39 = tpu.memref_slice %arg8[%dma_start3A_37, %dma_start3A_38] : memref<10000x128xf32, #tpu.memory_space<vmem_shared>> -> memref<10000x128xf32, #tpu.memory_space<vmem_shared>>
            tpu.enqueue_indirect_dma source(%arg12 : memref<128x128xf32, #tpu.memory_space<vmem>>) target(%dma_start3A_39 : memref<10000x128xf32, #tpu.memory_space<vmem_shared>>) offsets(%arg11 : memref<128xi32, #tpu.memory_space<vmem>>) semaphore(%run_scoped3A : memref<!tpu.dma_semaphore, #tpu.memory_space<semaphore_mem>>) {add = true}
            %dma_wait3A_40 = arith.constant 0 : i32
            %dma_wait3A_41 = arith.constant 0 : i32
            %dma_wait3A_42 = tpu.memref_slice %arg8[%dma_wait3A_40, %dma_wait3A_41] : memref<10000x128xf32, #tpu.memory_space<vmem_shared>> -> memref<10000x128xf32, #tpu.memory_space<vmem_shared>>
            tpu.wait_indirect_dma semaphore(%run_scoped3A : memref<!tpu.dma_semaphore, #tpu.memory_space<semaphore_mem>>) src(%arg12 : memref<128x128xf32, #tpu.memory_space<vmem>>) dst(%dma_wait3A_42 : memref<10000x128xf32, #tpu.memory_space<vmem_shared>>)
            tpu.yield
          }) : () -> ()
        } else {
        }
      }
      %scan3A_17 = arith.constant 157 : i32
      %barrier3A_18 = arith.constant 0 : index
      tpu.barrier barrier_id(%barrier3A_18)
      %scan3A_19 = arith.constant 0 : i32
      %scan3A_20 = arith.constant 0 : i32
      %scan3A_21 = arith.constant 8 : i32
      %scan3A_22 = arith.addi %scan3A_20, %scan3A_21 : i32
      %scan3A_23 = arith.constant 1 : i32
      scf.for %scan3A_25 = %scan3A_20 to %scan3A_22 step %scan3A_23  : i32 {
        %mul3A = arith.constant 16 : i32
        %mul3A_26 = arith.muli %scan3A_25, %mul3A : i32
        %add3A = arith.addi %mul3A_26, %arg1 : i32
        %lt3A = arith.constant 125 : i32
        %lt3A_27 = arith.cmpi slt, %add3A, %lt3A : i32
        %convert_element_type3A_28 = arith.extui %lt3A_27 : i1 to i32
        %cond3A_29 = arith.constant 0 : i32
        %cond3A_30 = arith.cmpi ne, %convert_element_type3A_28, %cond3A_29 : i32
        scf.if %cond3A_30 {
          %mul3A_31 = arith.constant 80 : i32
          %mul3A_32 = arith.muli %add3A, %mul3A_31 : i32
          "tpu.region"() ({
            %run_scoped3A = tpu.sem_alloc : memref<!tpu.dma_semaphore, #tpu.memory_space<semaphore_mem>>
            %dma_start3A = arith.constant 0 : i32
            %dma_start3A_33 = tpu.memref_slice %arg8[%mul3A_32, %dma_start3A] : memref<10000x128xf32, #tpu.memory_space<vmem_shared>> -> memref<80x128xf32, #tpu.memory_space<vmem_shared>>
            %dma_start3A_34 = arith.constant 0 : i32
            %dma_start3A_35 = tpu.memref_slice %arg8[%mul3A_32, %dma_start3A_34] : memref<10000x128xf32, #tpu.memory_space<vmem_shared>> -> memref<80x128xf32, #tpu.memory_space<vmem_shared>>
            tpu.enqueue_dma source(%dma_start3A_35 : memref<80x128xf32, #tpu.memory_space<vmem_shared>>) target(%arg9 : memref<80x128xf32, #tpu.memory_space<vmem>>) target_semaphore(%run_scoped3A : memref<!tpu.dma_semaphore, #tpu.memory_space<semaphore_mem>>)
            %dma_wait3A = arith.constant 0 : i32
            %dma_wait3A_36 = tpu.memref_slice %arg8[%mul3A_32, %dma_wait3A] : memref<10000x128xf32, #tpu.memory_space<vmem_shared>> -> memref<80x128xf32, #tpu.memory_space<vmem_shared>>
            %dma_wait3A_37 = arith.constant 0 : i32
            %dma_wait3A_38 = tpu.memref_slice %arg8[%mul3A_32, %dma_wait3A_37] : memref<10000x128xf32, #tpu.memory_space<vmem_shared>> -> memref<80x128xf32, #tpu.memory_space<vmem_shared>>
            tpu.wait_dma2 semaphore(%run_scoped3A : memref<!tpu.dma_semaphore, #tpu.memory_space<semaphore_mem>>) src(%dma_wait3A_38 : memref<80x128xf32, #tpu.memory_space<vmem_shared>>) dst(%arg9 : memref<80x128xf32, #tpu.memory_space<vmem>>)
            tpu.yield
          }) : () -> ()
          "tpu.region"() ({
            %run_scoped3A = tpu.sem_alloc : memref<!tpu.dma_semaphore, #tpu.memory_space<semaphore_mem>>
            %dma_start3A = arith.constant 0 : i32
            %dma_start3A_33 = tpu.memref_slice %arg7[%mul3A_32, %dma_start3A] : memref<10000x128xf32, #tpu.memory_space<hbm>> -> memref<80x128xf32, #tpu.memory_space<hbm>>
            %dma_start3A_34 = arith.constant 0 : i32
            %dma_start3A_35 = tpu.memref_slice %arg7[%mul3A_32, %dma_start3A_34] : memref<10000x128xf32, #tpu.memory_space<hbm>> -> memref<80x128xf32, #tpu.memory_space<hbm>>
            tpu.enqueue_dma source(%arg9 : memref<80x128xf32, #tpu.memory_space<vmem>>) target(%dma_start3A_35 : memref<80x128xf32, #tpu.memory_space<hbm>>) target_semaphore(%run_scoped3A : memref<!tpu.dma_semaphore, #tpu.memory_space<semaphore_mem>>)
            %dma_wait3A = arith.constant 0 : i32
            %dma_wait3A_36 = tpu.memref_slice %arg7[%mul3A_32, %dma_wait3A] : memref<10000x128xf32, #tpu.memory_space<hbm>> -> memref<80x128xf32, #tpu.memory_space<hbm>>
            %dma_wait3A_37 = arith.constant 0 : i32
            %dma_wait3A_38 = tpu.memref_slice %arg7[%mul3A_32, %dma_wait3A_37] : memref<10000x128xf32, #tpu.memory_space<hbm>> -> memref<80x128xf32, #tpu.memory_space<hbm>>
            tpu.wait_dma2 semaphore(%run_scoped3A : memref<!tpu.dma_semaphore, #tpu.memory_space<semaphore_mem>>) src(%arg9 : memref<80x128xf32, #tpu.memory_space<vmem>>) dst(%dma_wait3A_38 : memref<80x128xf32, #tpu.memory_space<hbm>>)
            tpu.yield
          }) : () -> ()
        } else {
        }
      }
      %scan3A_24 = arith.constant 8 : i32
    } else {
    }
    return
  }
}

#map = affine_map<(d0, d1) -> (0)>
module attributes {stable_mosaic.version = 14 : i64} {
  func.func @_deg_kernel(%arg0: i32, %arg1: i32, %arg2: memref<320000xi32, #tpu.memory_space<hbm>>, %arg3: memref<20480xf32, #tpu.memory_space<hbm>>, %arg4: memref<10240xf32, #tpu.memory_space<vmem_shared>>, %arg5: memref<640xf32, #tpu.memory_space<vmem>>, %arg6: memref<128xi32, #tpu.memory_space<vmem>>, %arg7: memref<128xf32, #tpu.memory_space<vmem>>) attributes {dimension_semantics = [#tpu.dimension_semantics<core_parallel>, #tpu.dimension_semantics<subcore_parallel>], iteration_bounds = array<i64: 2, 16>, scalar_prefetch = 0 : i64, scratch_operands = 4 : i64, tpu.core_type = #tpu.core_type<sc_vector_subcore>, window_params = [{transform_indices = #map}, {transform_indices = #map}]} {
    %mul3A = arith.constant 2 : i32
    %mul3A_0 = arith.muli %arg1, %mul3A : i32
    %add3A = arith.addi %mul3A_0, %arg0 : i32
    %broadcast_in_dim3A = arith.constant 0.000000e+00 : f32
    %broadcast_in_dim3A_1 = vector.broadcast %broadcast_in_dim3A : f32 to vector<16xf32>
    %swap3A = arith.constant 0 : index
    %swap3A_2 = tpu.vector_load %arg5[%swap3A] {strides = array<i32>} : memref<640xf32, #tpu.memory_space<vmem>>, vector<16xf32>,
    %swap3A_3 = vector.shape_cast %swap3A_2 : vector<16xf32> to vector<16xf32>
    %swap3A_4 = vector.shape_cast %broadcast_in_dim3A_1 : vector<16xf32> to vector<16xf32>
    tpu.vector_store %arg5[%swap3A], %swap3A_4 {strides = array<i32>} : memref<640xf32, #tpu.memory_space<vmem>>, vector<16xf32>,
    %broadcast_in_dim3A_5 = arith.constant 0.000000e+00 : f32
    %broadcast_in_dim3A_6 = vector.broadcast %broadcast_in_dim3A_5 : f32 to vector<16xf32>
    %swap3A_7 = arith.constant 16 : index
    %swap3A_8 = tpu.vector_load %arg5[%swap3A_7] {strides = array<i32>} : memref<640xf32, #tpu.memory_space<vmem>>, vector<16xf32>,
    %swap3A_9 = vector.shape_cast %swap3A_8 : vector<16xf32> to vector<16xf32>
    %swap3A_10 = vector.shape_cast %broadcast_in_dim3A_6 : vector<16xf32> to vector<16xf32>
    tpu.vector_store %arg5[%swap3A_7], %swap3A_10 {strides = array<i32>} : memref<640xf32, #tpu.memory_space<vmem>>, vector<16xf32>,
    %broadcast_in_dim3A_11 = arith.constant 0.000000e+00 : f32
    %broadcast_in_dim3A_12 = vector.broadcast %broadcast_in_dim3A_11 : f32 to vector<16xf32>
    %swap3A_13 = arith.constant 32 : index
    %swap3A_14 = tpu.vector_load %arg5[%swap3A_13] {strides = array<i32>} : memref<640xf32, #tpu.memory_space<vmem>>, vector<16xf32>,
    %swap3A_15 = vector.shape_cast %swap3A_14 : vector<16xf32> to vector<16xf32>
    %swap3A_16 = vector.shape_cast %broadcast_in_dim3A_12 : vector<16xf32> to vector<16xf32>
    tpu.vector_store %arg5[%swap3A_13], %swap3A_16 {strides = array<i32>} : memref<640xf32, #tpu.memory_space<vmem>>, vector<16xf32>,
    %broadcast_in_dim3A_17 = arith.constant 0.000000e+00 : f32
    %broadcast_in_dim3A_18 = vector.broadcast %broadcast_in_dim3A_17 : f32 to vector<16xf32>
    %swap3A_19 = arith.constant 48 : index
    %swap3A_20 = tpu.vector_load %arg5[%swap3A_19] {strides = array<i32>} : memref<640xf32, #tpu.memory_space<vmem>>, vector<16xf32>,
    %swap3A_21 = vector.shape_cast %swap3A_20 : vector<16xf32> to vector<16xf32>
    %swap3A_22 = vector.shape_cast %broadcast_in_dim3A_18 : vector<16xf32> to vector<16xf32>
    tpu.vector_store %arg5[%swap3A_19], %swap3A_22 {strides = array<i32>} : memref<640xf32, #tpu.memory_space<vmem>>, vector<16xf32>,
    %broadcast_in_dim3A_23 = arith.constant 0.000000e+00 : f32
    %broadcast_in_dim3A_24 = vector.broadcast %broadcast_in_dim3A_23 : f32 to vector<16xf32>
    %swap3A_25 = arith.constant 64 : index
    %swap3A_26 = tpu.vector_load %arg5[%swap3A_25] {strides = array<i32>} : memref<640xf32, #tpu.memory_space<vmem>>, vector<16xf32>,
    %swap3A_27 = vector.shape_cast %swap3A_26 : vector<16xf32> to vector<16xf32>
    %swap3A_28 = vector.shape_cast %broadcast_in_dim3A_24 : vector<16xf32> to vector<16xf32>
    tpu.vector_store %arg5[%swap3A_25], %swap3A_28 {strides = array<i32>} : memref<640xf32, #tpu.memory_space<vmem>>, vector<16xf32>,
    %broadcast_in_dim3A_29 = arith.constant 0.000000e+00 : f32
    %broadcast_in_dim3A_30 = vector.broadcast %broadcast_in_dim3A_29 : f32 to vector<16xf32>
    %swap3A_31 = arith.constant 80 : index
    %swap3A_32 = tpu.vector_load %arg5[%swap3A_31] {strides = array<i32>} : memref<640xf32, #tpu.memory_space<vmem>>, vector<16xf32>,
    %swap3A_33 = vector.shape_cast %swap3A_32 : vector<16xf32> to vector<16xf32>
    %swap3A_34 = vector.shape_cast %broadcast_in_dim3A_30 : vector<16xf32> to vector<16xf32>
    tpu.vector_store %arg5[%swap3A_31], %swap3A_34 {strides = array<i32>} : memref<640xf32, #tpu.memory_space<vmem>>, vector<16xf32>,
    %broadcast_in_dim3A_35 = arith.constant 0.000000e+00 : f32
    %broadcast_in_dim3A_36 = vector.broadcast %broadcast_in_dim3A_35 : f32 to vector<16xf32>
    %swap3A_37 = arith.constant 96 : index
    %swap3A_38 = tpu.vector_load %arg5[%swap3A_37] {strides = array<i32>} : memref<640xf32, #tpu.memory_space<vmem>>, vector<16xf32>,
    %swap3A_39 = vector.shape_cast %swap3A_38 : vector<16xf32> to vector<16xf32>
    %swap3A_40 = vector.shape_cast %broadcast_in_dim3A_36 : vector<16xf32> to vector<16xf32>
    tpu.vector_store %arg5[%swap3A_37], %swap3A_40 {strides = array<i32>} : memref<640xf32, #tpu.memory_space<vmem>>, vector<16xf32>,
    %broadcast_in_dim3A_41 = arith.constant 0.000000e+00 : f32
    %broadcast_in_dim3A_42 = vector.broadcast %broadcast_in_dim3A_41 : f32 to vector<16xf32>
    %swap3A_43 = arith.constant 112 : index
    %swap3A_44 = tpu.vector_load %arg5[%swap3A_43] {strides = array<i32>} : memref<640xf32, #tpu.memory_space<vmem>>, vector<16xf32>,
    %swap3A_45 = vector.shape_cast %swap3A_44 : vector<16xf32> to vector<16xf32>
    %swap3A_46 = vector.shape_cast %broadcast_in_dim3A_42 : vector<16xf32> to vector<16xf32>
    tpu.vector_store %arg5[%swap3A_43], %swap3A_46 {strides = array<i32>} : memref<640xf32, #tpu.memory_space<vmem>>, vector<16xf32>,
    %broadcast_in_dim3A_47 = arith.constant 0.000000e+00 : f32
    %broadcast_in_dim3A_48 = vector.broadcast %broadcast_in_dim3A_47 : f32 to vector<16xf32>
    %swap3A_49 = arith.constant 128 : index
    %swap3A_50 = tpu.vector_load %arg5[%swap3A_49] {strides = array<i32>} : memref<640xf32, #tpu.memory_space<vmem>>, vector<16xf32>,
    %swap3A_51 = vector.shape_cast %swap3A_50 : vector<16xf32> to vector<16xf32>
    %swap3A_52 = vector.shape_cast %broadcast_in_dim3A_48 : vector<16xf32> to vector<16xf32>
    tpu.vector_store %arg5[%swap3A_49], %swap3A_52 {strides = array<i32>} : memref<640xf32, #tpu.memory_space<vmem>>, vector<16xf32>,
    %broadcast_in_dim3A_53 = arith.constant 0.000000e+00 : f32
    %broadcast_in_dim3A_54 = vector.broadcast %broadcast_in_dim3A_53 : f32 to vector<16xf32>
    %swap3A_55 = arith.constant 144 : index
    %swap3A_56 = tpu.vector_load %arg5[%swap3A_55] {strides = array<i32>} : memref<640xf32, #tpu.memory_space<vmem>>, vector<16xf32>,
    %swap3A_57 = vector.shape_cast %swap3A_56 : vector<16xf32> to vector<16xf32>
    %swap3A_58 = vector.shape_cast %broadcast_in_dim3A_54 : vector<16xf32> to vector<16xf32>
    tpu.vector_store %arg5[%swap3A_55], %swap3A_58 {strides = array<i32>} : memref<640xf32, #tpu.memory_space<vmem>>, vector<16xf32>,
    %broadcast_in_dim3A_59 = arith.constant 0.000000e+00 : f32
    %broadcast_in_dim3A_60 = vector.broadcast %broadcast_in_dim3A_59 : f32 to vector<16xf32>
    %swap3A_61 = arith.constant 160 : index
    %swap3A_62 = tpu.vector_load %arg5[%swap3A_61] {strides = array<i32>} : memref<640xf32, #tpu.memory_space<vmem>>, vector<16xf32>,
    %swap3A_63 = vector.shape_cast %swap3A_62 : vector<16xf32> to vector<16xf32>
    %swap3A_64 = vector.shape_cast %broadcast_in_dim3A_60 : vector<16xf32> to vector<16xf32>
    tpu.vector_store %arg5[%swap3A_61], %swap3A_64 {strides = array<i32>} : memref<640xf32, #tpu.memory_space<vmem>>, vector<16xf32>,
    %broadcast_in_dim3A_65 = arith.constant 0.000000e+00 : f32
    %broadcast_in_dim3A_66 = vector.broadcast %broadcast_in_dim3A_65 : f32 to vector<16xf32>
    %swap3A_67 = arith.constant 176 : index
    %swap3A_68 = tpu.vector_load %arg5[%swap3A_67] {strides = array<i32>} : memref<640xf32, #tpu.memory_space<vmem>>, vector<16xf32>,
    %swap3A_69 = vector.shape_cast %swap3A_68 : vector<16xf32> to vector<16xf32>
    %swap3A_70 = vector.shape_cast %broadcast_in_dim3A_66 : vector<16xf32> to vector<16xf32>
    tpu.vector_store %arg5[%swap3A_67], %swap3A_70 {strides = array<i32>} : memref<640xf32, #tpu.memory_space<vmem>>, vector<16xf32>,
    %broadcast_in_dim3A_71 = arith.constant 0.000000e+00 : f32
    %broadcast_in_dim3A_72 = vector.broadcast %broadcast_in_dim3A_71 : f32 to vector<16xf32>
    %swap3A_73 = arith.constant 192 : index
    %swap3A_74 = tpu.vector_load %arg5[%swap3A_73] {strides = array<i32>} : memref<640xf32, #tpu.memory_space<vmem>>, vector<16xf32>,
    %swap3A_75 = vector.shape_cast %swap3A_74 : vector<16xf32> to vector<16xf32>
    %swap3A_76 = vector.shape_cast %broadcast_in_dim3A_72 : vector<16xf32> to vector<16xf32>
    tpu.vector_store %arg5[%swap3A_73], %swap3A_76 {strides = array<i32>} : memref<640xf32, #tpu.memory_space<vmem>>, vector<16xf32>,
    %broadcast_in_dim3A_77 = arith.constant 0.000000e+00 : f32
    %broadcast_in_dim3A_78 = vector.broadcast %broadcast_in_dim3A_77 : f32 to vector<16xf32>
    %swap3A_79 = arith.constant 208 : index
    %swap3A_80 = tpu.vector_load %arg5[%swap3A_79] {strides = array<i32>} : memref<640xf32, #tpu.memory_space<vmem>>, vector<16xf32>,
    %swap3A_81 = vector.shape_cast %swap3A_80 : vector<16xf32> to vector<16xf32>
    %swap3A_82 = vector.shape_cast %broadcast_in_dim3A_78 : vector<16xf32> to vector<16xf32>
    tpu.vector_store %arg5[%swap3A_79], %swap3A_82 {strides = array<i32>} : memref<640xf32, #tpu.memory_space<vmem>>, vector<16xf32>,
    %broadcast_in_dim3A_83 = arith.constant 0.000000e+00 : f32
    %broadcast_in_dim3A_84 = vector.broadcast %broadcast_in_dim3A_83 : f32 to vector<16xf32>
    %swap3A_85 = arith.constant 224 : index
    %swap3A_86 = tpu.vector_load %arg5[%swap3A_85] {strides = array<i32>} : memref<640xf32, #tpu.memory_space<vmem>>, vector<16xf32>,
    %swap3A_87 = vector.shape_cast %swap3A_86 : vector<16xf32> to vector<16xf32>
    %swap3A_88 = vector.shape_cast %broadcast_in_dim3A_84 : vector<16xf32> to vector<16xf32>
    tpu.vector_store %arg5[%swap3A_85], %swap3A_88 {strides = array<i32>} : memref<640xf32, #tpu.memory_space<vmem>>, vector<16xf32>,
    %broadcast_in_dim3A_89 = arith.constant 0.000000e+00 : f32
    %broadcast_in_dim3A_90 = vector.broadcast %broadcast_in_dim3A_89 : f32 to vector<16xf32>
    %swap3A_91 = arith.constant 240 : index
    %swap3A_92 = tpu.vector_load %arg5[%swap3A_91] {strides = array<i32>} : memref<640xf32, #tpu.memory_space<vmem>>, vector<16xf32>,
    %swap3A_93 = vector.shape_cast %swap3A_92 : vector<16xf32> to vector<16xf32>
    %swap3A_94 = vector.shape_cast %broadcast_in_dim3A_90 : vector<16xf32> to vector<16xf32>
    tpu.vector_store %arg5[%swap3A_91], %swap3A_94 {strides = array<i32>} : memref<640xf32, #tpu.memory_space<vmem>>, vector<16xf32>,
    %broadcast_in_dim3A_95 = arith.constant 0.000000e+00 : f32
    %broadcast_in_dim3A_96 = vector.broadcast %broadcast_in_dim3A_95 : f32 to vector<16xf32>
    %swap3A_97 = arith.constant 256 : index
    %swap3A_98 = tpu.vector_load %arg5[%swap3A_97] {strides = array<i32>} : memref<640xf32, #tpu.memory_space<vmem>>, vector<16xf32>,
    %swap3A_99 = vector.shape_cast %swap3A_98 : vector<16xf32> to vector<16xf32>
    %swap3A_100 = vector.shape_cast %broadcast_in_dim3A_96 : vector<16xf32> to vector<16xf32>
    tpu.vector_store %arg5[%swap3A_97], %swap3A_100 {strides = array<i32>} : memref<640xf32, #tpu.memory_space<vmem>>, vector<16xf32>,
    %broadcast_in_dim3A_101 = arith.constant 0.000000e+00 : f32
    %broadcast_in_dim3A_102 = vector.broadcast %broadcast_in_dim3A_101 : f32 to vector<16xf32>
    %swap3A_103 = arith.constant 272 : index
    %swap3A_104 = tpu.vector_load %arg5[%swap3A_103] {strides = array<i32>} : memref<640xf32, #tpu.memory_space<vmem>>, vector<16xf32>,
    %swap3A_105 = vector.shape_cast %swap3A_104 : vector<16xf32> to vector<16xf32>
    %swap3A_106 = vector.shape_cast %broadcast_in_dim3A_102 : vector<16xf32> to vector<16xf32>
    tpu.vector_store %arg5[%swap3A_103], %swap3A_106 {strides = array<i32>} : memref<640xf32, #tpu.memory_space<vmem>>, vector<16xf32>,
    %broadcast_in_dim3A_107 = arith.constant 0.000000e+00 : f32
    %broadcast_in_dim3A_108 = vector.broadcast %broadcast_in_dim3A_107 : f32 to vector<16xf32>
    %swap3A_109 = arith.constant 288 : index
    %swap3A_110 = tpu.vector_load %arg5[%swap3A_109] {strides = array<i32>} : memref<640xf32, #tpu.memory_space<vmem>>, vector<16xf32>,
    %swap3A_111 = vector.shape_cast %swap3A_110 : vector<16xf32> to vector<16xf32>
    %swap3A_112 = vector.shape_cast %broadcast_in_dim3A_108 : vector<16xf32> to vector<16xf32>
    tpu.vector_store %arg5[%swap3A_109], %swap3A_112 {strides = array<i32>} : memref<640xf32, #tpu.memory_space<vmem>>, vector<16xf32>,
    %broadcast_in_dim3A_113 = arith.constant 0.000000e+00 : f32
    %broadcast_in_dim3A_114 = vector.broadcast %broadcast_in_dim3A_113 : f32 to vector<16xf32>
    %swap3A_115 = arith.constant 304 : index
    %swap3A_116 = tpu.vector_load %arg5[%swap3A_115] {strides = array<i32>} : memref<640xf32, #tpu.memory_space<vmem>>, vector<16xf32>,
    %swap3A_117 = vector.shape_cast %swap3A_116 : vector<16xf32> to vector<16xf32>
    %swap3A_118 = vector.shape_cast %broadcast_in_dim3A_114 : vector<16xf32> to vector<16xf32>
    tpu.vector_store %arg5[%swap3A_115], %swap3A_118 {strides = array<i32>} : memref<640xf32, #tpu.memory_space<vmem>>, vector<16xf32>,
    %broadcast_in_dim3A_119 = arith.constant 0.000000e+00 : f32
    %broadcast_in_dim3A_120 = vector.broadcast %broadcast_in_dim3A_119 : f32 to vector<16xf32>
    %swap3A_121 = arith.constant 320 : index
    %swap3A_122 = tpu.vector_load %arg5[%swap3A_121] {strides = array<i32>} : memref<640xf32, #tpu.memory_space<vmem>>, vector<16xf32>,
    %swap3A_123 = vector.shape_cast %swap3A_122 : vector<16xf32> to vector<16xf32>
    %swap3A_124 = vector.shape_cast %broadcast_in_dim3A_120 : vector<16xf32> to vector<16xf32>
    tpu.vector_store %arg5[%swap3A_121], %swap3A_124 {strides = array<i32>} : memref<640xf32, #tpu.memory_space<vmem>>, vector<16xf32>,
    %broadcast_in_dim3A_125 = arith.constant 0.000000e+00 : f32
    %broadcast_in_dim3A_126 = vector.broadcast %broadcast_in_dim3A_125 : f32 to vector<16xf32>
    %swap3A_127 = arith.constant 336 : index
    %swap3A_128 = tpu.vector_load %arg5[%swap3A_127] {strides = array<i32>} : memref<640xf32, #tpu.memory_space<vmem>>, vector<16xf32>,
    %swap3A_129 = vector.shape_cast %swap3A_128 : vector<16xf32> to vector<16xf32>
    %swap3A_130 = vector.shape_cast %broadcast_in_dim3A_126 : vector<16xf32> to vector<16xf32>
    tpu.vector_store %arg5[%swap3A_127], %swap3A_130 {strides = array<i32>} : memref<640xf32, #tpu.memory_space<vmem>>, vector<16xf32>,
    %broadcast_in_dim3A_131 = arith.constant 0.000000e+00 : f32
    %broadcast_in_dim3A_132 = vector.broadcast %broadcast_in_dim3A_131 : f32 to vector<16xf32>
    %swap3A_133 = arith.constant 352 : index
    %swap3A_134 = tpu.vector_load %arg5[%swap3A_133] {strides = array<i32>} : memref<640xf32, #tpu.memory_space<vmem>>, vector<16xf32>,
    %swap3A_135 = vector.shape_cast %swap3A_134 : vector<16xf32> to vector<16xf32>
    %swap3A_136 = vector.shape_cast %broadcast_in_dim3A_132 : vector<16xf32> to vector<16xf32>
    tpu.vector_store %arg5[%swap3A_133], %swap3A_136 {strides = array<i32>} : memref<640xf32, #tpu.memory_space<vmem>>, vector<16xf32>,
    %broadcast_in_dim3A_137 = arith.constant 0.000000e+00 : f32
    %broadcast_in_dim3A_138 = vector.broadcast %broadcast_in_dim3A_137 : f32 to vector<16xf32>
    %swap3A_139 = arith.constant 368 : index
    %swap3A_140 = tpu.vector_load %arg5[%swap3A_139] {strides = array<i32>} : memref<640xf32, #tpu.memory_space<vmem>>, vector<16xf32>,
    %swap3A_141 = vector.shape_cast %swap3A_140 : vector<16xf32> to vector<16xf32>
    %swap3A_142 = vector.shape_cast %broadcast_in_dim3A_138 : vector<16xf32> to vector<16xf32>
    tpu.vector_store %arg5[%swap3A_139], %swap3A_142 {strides = array<i32>} : memref<640xf32, #tpu.memory_space<vmem>>, vector<16xf32>,
    %broadcast_in_dim3A_143 = arith.constant 0.000000e+00 : f32
    %broadcast_in_dim3A_144 = vector.broadcast %broadcast_in_dim3A_143 : f32 to vector<16xf32>
    %swap3A_145 = arith.constant 384 : index
    %swap3A_146 = tpu.vector_load %arg5[%swap3A_145] {strides = array<i32>} : memref<640xf32, #tpu.memory_space<vmem>>, vector<16xf32>,
    %swap3A_147 = vector.shape_cast %swap3A_146 : vector<16xf32> to vector<16xf32>
    %swap3A_148 = vector.shape_cast %broadcast_in_dim3A_144 : vector<16xf32> to vector<16xf32>
    tpu.vector_store %arg5[%swap3A_145], %swap3A_148 {strides = array<i32>} : memref<640xf32, #tpu.memory_space<vmem>>, vector<16xf32>,
    %broadcast_in_dim3A_149 = arith.constant 0.000000e+00 : f32
    %broadcast_in_dim3A_150 = vector.broadcast %broadcast_in_dim3A_149 : f32 to vector<16xf32>
    %swap3A_151 = arith.constant 400 : index
    %swap3A_152 = tpu.vector_load %arg5[%swap3A_151] {strides = array<i32>} : memref<640xf32, #tpu.memory_space<vmem>>, vector<16xf32>,
    %swap3A_153 = vector.shape_cast %swap3A_152 : vector<16xf32> to vector<16xf32>
    %swap3A_154 = vector.shape_cast %broadcast_in_dim3A_150 : vector<16xf32> to vector<16xf32>
    tpu.vector_store %arg5[%swap3A_151], %swap3A_154 {strides = array<i32>} : memref<640xf32, #tpu.memory_space<vmem>>, vector<16xf32>,
    %broadcast_in_dim3A_155 = arith.constant 0.000000e+00 : f32
    %broadcast_in_dim3A_156 = vector.broadcast %broadcast_in_dim3A_155 : f32 to vector<16xf32>
    %swap3A_157 = arith.constant 416 : index
    %swap3A_158 = tpu.vector_load %arg5[%swap3A_157] {strides = array<i32>} : memref<640xf32, #tpu.memory_space<vmem>>, vector<16xf32>,
    %swap3A_159 = vector.shape_cast %swap3A_158 : vector<16xf32> to vector<16xf32>
    %swap3A_160 = vector.shape_cast %broadcast_in_dim3A_156 : vector<16xf32> to vector<16xf32>
    tpu.vector_store %arg5[%swap3A_157], %swap3A_160 {strides = array<i32>} : memref<640xf32, #tpu.memory_space<vmem>>, vector<16xf32>,
    %broadcast_in_dim3A_161 = arith.constant 0.000000e+00 : f32
    %broadcast_in_dim3A_162 = vector.broadcast %broadcast_in_dim3A_161 : f32 to vector<16xf32>
    %swap3A_163 = arith.constant 432 : index
    %swap3A_164 = tpu.vector_load %arg5[%swap3A_163] {strides = array<i32>} : memref<640xf32, #tpu.memory_space<vmem>>, vector<16xf32>,
    %swap3A_165 = vector.shape_cast %swap3A_164 : vector<16xf32> to vector<16xf32>
    %swap3A_166 = vector.shape_cast %broadcast_in_dim3A_162 : vector<16xf32> to vector<16xf32>
    tpu.vector_store %arg5[%swap3A_163], %swap3A_166 {strides = array<i32>} : memref<640xf32, #tpu.memory_space<vmem>>, vector<16xf32>,
    %broadcast_in_dim3A_167 = arith.constant 0.000000e+00 : f32
    %broadcast_in_dim3A_168 = vector.broadcast %broadcast_in_dim3A_167 : f32 to vector<16xf32>
    %swap3A_169 = arith.constant 448 : index
    %swap3A_170 = tpu.vector_load %arg5[%swap3A_169] {strides = array<i32>} : memref<640xf32, #tpu.memory_space<vmem>>, vector<16xf32>,
    %swap3A_171 = vector.shape_cast %swap3A_170 : vector<16xf32> to vector<16xf32>
    %swap3A_172 = vector.shape_cast %broadcast_in_dim3A_168 : vector<16xf32> to vector<16xf32>
    tpu.vector_store %arg5[%swap3A_169], %swap3A_172 {strides = array<i32>} : memref<640xf32, #tpu.memory_space<vmem>>, vector<16xf32>,
    %broadcast_in_dim3A_173 = arith.constant 0.000000e+00 : f32
    %broadcast_in_dim3A_174 = vector.broadcast %broadcast_in_dim3A_173 : f32 to vector<16xf32>
    %swap3A_175 = arith.constant 464 : index
    %swap3A_176 = tpu.vector_load %arg5[%swap3A_175] {strides = array<i32>} : memref<640xf32, #tpu.memory_space<vmem>>, vector<16xf32>,
    %swap3A_177 = vector.shape_cast %swap3A_176 : vector<16xf32> to vector<16xf32>
    %swap3A_178 = vector.shape_cast %broadcast_in_dim3A_174 : vector<16xf32> to vector<16xf32>
    tpu.vector_store %arg5[%swap3A_175], %swap3A_178 {strides = array<i32>} : memref<640xf32, #tpu.memory_space<vmem>>, vector<16xf32>,
    %broadcast_in_dim3A_179 = arith.constant 0.000000e+00 : f32
    %broadcast_in_dim3A_180 = vector.broadcast %broadcast_in_dim3A_179 : f32 to vector<16xf32>
    %swap3A_181 = arith.constant 480 : index
    %swap3A_182 = tpu.vector_load %arg5[%swap3A_181] {strides = array<i32>} : memref<640xf32, #tpu.memory_space<vmem>>, vector<16xf32>,
    %swap3A_183 = vector.shape_cast %swap3A_182 : vector<16xf32> to vector<16xf32>
    %swap3A_184 = vector.shape_cast %broadcast_in_dim3A_180 : vector<16xf32> to vector<16xf32>
    tpu.vector_store %arg5[%swap3A_181], %swap3A_184 {strides = array<i32>} : memref<640xf32, #tpu.memory_space<vmem>>, vector<16xf32>,
    %broadcast_in_dim3A_185 = arith.constant 0.000000e+00 : f32
    %broadcast_in_dim3A_186 = vector.broadcast %broadcast_in_dim3A_185 : f32 to vector<16xf32>
    %swap3A_187 = arith.constant 496 : index
    %swap3A_188 = tpu.vector_load %arg5[%swap3A_187] {strides = array<i32>} : memref<640xf32, #tpu.memory_space<vmem>>, vector<16xf32>,
    %swap3A_189 = vector.shape_cast %swap3A_188 : vector<16xf32> to vector<16xf32>
    %swap3A_190 = vector.shape_cast %broadcast_in_dim3A_186 : vector<16xf32> to vector<16xf32>
    tpu.vector_store %arg5[%swap3A_187], %swap3A_190 {strides = array<i32>} : memref<640xf32, #tpu.memory_space<vmem>>, vector<16xf32>,
    %broadcast_in_dim3A_191 = arith.constant 0.000000e+00 : f32
    %broadcast_in_dim3A_192 = vector.broadcast %broadcast_in_dim3A_191 : f32 to vector<16xf32>
    %swap3A_193 = arith.constant 512 : index
    %swap3A_194 = tpu.vector_load %arg5[%swap3A_193] {strides = array<i32>} : memref<640xf32, #tpu.memory_space<vmem>>, vector<16xf32>,
    %swap3A_195 = vector.shape_cast %swap3A_194 : vector<16xf32> to vector<16xf32>
    %swap3A_196 = vector.shape_cast %broadcast_in_dim3A_192 : vector<16xf32> to vector<16xf32>
    tpu.vector_store %arg5[%swap3A_193], %swap3A_196 {strides = array<i32>} : memref<640xf32, #tpu.memory_space<vmem>>, vector<16xf32>,
    %broadcast_in_dim3A_197 = arith.constant 0.000000e+00 : f32
    %broadcast_in_dim3A_198 = vector.broadcast %broadcast_in_dim3A_197 : f32 to vector<16xf32>
    %swap3A_199 = arith.constant 528 : index
    %swap3A_200 = tpu.vector_load %arg5[%swap3A_199] {strides = array<i32>} : memref<640xf32, #tpu.memory_space<vmem>>, vector<16xf32>,
    %swap3A_201 = vector.shape_cast %swap3A_200 : vector<16xf32> to vector<16xf32>
    %swap3A_202 = vector.shape_cast %broadcast_in_dim3A_198 : vector<16xf32> to vector<16xf32>
    tpu.vector_store %arg5[%swap3A_199], %swap3A_202 {strides = array<i32>} : memref<640xf32, #tpu.memory_space<vmem>>, vector<16xf32>,
    %broadcast_in_dim3A_203 = arith.constant 0.000000e+00 : f32
    %broadcast_in_dim3A_204 = vector.broadcast %broadcast_in_dim3A_203 : f32 to vector<16xf32>
    %swap3A_205 = arith.constant 544 : index
    %swap3A_206 = tpu.vector_load %arg5[%swap3A_205] {strides = array<i32>} : memref<640xf32, #tpu.memory_space<vmem>>, vector<16xf32>,
    %swap3A_207 = vector.shape_cast %swap3A_206 : vector<16xf32> to vector<16xf32>
    %swap3A_208 = vector.shape_cast %broadcast_in_dim3A_204 : vector<16xf32> to vector<16xf32>
    tpu.vector_store %arg5[%swap3A_205], %swap3A_208 {strides = array<i32>} : memref<640xf32, #tpu.memory_space<vmem>>, vector<16xf32>,
    %broadcast_in_dim3A_209 = arith.constant 0.000000e+00 : f32
    %broadcast_in_dim3A_210 = vector.broadcast %broadcast_in_dim3A_209 : f32 to vector<16xf32>
    %swap3A_211 = arith.constant 560 : index
    %swap3A_212 = tpu.vector_load %arg5[%swap3A_211] {strides = array<i32>} : memref<640xf32, #tpu.memory_space<vmem>>, vector<16xf32>,
    %swap3A_213 = vector.shape_cast %swap3A_212 : vector<16xf32> to vector<16xf32>
    %swap3A_214 = vector.shape_cast %broadcast_in_dim3A_210 : vector<16xf32> to vector<16xf32>
    tpu.vector_store %arg5[%swap3A_211], %swap3A_214 {strides = array<i32>} : memref<640xf32, #tpu.memory_space<vmem>>, vector<16xf32>,
    %broadcast_in_dim3A_215 = arith.constant 0.000000e+00 : f32
    %broadcast_in_dim3A_216 = vector.broadcast %broadcast_in_dim3A_215 : f32 to vector<16xf32>
    %swap3A_217 = arith.constant 576 : index
    %swap3A_218 = tpu.vector_load %arg5[%swap3A_217] {strides = array<i32>} : memref<640xf32, #tpu.memory_space<vmem>>, vector<16xf32>,
    %swap3A_219 = vector.shape_cast %swap3A_218 : vector<16xf32> to vector<16xf32>
    %swap3A_220 = vector.shape_cast %broadcast_in_dim3A_216 : vector<16xf32> to vector<16xf32>
    tpu.vector_store %arg5[%swap3A_217], %swap3A_220 {strides = array<i32>} : memref<640xf32, #tpu.memory_space<vmem>>, vector<16xf32>,
    %broadcast_in_dim3A_221 = arith.constant 0.000000e+00 : f32
    %broadcast_in_dim3A_222 = vector.broadcast %broadcast_in_dim3A_221 : f32 to vector<16xf32>
    %swap3A_223 = arith.constant 592 : index
    %swap3A_224 = tpu.vector_load %arg5[%swap3A_223] {strides = array<i32>} : memref<640xf32, #tpu.memory_space<vmem>>, vector<16xf32>,
    %swap3A_225 = vector.shape_cast %swap3A_224 : vector<16xf32> to vector<16xf32>
    %swap3A_226 = vector.shape_cast %broadcast_in_dim3A_222 : vector<16xf32> to vector<16xf32>
    tpu.vector_store %arg5[%swap3A_223], %swap3A_226 {strides = array<i32>} : memref<640xf32, #tpu.memory_space<vmem>>, vector<16xf32>,
    %broadcast_in_dim3A_227 = arith.constant 0.000000e+00 : f32
    %broadcast_in_dim3A_228 = vector.broadcast %broadcast_in_dim3A_227 : f32 to vector<16xf32>
    %swap3A_229 = arith.constant 608 : index
    %swap3A_230 = tpu.vector_load %arg5[%swap3A_229] {strides = array<i32>} : memref<640xf32, #tpu.memory_space<vmem>>, vector<16xf32>,
    %swap3A_231 = vector.shape_cast %swap3A_230 : vector<16xf32> to vector<16xf32>
    %swap3A_232 = vector.shape_cast %broadcast_in_dim3A_228 : vector<16xf32> to vector<16xf32>
    tpu.vector_store %arg5[%swap3A_229], %swap3A_232 {strides = array<i32>} : memref<640xf32, #tpu.memory_space<vmem>>, vector<16xf32>,
    %broadcast_in_dim3A_233 = arith.constant 0.000000e+00 : f32
    %broadcast_in_dim3A_234 = vector.broadcast %broadcast_in_dim3A_233 : f32 to vector<16xf32>
    %swap3A_235 = arith.constant 624 : index
    %swap3A_236 = tpu.vector_load %arg5[%swap3A_235] {strides = array<i32>} : memref<640xf32, #tpu.memory_space<vmem>>, vector<16xf32>,
    %swap3A_237 = vector.shape_cast %swap3A_236 : vector<16xf32> to vector<16xf32>
    %swap3A_238 = vector.shape_cast %broadcast_in_dim3A_234 : vector<16xf32> to vector<16xf32>
    tpu.vector_store %arg5[%swap3A_235], %swap3A_238 {strides = array<i32>} : memref<640xf32, #tpu.memory_space<vmem>>, vector<16xf32>,
    %broadcast_in_dim3A_239 = arith.constant 1.000000e+00 : f32
    %broadcast_in_dim3A_240 = vector.broadcast %broadcast_in_dim3A_239 : f32 to vector<16xf32>
    %swap3A_241 = arith.constant 0 : index
    %swap3A_242 = tpu.vector_load %arg7[%swap3A_241] {strides = array<i32>} : memref<128xf32, #tpu.memory_space<vmem>>, vector<16xf32>,
    %swap3A_243 = vector.shape_cast %swap3A_242 : vector<16xf32> to vector<16xf32>
    %swap3A_244 = vector.shape_cast %broadcast_in_dim3A_240 : vector<16xf32> to vector<16xf32>
    tpu.vector_store %arg7[%swap3A_241], %swap3A_244 {strides = array<i32>} : memref<128xf32, #tpu.memory_space<vmem>>, vector<16xf32>,
    %broadcast_in_dim3A_245 = arith.constant 1.000000e+00 : f32
    %broadcast_in_dim3A_246 = vector.broadcast %broadcast_in_dim3A_245 : f32 to vector<16xf32>
    %swap3A_247 = arith.constant 16 : index
    %swap3A_248 = tpu.vector_load %arg7[%swap3A_247] {strides = array<i32>} : memref<128xf32, #tpu.memory_space<vmem>>, vector<16xf32>,
    %swap3A_249 = vector.shape_cast %swap3A_248 : vector<16xf32> to vector<16xf32>
    %swap3A_250 = vector.shape_cast %broadcast_in_dim3A_246 : vector<16xf32> to vector<16xf32>
    tpu.vector_store %arg7[%swap3A_247], %swap3A_250 {strides = array<i32>} : memref<128xf32, #tpu.memory_space<vmem>>, vector<16xf32>,
    %broadcast_in_dim3A_251 = arith.constant 1.000000e+00 : f32
    %broadcast_in_dim3A_252 = vector.broadcast %broadcast_in_dim3A_251 : f32 to vector<16xf32>
    %swap3A_253 = arith.constant 32 : index
    %swap3A_254 = tpu.vector_load %arg7[%swap3A_253] {strides = array<i32>} : memref<128xf32, #tpu.memory_space<vmem>>, vector<16xf32>,
    %swap3A_255 = vector.shape_cast %swap3A_254 : vector<16xf32> to vector<16xf32>
    %swap3A_256 = vector.shape_cast %broadcast_in_dim3A_252 : vector<16xf32> to vector<16xf32>
    tpu.vector_store %arg7[%swap3A_253], %swap3A_256 {strides = array<i32>} : memref<128xf32, #tpu.memory_space<vmem>>, vector<16xf32>,
    %broadcast_in_dim3A_257 = arith.constant 1.000000e+00 : f32
    %broadcast_in_dim3A_258 = vector.broadcast %broadcast_in_dim3A_257 : f32 to vector<16xf32>
    %swap3A_259 = arith.constant 48 : index
    %swap3A_260 = tpu.vector_load %arg7[%swap3A_259] {strides = array<i32>} : memref<128xf32, #tpu.memory_space<vmem>>, vector<16xf32>,
    %swap3A_261 = vector.shape_cast %swap3A_260 : vector<16xf32> to vector<16xf32>
    %swap3A_262 = vector.shape_cast %broadcast_in_dim3A_258 : vector<16xf32> to vector<16xf32>
    tpu.vector_store %arg7[%swap3A_259], %swap3A_262 {strides = array<i32>} : memref<128xf32, #tpu.memory_space<vmem>>, vector<16xf32>,
    %broadcast_in_dim3A_263 = arith.constant 1.000000e+00 : f32
    %broadcast_in_dim3A_264 = vector.broadcast %broadcast_in_dim3A_263 : f32 to vector<16xf32>
    %swap3A_265 = arith.constant 64 : index
    %swap3A_266 = tpu.vector_load %arg7[%swap3A_265] {strides = array<i32>} : memref<128xf32, #tpu.memory_space<vmem>>, vector<16xf32>,
    %swap3A_267 = vector.shape_cast %swap3A_266 : vector<16xf32> to vector<16xf32>
    %swap3A_268 = vector.shape_cast %broadcast_in_dim3A_264 : vector<16xf32> to vector<16xf32>
    tpu.vector_store %arg7[%swap3A_265], %swap3A_268 {strides = array<i32>} : memref<128xf32, #tpu.memory_space<vmem>>, vector<16xf32>,
    %broadcast_in_dim3A_269 = arith.constant 1.000000e+00 : f32
    %broadcast_in_dim3A_270 = vector.broadcast %broadcast_in_dim3A_269 : f32 to vector<16xf32>
    %swap3A_271 = arith.constant 80 : index
    %swap3A_272 = tpu.vector_load %arg7[%swap3A_271] {strides = array<i32>} : memref<128xf32, #tpu.memory_space<vmem>>, vector<16xf32>,
    %swap3A_273 = vector.shape_cast %swap3A_272 : vector<16xf32> to vector<16xf32>
    %swap3A_274 = vector.shape_cast %broadcast_in_dim3A_270 : vector<16xf32> to vector<16xf32>
    tpu.vector_store %arg7[%swap3A_271], %swap3A_274 {strides = array<i32>} : memref<128xf32, #tpu.memory_space<vmem>>, vector<16xf32>,
    %broadcast_in_dim3A_275 = arith.constant 1.000000e+00 : f32
    %broadcast_in_dim3A_276 = vector.broadcast %broadcast_in_dim3A_275 : f32 to vector<16xf32>
    %swap3A_277 = arith.constant 96 : index
    %swap3A_278 = tpu.vector_load %arg7[%swap3A_277] {strides = array<i32>} : memref<128xf32, #tpu.memory_space<vmem>>, vector<16xf32>,
    %swap3A_279 = vector.shape_cast %swap3A_278 : vector<16xf32> to vector<16xf32>
    %swap3A_280 = vector.shape_cast %broadcast_in_dim3A_276 : vector<16xf32> to vector<16xf32>
    tpu.vector_store %arg7[%swap3A_277], %swap3A_280 {strides = array<i32>} : memref<128xf32, #tpu.memory_space<vmem>>, vector<16xf32>,
    %broadcast_in_dim3A_281 = arith.constant 1.000000e+00 : f32
    %broadcast_in_dim3A_282 = vector.broadcast %broadcast_in_dim3A_281 : f32 to vector<16xf32>
    %swap3A_283 = arith.constant 112 : index
    %swap3A_284 = tpu.vector_load %arg7[%swap3A_283] {strides = array<i32>} : memref<128xf32, #tpu.memory_space<vmem>>, vector<16xf32>,
    %swap3A_285 = vector.shape_cast %swap3A_284 : vector<16xf32> to vector<16xf32>
    %swap3A_286 = vector.shape_cast %broadcast_in_dim3A_282 : vector<16xf32> to vector<16xf32>
    tpu.vector_store %arg7[%swap3A_283], %swap3A_286 {strides = array<i32>} : memref<128xf32, #tpu.memory_space<vmem>>, vector<16xf32>,
    %mul3A_287 = arith.constant 640 : i32
    %mul3A_288 = arith.muli %arg1, %mul3A_287 : i32
    "tpu.region"() ({
      %run_scoped3A = tpu.sem_alloc : memref<!tpu.dma_semaphore, #tpu.memory_space<semaphore_mem>>
      %dma_start3A = tpu.memref_slice %arg4[%mul3A_288] : memref<10240xf32, #tpu.memory_space<vmem_shared>> -> memref<640xf32, #tpu.memory_space<vmem_shared>>
      %dma_start3A_302 = tpu.memref_slice %arg4[%mul3A_288] : memref<10240xf32, #tpu.memory_space<vmem_shared>> -> memref<640xf32, #tpu.memory_space<vmem_shared>>
      tpu.enqueue_dma source(%arg5 : memref<640xf32, #tpu.memory_space<vmem>>) target(%dma_start3A_302 : memref<640xf32, #tpu.memory_space<vmem_shared>>) target_semaphore(%run_scoped3A : memref<!tpu.dma_semaphore, #tpu.memory_space<semaphore_mem>>)
      %dma_wait3A = tpu.memref_slice %arg4[%mul3A_288] : memref<10240xf32, #tpu.memory_space<vmem_shared>> -> memref<640xf32, #tpu.memory_space<vmem_shared>>
      %dma_wait3A_303 = tpu.memref_slice %arg4[%mul3A_288] : memref<10240xf32, #tpu.memory_space<vmem_shared>> -> memref<640xf32, #tpu.memory_space<vmem_shared>>
      tpu.wait_dma2 semaphore(%run_scoped3A : memref<!tpu.dma_semaphore, #tpu.memory_space<semaphore_mem>>) src(%arg5 : memref<640xf32, #tpu.memory_space<vmem>>) dst(%dma_wait3A_303 : memref<640xf32, #tpu.memory_space<vmem_shared>>)
      tpu.yield
    }) : () -> ()
    %barrier3A = arith.constant 0 : index
    tpu.barrier barrier_id(%barrier3A)
    %scan3A = arith.constant 0 : i32
    %scan3A_289 = arith.constant 0 : i32
    %scan3A_290 = arith.constant 79 : i32
    %scan3A_291 = arith.addi %scan3A_289, %scan3A_290 : i32
    %scan3A_292 = arith.constant 1 : i32
    scf.for %scan3A_302 = %scan3A_289 to %scan3A_291 step %scan3A_292  : i32 {
      %mul3A_303 = arith.constant 32 : i32
      %mul3A_304 = arith.muli %scan3A_302, %mul3A_303 : i32
      %add3A_305 = arith.addi %mul3A_304, %add3A : i32
      %lt3A = arith.constant 2500 : i32
      %lt3A_306 = arith.cmpi slt, %add3A_305, %lt3A : i32
      %convert_element_type3A = arith.extui %lt3A_306 : i1 to i32
      %cond3A = arith.constant 0 : i32
      %cond3A_307 = arith.cmpi ne, %convert_element_type3A, %cond3A : i32
      scf.if %cond3A_307 {
        %mul3A_308 = arith.constant 128 : i32
        %mul3A_309 = arith.muli %add3A_305, %mul3A_308 : i32
        "tpu.region"() ({
          %run_scoped3A = tpu.sem_alloc : memref<!tpu.dma_semaphore, #tpu.memory_space<semaphore_mem>>
          %dma_start3A = tpu.memref_slice %arg2[%mul3A_309] : memref<320000xi32, #tpu.memory_space<hbm>> -> memref<128xi32, #tpu.memory_space<hbm>>
          %dma_start3A_310 = tpu.memref_slice %arg2[%mul3A_309] : memref<320000xi32, #tpu.memory_space<hbm>> -> memref<128xi32, #tpu.memory_space<hbm>>
          tpu.enqueue_dma source(%dma_start3A_310 : memref<128xi32, #tpu.memory_space<hbm>>) target(%arg6 : memref<128xi32, #tpu.memory_space<vmem>>) target_semaphore(%run_scoped3A : memref<!tpu.dma_semaphore, #tpu.memory_space<semaphore_mem>>)
          %dma_wait3A = tpu.memref_slice %arg2[%mul3A_309] : memref<320000xi32, #tpu.memory_space<hbm>> -> memref<128xi32, #tpu.memory_space<hbm>>
          %dma_wait3A_311 = tpu.memref_slice %arg2[%mul3A_309] : memref<320000xi32, #tpu.memory_space<hbm>> -> memref<128xi32, #tpu.memory_space<hbm>>
          tpu.wait_dma2 semaphore(%run_scoped3A : memref<!tpu.dma_semaphore, #tpu.memory_space<semaphore_mem>>) src(%dma_wait3A_311 : memref<128xi32, #tpu.memory_space<hbm>>) dst(%arg6 : memref<128xi32, #tpu.memory_space<vmem>>)
          tpu.yield
        }) : () -> ()
        "tpu.region"() ({
          %run_scoped3A = tpu.sem_alloc : memref<!tpu.dma_semaphore, #tpu.memory_space<semaphore_mem>>
          %dma_start3A = arith.constant 0 : i32
          %dma_start3A_310 = tpu.memref_slice %arg4[%dma_start3A] : memref<10240xf32, #tpu.memory_space<vmem_shared>> -> memref<10240xf32, #tpu.memory_space<vmem_shared>>
          tpu.enqueue_indirect_dma source(%arg7 : memref<128xf32, #tpu.memory_space<vmem>>) target(%dma_start3A_310 : memref<10240xf32, #tpu.memory_space<vmem_shared>>) offsets(%arg6 : memref<128xi32, #tpu.memory_space<vmem>>) semaphore(%run_scoped3A : memref<!tpu.dma_semaphore, #tpu.memory_space<semaphore_mem>>) {add = true}
          %dma_wait3A = arith.constant 0 : i32
          %dma_wait3A_311 = tpu.memref_slice %arg4[%dma_wait3A] : memref<10240xf32, #tpu.memory_space<vmem_shared>> -> memref<10240xf32, #tpu.memory_space<vmem_shared>>
          tpu.wait_indirect_dma semaphore(%run_scoped3A : memref<!tpu.dma_semaphore, #tpu.memory_space<semaphore_mem>>) src(%arg7 : memref<128xf32, #tpu.memory_space<vmem>>) dst(%dma_wait3A_311 : memref<10240xf32, #tpu.memory_space<vmem_shared>>)
          tpu.yield
        }) : () -> ()
      } else {
      }
    }
    %scan3A_293 = arith.constant 79 : i32
    %barrier3A_294 = arith.constant 0 : index
    tpu.barrier barrier_id(%barrier3A_294)
    %mul3A_295 = arith.constant 640 : i32
    %mul3A_296 = arith.muli %arg1, %mul3A_295 : i32
    "tpu.region"() ({
      %run_scoped3A = tpu.sem_alloc : memref<!tpu.dma_semaphore, #tpu.memory_space<semaphore_mem>>
      %dma_start3A = tpu.memref_slice %arg4[%mul3A_296] : memref<10240xf32, #tpu.memory_space<vmem_shared>> -> memref<640xf32, #tpu.memory_space<vmem_shared>>
      %dma_start3A_302 = tpu.memref_slice %arg4[%mul3A_296] : memref<10240xf32, #tpu.memory_space<vmem_shared>> -> memref<640xf32, #tpu.memory_space<vmem_shared>>
      tpu.enqueue_dma source(%dma_start3A_302 : memref<640xf32, #tpu.memory_space<vmem_shared>>) target(%arg5 : memref<640xf32, #tpu.memory_space<vmem>>) target_semaphore(%run_scoped3A : memref<!tpu.dma_semaphore, #tpu.memory_space<semaphore_mem>>)
      %dma_wait3A = tpu.memref_slice %arg4[%mul3A_296] : memref<10240xf32, #tpu.memory_space<vmem_shared>> -> memref<640xf32, #tpu.memory_space<vmem_shared>>
      %dma_wait3A_303 = tpu.memref_slice %arg4[%mul3A_296] : memref<10240xf32, #tpu.memory_space<vmem_shared>> -> memref<640xf32, #tpu.memory_space<vmem_shared>>
      tpu.wait_dma2 semaphore(%run_scoped3A : memref<!tpu.dma_semaphore, #tpu.memory_space<semaphore_mem>>) src(%dma_wait3A_303 : memref<640xf32, #tpu.memory_space<vmem_shared>>) dst(%arg5 : memref<640xf32, #tpu.memory_space<vmem>>)
      tpu.yield
    }) : () -> ()
    %mul3A_297 = arith.constant 10240 : i32
    %mul3A_298 = arith.muli %arg0, %mul3A_297 : i32
    %mul3A_299 = arith.constant 640 : i32
    %mul3A_300 = arith.muli %arg1, %mul3A_299 : i32
    %add3A_301 = arith.addi %mul3A_298, %mul3A_300 : i32
    "tpu.region"() ({
      %run_scoped3A = tpu.sem_alloc : memref<!tpu.dma_semaphore, #tpu.memory_space<semaphore_mem>>
      %dma_start3A = tpu.memref_slice %arg3[%add3A_301] : memref<20480xf32, #tpu.memory_space<hbm>> -> memref<640xf32, #tpu.memory_space<hbm>>
      %dma_start3A_302 = tpu.memref_slice %arg3[%add3A_301] : memref<20480xf32, #tpu.memory_space<hbm>> -> memref<640xf32, #tpu.memory_space<hbm>>
      tpu.enqueue_dma source(%arg5 : memref<640xf32, #tpu.memory_space<vmem>>) target(%dma_start3A_302 : memref<640xf32, #tpu.memory_space<hbm>>) target_semaphore(%run_scoped3A : memref<!tpu.dma_semaphore, #tpu.memory_space<semaphore_mem>>)
      %dma_wait3A = tpu.memref_slice %arg3[%add3A_301] : memref<20480xf32, #tpu.memory_space<hbm>> -> memref<640xf32, #tpu.memory_space<hbm>>
      %dma_wait3A_303 = tpu.memref_slice %arg3[%add3A_301] : memref<20480xf32, #tpu.memory_space<hbm>> -> memref<640xf32, #tpu.memory_space<hbm>>
      tpu.wait_dma2 semaphore(%run_scoped3A : memref<!tpu.dma_semaphore, #tpu.memory_space<semaphore_mem>>) src(%arg5 : memref<640xf32, #tpu.memory_space<vmem>>) dst(%dma_wait3A_303 : memref<640xf32, #tpu.memory_space<hbm>>)
      tpu.yield
    }) : () -> ()
    return
  }
}

module attributes {stable_mosaic.version = 14 : i64} {
  func.func @_tc1_body(%arg0: i32, %arg1: memref<1000x128xf32, #tpu.memory_space<vmem>>, %arg2: memref<1000x32xf32, #tpu.memory_space<vmem>>, %arg3: memref<1000x1xf32, #tpu.memory_space<vmem>>, %arg4: memref<1000x1xf32, #tpu.memory_space<vmem>>, %arg5: memref<160x256xf32, #tpu.memory_space<vmem>>, %arg6: memref<1000x128xf32, #tpu.memory_space<vmem>>, %arg7: memref<1000x128xf32, #tpu.memory_space<vmem>>) attributes {dimension_semantics = [#tpu.dimension_semantics<arbitrary>], iteration_bounds = array<i64: 10>, scalar_prefetch = 0 : i64, scratch_operands = 0 : i64, tpu.core_type = #tpu.core_type<tc>, window_params = [{transform_indices = @transform_0, window_bounds = array<i64: 1000, 128>}, {transform_indices = @transform_1, window_bounds = array<i64: 1000, 32>}, {transform_indices = @transform_2, window_bounds = array<i64: 1000, 1>}, {transform_indices = @transform_3, window_bounds = array<i64: 1000, 1>}, {pipeline_mode = #tpu.pipeline_mode<synchronous>, transform_indices = @transform_4, window_bounds = array<i64: 160, 256>}, {transform_indices = @transform_5, window_bounds = array<i64: 1000, 128>}, {transform_indices = @transform_6, window_bounds = array<i64: 1000, 128>}]} {
    %get3A = arith.constant 0 : index
    %get3A_0 = arith.constant 0 : index
    %get3A_1 = vector.load %arg3[%get3A, %get3A_0] : memref<1000x1xf32, #tpu.memory_space<vmem>>, vector<1000x1xf32>
    %get3A_2 = arith.constant 0 : index
    %get3A_3 = arith.constant 0 : index
    %get3A_4 = vector.load %arg4[%get3A_2, %get3A_3] : memref<1000x1xf32, #tpu.memory_space<vmem>>, vector<1000x1xf32>
    %add3A = arith.addf %get3A_1, %get3A_4 : vector<1000x1xf32>
    %add3A_5 = arith.constant 1.000000e+00 : f32
    %add3A_6 = vector.broadcast %add3A_5 : f32 to vector<1000x1xf32>
    %add3A_7 = arith.addf %add3A, %add3A_6 : vector<1000x1xf32>
    %rsqrt3A = math.rsqrt %add3A_7 : vector<1000x1xf32>
    %get3A_8 = arith.constant 0 : index
    %get3A_9 = arith.constant 0 : index
    %get3A_10 = vector.load %arg1[%get3A_8, %get3A_9] : memref<1000x128xf32, #tpu.memory_space<vmem>>, vector<1000x128xf32>
    %get3A_11 = arith.constant 0 : index
    %get3A_12 = arith.constant 0 : index
    %get3A_13 = vector.load %arg5[%get3A_11, %get3A_12] : memref<160x256xf32, #tpu.memory_space<vmem>>, vector<128x256xf32>
    %dot_general3A = arith.constant dense<0.000000e+00> : vector<1000x256xf32>
    %dot_general3A_14 = tpu.matmul %get3A_10, %get3A_13, %dot_general3A {dimension_numbers = #tpu.dot_dimension_numbers<[1], [0], [0], [1], [0, 0, 1, 1], [], []>, transpose_lhs_hint = false} : vector<1000x128xf32>, vector<128x256xf32>, vector<1000x256xf32> -> vector<1000x256xf32>
    %get3A_15 = arith.constant 0 : index
    %get3A_16 = arith.constant 0 : index
    %get3A_17 = vector.load %arg2[%get3A_15, %get3A_16] : memref<1000x32xf32, #tpu.memory_space<vmem>>, vector<1000x32xf32>
    %get3A_18 = arith.constant 128 : index
    %get3A_19 = arith.constant 0 : index
    %get3A_20 = vector.load %arg5[%get3A_18, %get3A_19] : memref<160x256xf32, #tpu.memory_space<vmem>>, vector<32x256xf32>
    %dot_general3A_21 = arith.constant dense<0.000000e+00> : vector<1000x256xf32>
    %dot_general3A_22 = tpu.matmul %get3A_17, %get3A_20, %dot_general3A_21 {dimension_numbers = #tpu.dot_dimension_numbers<[1], [0], [0], [1], [0, 0, 1, 1], [], []>, transpose_lhs_hint = false} : vector<1000x32xf32>, vector<32x256xf32>, vector<1000x256xf32> -> vector<1000x256xf32>
    %add3A_23 = arith.addf %dot_general3A_14, %dot_general3A_22 : vector<1000x256xf32>
    %mul3A = vector.broadcast %rsqrt3A : vector<1000x1xf32> to vector<1000x256xf32>
    %mul3A_24 = arith.mulf %add3A_23, %mul3A : vector<1000x256xf32>
    %slice3A = vector.extract_strided_slice %mul3A_24 {offsets = [0, 0], sizes = [1000, 128], strides = [1, 1]} : vector<1000x256xf32> to vector<1000x128xf32>
    %swap3A = arith.constant 0 : index
    %swap3A_25 = arith.constant 0 : index
    %swap3A_26 = vector.load %arg6[%swap3A, %swap3A_25] : memref<1000x128xf32, #tpu.memory_space<vmem>>, vector<1000x128xf32>
    tpu.vector_store %arg6[%swap3A, %swap3A_25], %slice3A {strides = array<i32>} : memref<1000x128xf32, #tpu.memory_space<vmem>>, vector<1000x128xf32>,
    %slice3A_27 = vector.extract_strided_slice %mul3A_24 {offsets = [0, 128], sizes = [1000, 128], strides = [1, 1]} : vector<1000x256xf32> to vector<1000x128xf32>
    %swap3A_28 = arith.constant 0 : index
    %swap3A_29 = arith.constant 0 : index
    %swap3A_30 = vector.load %arg7[%swap3A_28, %swap3A_29] : memref<1000x128xf32, #tpu.memory_space<vmem>>, vector<1000x128xf32>
    tpu.vector_store %arg7[%swap3A_28, %swap3A_29], %slice3A_27 {strides = array<i32>} : memref<1000x128xf32, #tpu.memory_space<vmem>>, vector<1000x128xf32>,
    return
  }
  func.func @transform_0(%arg0: i32) -> (i32, i32) {
    %c0_i32 = arith.constant 0 : i32
    %c0_i32_0 = arith.constant 0 : i32
    return %arg0, %c0_i32 : i32, i32
  }
  func.func @transform_1(%arg0: i32) -> (i32, i32) {
    %c0_i32 = arith.constant 0 : i32
    %c0_i32_0 = arith.constant 0 : i32
    return %arg0, %c0_i32 : i32, i32
  }
  func.func @transform_2(%arg0: i32) -> (i32, i32) {
    %c0_i32 = arith.constant 0 : i32
    %c0_i32_0 = arith.constant 0 : i32
    return %arg0, %c0_i32 : i32, i32
  }
  func.func @transform_3(%arg0: i32) -> (i32, i32) {
    %c0_i32 = arith.constant 0 : i32
    %c0_i32_0 = arith.constant 0 : i32
    return %arg0, %c0_i32 : i32, i32
  }
  func.func @transform_4(%arg0: i32) -> (i32, i32) {
    %c0_i32 = arith.constant 0 : i32
    %c0_i32_0 = arith.constant 0 : i32
    %c0_i32_1 = arith.constant 0 : i32
    return %c0_i32, %c0_i32_0 : i32, i32
  }
  func.func @transform_5(%arg0: i32) -> (i32, i32) {
    %c0_i32 = arith.constant 0 : i32
    %c0_i32_0 = arith.constant 0 : i32
    return %arg0, %c0_i32 : i32, i32
  }
  func.func @transform_6(%arg0: i32) -> (i32, i32) {
    %c0_i32 = arith.constant 0 : i32
    %c0_i32_0 = arith.constant 0 : i32
    return %arg0, %c0_i32 : i32, i32
  }
}

module attributes {stable_mosaic.version = 14 : i64} {
  func.func @_tc2_body(%arg0: i32, %arg1: memref<1000x128xf32, #tpu.memory_space<vmem>>, %arg2: memref<1000x128xf32, #tpu.memory_space<vmem>>, %arg3: memref<1000x1xf32, #tpu.memory_space<vmem>>, %arg4: memref<1000x1xf32, #tpu.memory_space<vmem>>, %arg5: memref<1x256xf32, #tpu.memory_space<vmem>>, %arg6: memref<256x256xf32, #tpu.memory_space<vmem>>, %arg7: memref<1000x128xf32, #tpu.memory_space<vmem>>, %arg8: memref<1000x128xf32, #tpu.memory_space<vmem>>) attributes {dimension_semantics = [#tpu.dimension_semantics<arbitrary>], iteration_bounds = array<i64: 10>, scalar_prefetch = 0 : i64, scratch_operands = 0 : i64, tpu.core_type = #tpu.core_type<tc>, window_params = [{transform_indices = @transform_0, window_bounds = array<i64: 1000, 128>}, {transform_indices = @transform_1, window_bounds = array<i64: 1000, 128>}, {transform_indices = @transform_2, window_bounds = array<i64: 1000, 1>}, {transform_indices = @transform_3, window_bounds = array<i64: 1000, 1>}, {pipeline_mode = #tpu.pipeline_mode<synchronous>, transform_indices = @transform_4, window_bounds = array<i64: 1, 256>}, {pipeline_mode = #tpu.pipeline_mode<synchronous>, transform_indices = @transform_5, window_bounds = array<i64: 256, 256>}, {transform_indices = @transform_6, window_bounds = array<i64: 1000, 128>}, {transform_indices = @transform_7, window_bounds = array<i64: 1000, 128>}]} {
    %get3A = arith.constant 0 : index
    %get3A_0 = arith.constant 0 : index
    %get3A_1 = vector.load %arg3[%get3A, %get3A_0] : memref<1000x1xf32, #tpu.memory_space<vmem>>, vector<1000x1xf32>
    %get3A_2 = arith.constant 0 : index
    %get3A_3 = arith.constant 0 : index
    %get3A_4 = vector.load %arg4[%get3A_2, %get3A_3] : memref<1000x1xf32, #tpu.memory_space<vmem>>, vector<1000x1xf32>
    %add3A = arith.addf %get3A_1, %get3A_4 : vector<1000x1xf32>
    %add3A_5 = arith.constant 1.000000e+00 : f32
    %add3A_6 = vector.broadcast %add3A_5 : f32 to vector<1000x1xf32>
    %add3A_7 = arith.addf %add3A, %add3A_6 : vector<1000x1xf32>
    %rsqrt3A = math.rsqrt %add3A_7 : vector<1000x1xf32>
    %get3A_8 = arith.constant 0 : index
    %get3A_9 = arith.constant 0 : index
    %get3A_10 = vector.load %arg1[%get3A_8, %get3A_9] : memref<1000x128xf32, #tpu.memory_space<vmem>>, vector<1000x128xf32>
    %mul3A = vector.broadcast %rsqrt3A : vector<1000x1xf32> to vector<1000x128xf32>
    %mul3A_11 = arith.mulf %get3A_10, %mul3A : vector<1000x128xf32>
    %get3A_12 = arith.constant 0 : index
    %get3A_13 = arith.constant 0 : index
    %get3A_14 = vector.load %arg5[%get3A_12, %get3A_13] : memref<1x256xf32, #tpu.memory_space<vmem>>, vector<1x128xf32>
    %add3A_15 = vector.broadcast %get3A_14 : vector<1x128xf32> to vector<1000x128xf32>
    %add3A_16 = arith.addf %mul3A_11, %add3A_15 : vector<1000x128xf32>
    %max3A = arith.constant 0.000000e+00 : f32
    %max3A_17 = vector.broadcast %max3A : f32 to vector<1000x128xf32>
    %max3A_18 = arith.maximumf %add3A_16, %max3A_17 : vector<1000x128xf32>
    %get3A_19 = arith.constant 0 : index
    %get3A_20 = arith.constant 0 : index
    %get3A_21 = vector.load %arg2[%get3A_19, %get3A_20] : memref<1000x128xf32, #tpu.memory_space<vmem>>, vector<1000x128xf32>
    %mul3A_22 = vector.broadcast %rsqrt3A : vector<1000x1xf32> to vector<1000x128xf32>
    %mul3A_23 = arith.mulf %get3A_21, %mul3A_22 : vector<1000x128xf32>
    %get3A_24 = arith.constant 0 : index
    %get3A_25 = arith.constant 128 : index
    %get3A_26 = vector.load %arg5[%get3A_24, %get3A_25] : memref<1x256xf32, #tpu.memory_space<vmem>>, vector<1x128xf32>
    %add3A_27 = vector.broadcast %get3A_26 : vector<1x128xf32> to vector<1000x128xf32>
    %add3A_28 = arith.addf %mul3A_23, %add3A_27 : vector<1000x128xf32>
    %max3A_29 = arith.constant 0.000000e+00 : f32
    %max3A_30 = vector.broadcast %max3A_29 : f32 to vector<1000x128xf32>
    %max3A_31 = arith.maximumf %add3A_28, %max3A_30 : vector<1000x128xf32>
    %get3A_32 = arith.constant 0 : index
    %get3A_33 = arith.constant 0 : index
    %get3A_34 = vector.load %arg6[%get3A_32, %get3A_33] : memref<256x256xf32, #tpu.memory_space<vmem>>, vector<128x256xf32>
    %dot_general3A = arith.constant dense<0.000000e+00> : vector<1000x256xf32>
    %dot_general3A_35 = tpu.matmul %max3A_18, %get3A_34, %dot_general3A {dimension_numbers = #tpu.dot_dimension_numbers<[1], [0], [0], [1], [0, 0, 1, 1], [], []>, transpose_lhs_hint = false} : vector<1000x128xf32>, vector<128x256xf32>, vector<1000x256xf32> -> vector<1000x256xf32>
    %get3A_36 = arith.constant 128 : index
    %get3A_37 = arith.constant 0 : index
    %get3A_38 = vector.load %arg6[%get3A_36, %get3A_37] : memref<256x256xf32, #tpu.memory_space<vmem>>, vector<128x256xf32>
    %dot_general3A_39 = arith.constant dense<0.000000e+00> : vector<1000x256xf32>
    %dot_general3A_40 = tpu.matmul %max3A_31, %get3A_38, %dot_general3A_39 {dimension_numbers = #tpu.dot_dimension_numbers<[1], [0], [0], [1], [0, 0, 1, 1], [], []>, transpose_lhs_hint = false} : vector<1000x128xf32>, vector<128x256xf32>, vector<1000x256xf32> -> vector<1000x256xf32>
    %add3A_41 = arith.addf %dot_general3A_35, %dot_general3A_40 : vector<1000x256xf32>
    %mul3A_42 = vector.broadcast %rsqrt3A : vector<1000x1xf32> to vector<1000x256xf32>
    %mul3A_43 = arith.mulf %add3A_41, %mul3A_42 : vector<1000x256xf32>
    %slice3A = vector.extract_strided_slice %mul3A_43 {offsets = [0, 0], sizes = [1000, 128], strides = [1, 1]} : vector<1000x256xf32> to vector<1000x128xf32>
    %swap3A = arith.constant 0 : index
    %swap3A_44 = arith.constant 0 : index
    %swap3A_45 = vector.load %arg7[%swap3A, %swap3A_44] : memref<1000x128xf32, #tpu.memory_space<vmem>>, vector<1000x128xf32>
    tpu.vector_store %arg7[%swap3A, %swap3A_44], %slice3A {strides = array<i32>} : memref<1000x128xf32, #tpu.memory_space<vmem>>, vector<1000x128xf32>,
    %slice3A_46 = vector.extract_strided_slice %mul3A_43 {offsets = [0, 128], sizes = [1000, 128], strides = [1, 1]} : vector<1000x256xf32> to vector<1000x128xf32>
    %swap3A_47 = arith.constant 0 : index
    %swap3A_48 = arith.constant 0 : index
    %swap3A_49 = vector.load %arg8[%swap3A_47, %swap3A_48] : memref<1000x128xf32, #tpu.memory_space<vmem>>, vector<1000x128xf32>
    tpu.vector_store %arg8[%swap3A_47, %swap3A_48], %slice3A_46 {strides = array<i32>} : memref<1000x128xf32, #tpu.memory_space<vmem>>, vector<1000x128xf32>,
    return
  }
  func.func @transform_0(%arg0: i32) -> (i32, i32) {
    %c0_i32 = arith.constant 0 : i32
    %c0_i32_0 = arith.constant 0 : i32
    return %arg0, %c0_i32 : i32, i32
  }
  func.func @transform_1(%arg0: i32) -> (i32, i32) {
    %c0_i32 = arith.constant 0 : i32
    %c0_i32_0 = arith.constant 0 : i32
    return %arg0, %c0_i32 : i32, i32
  }
  func.func @transform_2(%arg0: i32) -> (i32, i32) {
    %c0_i32 = arith.constant 0 : i32
    %c0_i32_0 = arith.constant 0 : i32
    return %arg0, %c0_i32 : i32, i32
  }
  func.func @transform_3(%arg0: i32) -> (i32, i32) {
    %c0_i32 = arith.constant 0 : i32
    %c0_i32_0 = arith.constant 0 : i32
    return %arg0, %c0_i32 : i32, i32
  }
  func.func @transform_4(%arg0: i32) -> (i32, i32) {
    %c0_i32 = arith.constant 0 : i32
    %c0_i32_0 = arith.constant 0 : i32
    %c0_i32_1 = arith.constant 0 : i32
    return %c0_i32, %c0_i32_0 : i32, i32
  }
  func.func @transform_5(%arg0: i32) -> (i32, i32) {
    %c0_i32 = arith.constant 0 : i32
    %c0_i32_0 = arith.constant 0 : i32
    %c0_i32_1 = arith.constant 0 : i32
    return %c0_i32, %c0_i32_0 : i32, i32
  }
  func.func @transform_6(%arg0: i32) -> (i32, i32) {
    %c0_i32 = arith.constant 0 : i32
    %c0_i32_0 = arith.constant 0 : i32
    return %arg0, %c0_i32 : i32, i32
  }
  func.func @transform_7(%arg0: i32) -> (i32, i32) {
    %c0_i32 = arith.constant 0 : i32
    %c0_i32_0 = arith.constant 0 : i32
    return %arg0, %c0_i32 : i32, i32
  }
}

module attributes {stable_mosaic.version = 14 : i64} {
  func.func @_tc3_body(%arg0: i32, %arg1: memref<1000x128xf32, #tpu.memory_space<vmem>>, %arg2: memref<1000x128xf32, #tpu.memory_space<vmem>>, %arg3: memref<1000x1xf32, #tpu.memory_space<vmem>>, %arg4: memref<1000x1xf32, #tpu.memory_space<vmem>>, %arg5: memref<1x256xf32, #tpu.memory_space<vmem>>, %arg6: memref<256x256xf32, #tpu.memory_space<vmem>>, %arg7: memref<1x256xf32, #tpu.memory_space<vmem>>, %arg8: memref<1000x256xf32, #tpu.memory_space<vmem>>) attributes {dimension_semantics = [#tpu.dimension_semantics<arbitrary>], iteration_bounds = array<i64: 10>, scalar_prefetch = 0 : i64, scratch_operands = 0 : i64, tpu.core_type = #tpu.core_type<tc>, window_params = [{transform_indices = @transform_0, window_bounds = array<i64: 1000, 128>}, {transform_indices = @transform_1, window_bounds = array<i64: 1000, 128>}, {transform_indices = @transform_2, window_bounds = array<i64: 1000, 1>}, {transform_indices = @transform_3, window_bounds = array<i64: 1000, 1>}, {pipeline_mode = #tpu.pipeline_mode<synchronous>, transform_indices = @transform_4, window_bounds = array<i64: 1, 256>}, {pipeline_mode = #tpu.pipeline_mode<synchronous>, transform_indices = @transform_5, window_bounds = array<i64: 256, 256>}, {pipeline_mode = #tpu.pipeline_mode<synchronous>, transform_indices = @transform_6, window_bounds = array<i64: 1, 256>}, {transform_indices = @transform_7, window_bounds = array<i64: 1000, 256>}]} {
    %get3A = arith.constant 0 : index
    %get3A_0 = arith.constant 0 : index
    %get3A_1 = vector.load %arg3[%get3A, %get3A_0] : memref<1000x1xf32, #tpu.memory_space<vmem>>, vector<1000x1xf32>
    %get3A_2 = arith.constant 0 : index
    %get3A_3 = arith.constant 0 : index
    %get3A_4 = vector.load %arg4[%get3A_2, %get3A_3] : memref<1000x1xf32, #tpu.memory_space<vmem>>, vector<1000x1xf32>
    %add3A = arith.addf %get3A_1, %get3A_4 : vector<1000x1xf32>
    %add3A_5 = arith.constant 1.000000e+00 : f32
    %add3A_6 = vector.broadcast %add3A_5 : f32 to vector<1000x1xf32>
    %add3A_7 = arith.addf %add3A, %add3A_6 : vector<1000x1xf32>
    %rsqrt3A = math.rsqrt %add3A_7 : vector<1000x1xf32>
    %get3A_8 = arith.constant 0 : index
    %get3A_9 = arith.constant 0 : index
    %get3A_10 = vector.load %arg1[%get3A_8, %get3A_9] : memref<1000x128xf32, #tpu.memory_space<vmem>>, vector<1000x128xf32>
    %mul3A = vector.broadcast %rsqrt3A : vector<1000x1xf32> to vector<1000x128xf32>
    %mul3A_11 = arith.mulf %get3A_10, %mul3A : vector<1000x128xf32>
    %get3A_12 = arith.constant 0 : index
    %get3A_13 = arith.constant 0 : index
    %get3A_14 = vector.load %arg5[%get3A_12, %get3A_13] : memref<1x256xf32, #tpu.memory_space<vmem>>, vector<1x128xf32>
    %add3A_15 = vector.broadcast %get3A_14 : vector<1x128xf32> to vector<1000x128xf32>
    %add3A_16 = arith.addf %mul3A_11, %add3A_15 : vector<1000x128xf32>
    %max3A = arith.constant 0.000000e+00 : f32
    %max3A_17 = vector.broadcast %max3A : f32 to vector<1000x128xf32>
    %max3A_18 = arith.maximumf %add3A_16, %max3A_17 : vector<1000x128xf32>
    %get3A_19 = arith.constant 0 : index
    %get3A_20 = arith.constant 0 : index
    %get3A_21 = vector.load %arg2[%get3A_19, %get3A_20] : memref<1000x128xf32, #tpu.memory_space<vmem>>, vector<1000x128xf32>
    %mul3A_22 = vector.broadcast %rsqrt3A : vector<1000x1xf32> to vector<1000x128xf32>
    %mul3A_23 = arith.mulf %get3A_21, %mul3A_22 : vector<1000x128xf32>
    %get3A_24 = arith.constant 0 : index
    %get3A_25 = arith.constant 128 : index
    %get3A_26 = vector.load %arg5[%get3A_24, %get3A_25] : memref<1x256xf32, #tpu.memory_space<vmem>>, vector<1x128xf32>
    %add3A_27 = vector.broadcast %get3A_26 : vector<1x128xf32> to vector<1000x128xf32>
    %add3A_28 = arith.addf %mul3A_23, %add3A_27 : vector<1000x128xf32>
    %max3A_29 = arith.constant 0.000000e+00 : f32
    %max3A_30 = vector.broadcast %max3A_29 : f32 to vector<1000x128xf32>
    %max3A_31 = arith.maximumf %add3A_28, %max3A_30 : vector<1000x128xf32>
    %get3A_32 = arith.constant 0 : index
    %get3A_33 = arith.constant 0 : index
    %get3A_34 = vector.load %arg6[%get3A_32, %get3A_33] : memref<256x256xf32, #tpu.memory_space<vmem>>, vector<128x256xf32>
    %dot_general3A = arith.constant dense<0.000000e+00> : vector<1000x256xf32>
    %dot_general3A_35 = tpu.matmul %max3A_18, %get3A_34, %dot_general3A {dimension_numbers = #tpu.dot_dimension_numbers<[1], [0], [0], [1], [0, 0, 1, 1], [], []>, transpose_lhs_hint = false} : vector<1000x128xf32>, vector<128x256xf32>, vector<1000x256xf32> -> vector<1000x256xf32>
    %get3A_36 = arith.constant 128 : index
    %get3A_37 = arith.constant 0 : index
    %get3A_38 = vector.load %arg6[%get3A_36, %get3A_37] : memref<256x256xf32, #tpu.memory_space<vmem>>, vector<128x256xf32>
    %dot_general3A_39 = arith.constant dense<0.000000e+00> : vector<1000x256xf32>
    %dot_general3A_40 = tpu.matmul %max3A_31, %get3A_38, %dot_general3A_39 {dimension_numbers = #tpu.dot_dimension_numbers<[1], [0], [0], [1], [0, 0, 1, 1], [], []>, transpose_lhs_hint = false} : vector<1000x128xf32>, vector<128x256xf32>, vector<1000x256xf32> -> vector<1000x256xf32>
    %add3A_41 = arith.addf %dot_general3A_35, %dot_general3A_40 : vector<1000x256xf32>
    %get3A_42 = arith.constant 0 : index
    %get3A_43 = arith.constant 0 : index
    %get3A_44 = vector.load %arg7[%get3A_42, %get3A_43] : memref<1x256xf32, #tpu.memory_space<vmem>>, vector<1x256xf32>
    %add3A_45 = vector.broadcast %get3A_44 : vector<1x256xf32> to vector<1000x256xf32>
    %add3A_46 = arith.addf %add3A_41, %add3A_45 : vector<1000x256xf32>
    %swap3A = arith.constant 0 : index
    %swap3A_47 = arith.constant 0 : index
    %swap3A_48 = vector.load %arg8[%swap3A, %swap3A_47] : memref<1000x256xf32, #tpu.memory_space<vmem>>, vector<1000x256xf32>
    tpu.vector_store %arg8[%swap3A, %swap3A_47], %add3A_46 {strides = array<i32>} : memref<1000x256xf32, #tpu.memory_space<vmem>>, vector<1000x256xf32>,
    return
  }
  func.func @transform_0(%arg0: i32) -> (i32, i32) {
    %c0_i32 = arith.constant 0 : i32
    %c0_i32_0 = arith.constant 0 : i32
    return %arg0, %c0_i32 : i32, i32
  }
  func.func @transform_1(%arg0: i32) -> (i32, i32) {
    %c0_i32 = arith.constant 0 : i32
    %c0_i32_0 = arith.constant 0 : i32
    return %arg0, %c0_i32 : i32, i32
  }
  func.func @transform_2(%arg0: i32) -> (i32, i32) {
    %c0_i32 = arith.constant 0 : i32
    %c0_i32_0 = arith.constant 0 : i32
    return %arg0, %c0_i32 : i32, i32
  }
  func.func @transform_3(%arg0: i32) -> (i32, i32) {
    %c0_i32 = arith.constant 0 : i32
    %c0_i32_0 = arith.constant 0 : i32
    return %arg0, %c0_i32 : i32, i32
  }
  func.func @transform_4(%arg0: i32) -> (i32, i32) {
    %c0_i32 = arith.constant 0 : i32
    %c0_i32_0 = arith.constant 0 : i32
    %c0_i32_1 = arith.constant 0 : i32
    return %c0_i32, %c0_i32_0 : i32, i32
  }
  func.func @transform_5(%arg0: i32) -> (i32, i32) {
    %c0_i32 = arith.constant 0 : i32
    %c0_i32_0 = arith.constant 0 : i32
    %c0_i32_1 = arith.constant 0 : i32
    return %c0_i32, %c0_i32_0 : i32, i32
  }
  func.func @transform_6(%arg0: i32) -> (i32, i32) {
    %c0_i32 = arith.constant 0 : i32
    %c0_i32_0 = arith.constant 0 : i32
    %c0_i32_1 = arith.constant 0 : i32
    return %c0_i32, %c0_i32_0 : i32, i32
  }
  func.func @transform_7(%arg0: i32) -> (i32, i32) {
    %c0_i32 = arith.constant 0 : i32
    %c0_i32_0 = arith.constant 0 : i32
    return %arg0, %c0_i32 : i32, i32
  }
}

</mosaic_0001>

<sc_bundles>
// kernel: kernel.11.cloned.1.call-start
scs
__scs_entry_jumppad:
0x0: {  	(pc) =	sbr.rel $0x88, $3  }
0x1: {  	(tag) =	ssettag $0x0;
	lr =	simm.s32 $0x1  }
0x2: {  	[smem:$0x3F99] =	sst lr;
	_ =	strace $0xD0000000  }
0x3: {  	_ = 	snop  }
0x4: {  	_ = 	snop  }
0x5: {  	_ = 	snop  }
0x6: {  	_ = 	snop  }
0x7: {  	_ = 	snop  }
__scs_overlays_trampoline_lowered:
0x8: {  	[smem:$0x3FA8] =	sst s0  }
0x9: {  	[smem:$0x3FA9] =	sst s1  }
0xa: {  	[smem:$0x3FAA] =	sst s2  }
0xb: {  	[smem:$0x3FAB] =	sst s3  }
0xc: {  	[smem:$0x3FAC] =	sst s4  }
0xd: {  	[smem:$0x3FAD] =	sst s5  }
0xe: {  	[smem:$0x3FAE] =	sst s6  }
0xf: {  	[smem:$0x3FAF] =	sst s7  }
0x10: {  	[smem:$0x3FB0] =	sst s8  }
0x11: {  	[smem:$0x3FB1] =	sst s9;
	s0 =	simm.s32 @!p0 $0x0  }
0x12: {  	s1 =	sld [smem:$0x3F97];
	s0 =	simm.s32 @p0 $0x1  }
0x13: {  	[smem:$0x3FB2] =	sst s0;
	s0 =	simm.s32 @!p1 $0x0  }
0x14: {  	s2 =	sld [smem:$0x3F96];
	s0 =	simm.s32 @p1 $0x1  }
0x15: {  	[smem:$0x3FB3] =	sst s0;
	s0 =	simm.s32 @!p2 $0x0  }
0x16: {  	s3 =	sld [smem:$0x3FDB];
	s0 =	simm.s32 @p2 $0x1  }
0x17: {  	s4 =	simm.s32 $0x1BF5;
	[smem:$0x3FB5] =	sst s0  }
0x18: {  	s0 =	sld [smem:$0x3F98];
	_ =	swait.ge [sflag:s4], $0x0  }
0x19: {  	s7 =	sld [smem:$0x3F99]  }
0x1a: {  	s8 =	sadd.s32 $0xFFFFE003, lr  }
0x1b: {  	s9 =	sadd.s32 $0xFFFFFEF7, lr;
	s5 =	simm.s32 $0xFFFFFFFF;
	p2 =	slt.u32 s8, $0xFFFFF086  }
0x1c: {  	p1 =	slt.u32 s9, $0xF7A;
	s5 =	simm.s32 @!p2 $0x0  }
0x1d: {  	s5 =	simm.s32 @p1 $0x1;
	p0 =	seq.s32 s7, s2  }
0x1e: {  	s7 =	smul.u32 @!p0 $0xF7A, s2;
	p2 =	seq.s32 @!p0 s5, $0x0  }
0x1f: {  	s9 =	smul.u32 $0xF7A, s1;
	s8 =	simm.s32 @!p0 $0x1BF5;
	p2 =	por !p2, p0  }
0x20: {  	[sflag:s8] =	ssyncset.s32 @!p0 $0xFFFFF086;
	s6 =	sadd.s32 @!p0 s3, s7;
	s7 =	simm.s32 @!p0 $0x108  }
0x21: {  	s3 =	sadd.s32 s3, s9;
	s6 =	sadd.s32 @!p0 $0x88, s6;
	s7 =	simm.s32 @p2 $0x1082  }
0x22: {  	[simem:s7], [sflag:s8] =	dma.local @!p0 [hbm:s6], $0xF7A  }
0x23: {  	s9 =	sor.u32 $0xD0000000, s2;
	s6 =	simm.s32 $0x108;
	_ =	swait.ge @!p0 [sflag:s8], $0x0  }
0x24: {  	s3 =	sadd.s32 $0x88, s3;
	s6 =	simm.s32 @!p1 $0x1082;
	[sflag:s4] =	ssyncset.s32 $0xFFFFF086  }
0x25: {  	[simem:s6], [sflag:s4] =	dma.local [hbm:s3], $0xF7A  }
0x26: {  	[smem:$0x3F99] =	sst s1;
	(tag) =	ssettag s2;
	_ =	strace s9  }
0x27: {  	s1 =	sld [smem:$0x3FA9]  }
0x28: {  	s2 =	sld [smem:$0x3FAA]  }
0x29: {  	s4 =	sld [smem:$0x3FAC]  }
0x2a: {  	p0 =	seq.s32 s5, $0x0;
	s5 =	sld [smem:$0x3FAD]  }
0x2b: {  	s6 =	sld [smem:$0x3FAE]  }
0x2c: {  	s7 =	sld [smem:$0x3FAF]  }
0x2d: {  	s3 =	simm.s32 $0x108;
	s8 =	sld [smem:$0x3FB0]  }
0x2e: {  	s3 =	simm.s32 @!p0 $0x1082;
	s9 =	sld [smem:$0x3FB1]  }
0x2f: {  	lr =	sadd.s32 s0, s3;
	s0 =	sld [smem:$0x3FA8]  }
0x30: {  	s3 =	sld [smem:$0x3FAB]  }
0x31: {  	[smem:$0x3FB4] =	sst s10  }
0x32: {  	s10 =	sld [smem:$0x3FB2];
	_ =	sdelay $0x3  }
0x33: {  	p0 =	seq.s32 s10, $0x1;
	s10 =	sld [smem:$0x3FB4];
	_ =	sdelay $0x3  }
0x34: {  	[smem:$0x3FB4] =	sst s10  }
0x35: {  	s10 =	sld [smem:$0x3FB3];
	_ =	sdelay $0x3  }
0x36: {  	p1 =	seq.s32 s10, $0x1;
	s10 =	sld [smem:$0x3FB4];
	_ =	sdelay $0x3  }
0x37: {  	[smem:$0x3FB4] =	sst s10  }
0x38: {  	s10 =	sld [smem:$0x3FB5]  }
0x39: {  	_ = 	snop;
	(pc) =	sbr.ind lr, $3  }
0x3a: {  	_ = 	snop  }
0x3b: {  	_ = 	snop  }
0x3c: {  	p2 =	seq.s32 s10, $0x1;
	s10 =	sld [smem:$0x3FB4]  }
0x3d: {  	_ =	shalt  }
0x3e: {  	_ =	shalt  }
0x3f: {  	_ =	shalt  }
0x40: {  	_ =	shalt  }
0x41: {  	_ =	shalt  }
0x42: {  	_ =	shalt  }
0x43: {  	_ =	shalt  }
0x44: {  	_ =	shalt  }
0x45: {  	_ =	shalt  }
0x46: {  	_ =	shalt  }
0x47: {  	_ =	shalt  }
0x48: {  	_ =	shalt  }
0x49: {  	_ =	shalt  }
0x4a: {  	_ =	shalt  }
0x4b: {  	_ =	shalt  }
0x4c: {  	_ =	shalt  }
0x4d: {  	_ =	shalt  }
0x4e: {  	_ =	shalt  }
0x4f: {  	_ =	shalt  }
0x50: {  	_ =	shalt  }
0x51: {  	_ =	shalt  }
0x52: {  	_ =	shalt  }
0x53: {  	_ =	shalt  }
0x54: {  	_ =	shalt  }
0x55: {  	_ =	shalt  }
0x56: {  	_ =	shalt  }
0x57: {  	_ =	shalt  }
0x58: {  	_ =	shalt  }
0x59: {  	_ =	shalt  }
0x5a: {  	_ =	shalt  }
0x5b: {  	_ =	shalt  }
0x5c: {  	_ =	shalt  }
0x5d: {  	_ =	shalt  }
0x5e: {  	_ =	shalt  }
0x5f: {  	_ =	shalt  }
0x60: {  	_ =	shalt  }
0x61: {  	_ =	shalt  }
0x62: {  	_ =	shalt  }
0x63: {  	_ =	shalt  }
0x64: {  	_ =	shalt  }
0x65: {  	_ =	shalt  }
0x66: {  	_ =	shalt  }
0x67: {  	_ =	shalt  }
0x68: {  	_ =	shalt  }
0x69: {  	_ =	shalt  }
0x6a: {  	_ =	shalt  }
0x6b: {  	_ =	shalt  }
0x6c: {  	_ =	shalt  }
0x6d: {  	_ =	shalt  }
0x6e: {  	_ =	shalt  }
0x6f: {  	_ =	shalt  }
0x70: {  	_ =	shalt  }
0x71: {  	_ =	shalt  }
0x72: {  	_ =	shalt  }
0x73: {  	_ =	shalt  }
0x74: {  	_ =	shalt  }
0x75: {  	_ =	shalt  }
0x76: {  	_ =	shalt  }
0x77: {  	_ =	shalt  }
0x78: {  	_ =	shalt  }
0x79: {  	_ =	shalt  }
0x7a: {  	_ =	shalt  }
0x7b: {  	_ =	shalt  }
0x7c: {  	_ =	shalt  }
0x7d: {  	_ =	shalt  }
0x7e: {  	_ =	shalt  }
0x7f: {  	_ =	shalt  }
0x80: {  	_ =	shalt  }
0x81: {  	_ =	shalt  }
0x82: {  	_ =	shalt  }
0x83: {  	_ =	shalt  }
0x84: {  	_ =	shalt  }
0x85: {  	_ =	shalt  }
0x86: {  	_ =	shalt  }
0x87: {  	_ =	shalt  }
.Lfunc_end0:
.L_simem_size_0:
called_computation.1_lowered:
.L_overlay_start_0:
0x88: {  	s2 =	sld [smem:$0x3FD9]  }
0x89: {  	s3 =	sld [smem:$0x3FFE];
	_ =	sdelay $0x1  }
0x8a: {  	s1 =	srdreg.scid  }
0x8b: {  	s0 =	sand.u32 $0x1, s1  }
0x8c: {  	s16 =	sshll.u32 s0, $0xA;
	s2 =	sadd.s32 s3, s2  }
0x8d: {  	s2 =	sadd.s32 s2, s16  }
0x8e: {  	[smem:$0x3FC0] =	sst s2  }
0x8f: {  	_ = 	snop  }
0x90: {  	(tm) =	ssettm $0x1  }
0x91: {  	s17 =	sld [smem:$0x3FFB];
	_ =	sdelay $0x3  }
0x92: {  	_ =	strace s17  }
0x93: {  	s2 =	sld [smem:$0x3FFC];
	_ =	sdelay $0x3  }
0x94: {  	_ =	strace s2  }
0x95: {  	s2 =	sld [smem:$0x3FFD];
	_ =	sdelay $0x3  }
0x96: {  	_ =	strace s2  }
0x97: {  	_ =	strace $0x8FFFFFFF  }
0x98: {  	s18 =	sld [smem:$0x3FDB];
	_ =	sdelay $0x1  }
0x99: {  	s19 =	simm.s32 $_scs_section_size  }
0x9a: {  	s4 =	simm.s32 $_size__tile_overlayer_lowered;
	s5 =	simm.s32 $_tile_overlayer_lowered  }
0x9b: {  	s22 =	simm.s32 $0x1BFF;
	s21 =	sshll.u32 s5, $0x1;
	s2 =	sadd.s32 s19, s18  }
0x9c: {  	s6 =	simm.s32 $0x0;
	s20 =	sshll.u32 s4, $0x1;
	s4 =	sadd.s32 s21, s2  }
0x9d: {  	[timem:s6], [sflag:s22] =	dma.local [hbm:s4], s20  }
0x9e: {  	_ =	swait.ge [sflag:s22], s20  }
0x9f: {  	s3 =	ssub.s32 $0x0, s20;
	[sflag:s22] =	ssyncset.done $0x0  }
0xa0: {  	[sflag:s22] =	ssyncadd.s32 s3;
	_ =	sdelay $0x1  }
0xa1: {  	s23 =	simm.s32 $0x1B8B  }
0xa2: {  	_ =	swait.ge [sflag:s23], $0x1  }
0xa3: {  	[sflag:s23] =	ssyncset.done $0x0  }
0xa4: {  	s25 =	simm.s32 $0x1B8E;
	s24 =	sld [smem:$0x3FFE];
	[sflag:s23] =	ssyncadd.s32 $0xFFFFFFFF  }
0xa5: {  	s26 =	simm.s32 $execute0_lowered;
	[smem:$0x3FD2] =	sst s25  }
0xa6: {  	s4 =	sshll.u32 s26, $0x1;
	_ =	strace $0x80000049;
	[dreg:$0x1] =	wrdreg $0xFFFFFFFF  }
0xa7: {  	s28 =	simm.s32 $_size_execute0_lowered;
	s2 =	sadd.s32 s2, s4;
	[dreg:$0x0] =	wrdreg $0x0  }
0xa8: {  	s4 =	sshll.u32 s28, $0x1;
	[dreg:$0x2] =	wrdreg s2  }
0xa9: {  	[dreg:$0x3] =	wrdreg s4  }
0xaa: {  	[dreg:$0x4] =	wrdreg $0xC0  }
0xab: {  	_ =	task [dreg:s6], $0x5FFFF  }
0xac: {  	[dreg:$0x1] =	wrdreg $0xFFFFFFFF  }
0xad: {  	[dreg:$0x0] =	wrdreg $0x60  }
0xae: {  	[dreg:$0x2] =	wrdreg s24  }
0xaf: {  	[dreg:$0x3] =	wrdreg $0x0  }
0xb0: {  	[dreg:$0x4] =	wrdreg $0x9  }
0xb1: {  	_ =	task.clear_ibuf [dreg:s6], $0x5FFFF;
	_ =	strace $0x90000049  }
0xb2: {  	s29 =	simm.s32 $0x9;
	_ =	strace $0x8000004B  }
0xb3: {  	_ =	swait.ge [sflag:s29], $0x1  }
0xb4: {  	[sflag:s29] =	ssyncadd.s32 $0xFFFFFFFF  }
0xb5: {  	_ =	strace $0x9000004B  }
0xb6: {  	_ =	sfence  }
0xb7: {  	s30 =	sld [smem:$0x0];
	_ =	sdelay $0x2  }
0xb8: {  	s31 =	sshll.u32 s1, $0xD;
	s1 =	sshrl.u32 s1, $0x2  }
0xb9: {  	s3 =	sand.u32 $0x4000, s31;
	s1 =	sadd.s32 s1, s30  }
0xba: {  	s0 =	sor.u32 s3, s0;
	s1 =	sshll.u32 s1, $0x11  }
0xbb: {  	s0 =	sor.u32 s1, s0  }
0xbc: {  	s0 =	sadd.s32 $0x8F2B, s0  }
0xbd: {  	[sflag:s0] =	ssyncadd.remote.s32 $0x1  }
0xbe: {  	_ =	sfence.sel $0xFFFF  }
0xbf: {  	[dreg:$0x0] =	wrdreg $0xFFFFFFFF;
	(pc) =	sbr.abs _section_cstart, $3  }
0xc0: {  	[dreg:$0x1] =	wrdreg $0xFFFFFFFF  }
0xc1: {  	_ =	task.clear_ibuf [dreg:s6], $0x2FFFF;
	_ =	strace $0x9FFFFFFF  }
0xc2: {  	(tm) =	ssettm $0x7FFFFFFF  }
0xc3: {  	_ =	shalt  }
tec
execute0_lowered:
.L_overlay_start_1:
0x0: {  	(tag) =	ssettag $0x1  }
0x1: {  	s2 =	stileid.u32  }
0x2: {  	s18 =	smul.u32 $0x500, s2  }
0x3: {  	s9 =	smul.u32 $0xA000, s2;
	s7 =	sor.u32 $0x10, s2  }
0x4: {  	s20 =	smul.u32 $0x500, s7  }
0x5: {  	s0 =	rddreg [dreg:$0x0];
	s13 =	sor.u32 $0x20, s2;
	s12 =	smul.u32 $0xA000, s7  }
0x6: {  	s1 =	rddreg [dreg:$0x1];
	s3 =	simm.s32 $0x0;
	s21 =	smul.u32 $0x500, s13  }
0x7: {  	s4 =	sadd.s32 $0x3F600, s0;
	s29 =	sor.u32 $0x30, s2;
	s28 =	smul.u32 $0xA000, s13  }
0x8: {  	s5 =	sadd.s32 $0x66800, s0;
	s6 =	sshll.u32 s2, $0x4;
	s22 =	smul.u32 $0x500, s29  }
0x9: {  	s14 =	sor.u32 $0x40, s2;
	s19 =	sadd.s32 s6, s0;
	s31 =	smul.u32 $0xA000, s29  }
0xa: {  	s6 =	sadd.s32 $0x8DA00, s0;
	s7 =	sadd.s32 $0xB4C00, s0;
	s0 =	smul.u32 $0x500, s14  }
0xb: {  	s25 =	srdreg.scid;
	s15 =	sor.u32 $0x50, s2;
	s14 =	smul.u32 $0xA000, s14  }
0xc: {  	[smem:$0x7FF] =	sst s3;
	s8 =	sand.u32 $0x1, s25;
	s23 =	smul.u32 $0x500, s15  }
0xd: {  	s16 =	sor.u32 $0x60, s2;
	s24 =	sor.u32 $0x70, s2;
	s15 =	smul.u32 $0xA000, s15  }
0xe: {  	_ =	strace $0x8000004A;
	s10 =	ssub.s32 $0x2, s8;
	s17 =	smul.u32 $0xA000, s16  }
0xf: {  	p0 =	seq.s32 s8, $0x1;
	s25 =	smul.u32 $0xA000, s24;
	p1 =	sgt.u32 s24, $0x7C  }
0x10: {  	p2 =	slt.u32 s24, $0x7D;
	s11 =	sshrl.u32 s10, $0x1;
	s30 =	sshrl.u32 s9, $0x2  }
0x11: {  	s29 =	sadd.s32 s6, s18;
	s26 =	ssub.s32 s10, s11;
	s12 =	sshrl.u32 s12, $0x2  }
0x12: {  	s9 =	sadd.s32 s30, s1;
	s11 =	sshrl.u32 s28, $0x2;
	s13 =	sshrl.u32 s31, $0x2  }
0x13: {  	s14 =	sshrl.u32 s14, $0x2;
	s15 =	sshrl.u32 s15, $0x2;
	s17 =	sshrl.u32 s17, $0x2  }
0x14: {  	s25 =	sshrl.u32 s25, $0x2;
	s28 =	sadd.s32 s4, s18;
	[dreg:$0x5] =	wrdreg s29  }
0x15: {  	s30 =	sadd.s32 s5, s18;
	s18 =	sadd.s32 s7, s18;
	s31 =	sadd.s32 s4, s20  }
0x16: {  	s29 =	sadd.s32 s4, s21;
	s8 =	smax.u32 s26, $0x1;
	[dreg:$0x4] =	wrdreg s28  }
0x17: {  	s10 =	sadd.s32 s12, s1;
	s12 =	sadd.s32 s13, s1;
	[dreg:$0x6] =	wrdreg s30  }
0x18: {  	s13 =	sadd.s32 s14, s1;
	s14 =	sadd.s32 s15, s1;
	[dreg:$0x7] =	wrdreg s18  }
0x19: {  	s26 =	smul.u32 $0x500, s16;
	s15 =	sadd.s32 s17, s1;
	[dreg:$0x8] =	wrdreg s31  }
0x1a: {  	s16 =	smul.u32 $0x500, s24;
	s24 =	sadd.s32 s6, s20;
	[dreg:$0xc] =	wrdreg s29  }
0x1b: {  	s17 =	sadd.s32 s25, s1;
	s25 =	sadd.s32 s5, s20;
	[dreg:$0x9] =	wrdreg s24  }
0x1c: {  	s28 =	sadd.s32 s7, s20;
	[dreg:$0xa] =	wrdreg s25  }
0x1d: {  	s30 =	sadd.s32 s6, s21;
	[dreg:$0xb] =	wrdreg s28  }
0x1e: {  	s31 =	sadd.s32 s5, s21;
	[dreg:$0xd] =	wrdreg s30  }
0x1f: {  	s20 =	sadd.s32 s7, s21;
	[dreg:$0xe] =	wrdreg s31  }
0x20: {  	s21 =	sadd.s32 s4, s22;
	[dreg:$0xf] =	wrdreg s20  }
0x21: {  	s29 =	sadd.s32 s4, s0;
	[dreg:$0x10] =	wrdreg s21  }
0x22: {  	s24 =	sadd.s32 s6, s22;
	[dreg:$0x14] =	wrdreg s29  }
0x23: {  	s25 =	sadd.s32 s5, s22;
	[dreg:$0x11] =	wrdreg s24  }
0x24: {  	s28 =	sadd.s32 s7, s22;
	[dreg:$0x12] =	wrdreg s25  }
0x25: {  	s30 =	sadd.s32 s6, s0;
	[dreg:$0x13] =	wrdreg s28  }
0x26: {  	s31 =	sadd.s32 s5, s0;
	[dreg:$0x15] =	wrdreg s30  }
0x27: {  	s0 =	sadd.s32 s7, s0;
	[dreg:$0x16] =	wrdreg s31  }
0x28: {  	s20 =	sadd.s32 s4, s23;
	[dreg:$0x17] =	wrdreg s0  }
0x29: {  	s21 =	sadd.s32 s6, s23;
	[dreg:$0x18] =	wrdreg s20  }
0x2a: {  	s22 =	sadd.s32 s5, s23;
	[dreg:$0x19] =	wrdreg s21  }
0x2b: {  	s23 =	sadd.s32 s7, s23;
	[dreg:$0x1a] =	wrdreg s22  }
0x2c: {  	[dreg:$0x1b] =	wrdreg s23  }
0x2d: {  	s11 =	sadd.s32 s11, s1;
	s24 =	sadd.s32 s4, s26;
	[dreg:$0x3] =	wrdreg s16  }
0x2e: {  	s18 =	sadd.s32 $0xE600, s19;
	s25 =	sadd.s32 s6, s26;
	[dreg:$0x1c] =	wrdreg s24  }
.Ltmp0:
0x2f: {  	s28 =	sadd.s32 s5, s26;
	[dreg:$0x1d] =	wrdreg s25;
	(pc) =	sbr.rel .LBB2_1-.Ltmp0, $4  }
0x30: {  	s19 =	sadd.s32 $0x4800, s19;
	s29 =	sadd.s32 s7, s26;
	[dreg:$0x1e] =	wrdreg s28  }
0x31: {  	s30 =	sadd.s32 s4, s16;
	s31 =	sadd.s32 s5, s16;
	[dreg:$0x1f] =	wrdreg s29  }
0x32: {  	s22 =	simm.s32 $0x13880;
	s23 =	simm.s32 $0x3;
	[smem:$0x7FC] =	sst s30  }
0x33: {  	[smem:$0x7FD] =	sst s31;
	s24 =	simm.s32 $0x2;
	s25 =	simm.s32 $0x0  }
.LBB2_8:
0x34: {  	[tilespmem:s22], [sflag:$0x3] =	stream.linear.gather [spmem:s17], $0x2800, $0x38;
	[tilespmem:$0x1A180] =	vst v63  }
0x35: {  	_ =	swait.ge [sflag:s23], $0x2800  }
0x36: {  	[sflag:s23] =	ssyncset.done $0x0;
	s0 =	rddreg [dreg:$0x3]  }
0x37: {  	s0 =	sadd.s32 s26, s0;
	[sflag:s23] =	ssyncadd.s32 $0xFFFFD800  }
0x38: {  	[hbm4b:s0+s3] =	stream.linear.scatter [tilespmem:s22], [sflag:$0x2], $0x2800, $0x38;
	[tilespmem:$0x1A180] =	vst v63  }
0x39: {  	_ =	swait.ge [sflag:s24], $0x2800  }
0x3a: {  	[sflag:s24] =	ssyncset.done $0x0  }
0x3b: {  	[sflag:s24] =	ssyncadd.s32 $0xFFFFD800  }
.LBB2_9:
0x3c: {  	s25 =	sadd.s32 $0x1, s25  }
0x3d: {  	p3 =	sne.s32 s25, s8  }
.Ltmp1:
0x3e: {  	_ = 	snop;
	(pc) =	sbr.rel @!p3 .LBB2_10-.Ltmp1, $1  }
0x3f: {  	_ =	sdelay $0x3  }
.LBB2_1:
.Ltmp2:
0x40: {  	(pc) =	sbr.rel @!p0 .LBB2_2-.Ltmp2, $1  }
0x41: {  	_ =	sdelay $0x3  }
0x42: {  	s0 =	rddreg [dreg:$0x6]  }
0x43: {  	[tilespmem:s22], [sflag:$0x3] =	stream.linear.gather [hbm4b:s0+s3], $0x2800, $0x38;
	[tilespmem:$0x1A180] =	vst v63  }
0x44: {  	_ =	swait.ge [sflag:s23], $0x2800  }
0x45: {  	[sflag:s23] =	ssyncset.done $0x0  }
0x46: {  	[sflag:s23] =	ssyncadd.s32 $0xFFFFD800  }
0x47: {  	[spmem:s9] =	stream.linear.scatter [tilespmem:s22], [sflag:$0x2], $0x2800, $0x38;
	[tilespmem:$0x1A180] =	vst v63  }
0x48: {  	_ =	swait.ge [sflag:s24], $0x2800  }
0x49: {  	[sflag:s24] =	ssyncset.done $0x0  }
0x4a: {  	s31 =	rddreg [dreg:$0xa];
	[sflag:s24] =	ssyncadd.s32 $0xFFFFD800  }
0x4b: {  	[tilespmem:s22], [sflag:$0x3] =	stream.linear.gather [hbm4b:s31+s3], $0x2800, $0x38;
	[tilespmem:$0x1A180] =	vst v63  }
0x4c: {  	_ =	swait.ge [sflag:s23], $0x2800  }
0x4d: {  	[sflag:s23] =	ssyncset.done $0x0  }
0x4e: {  	[sflag:s23] =	ssyncadd.s32 $0xFFFFD800  }
0x4f: {  	[spmem:s10] =	stream.linear.scatter [tilespmem:s22], [sflag:$0x2], $0x2800, $0x38;
	[tilespmem:$0x1A180] =	vst v63  }
0x50: {  	_ =	swait.ge [sflag:s24], $0x2800  }
0x51: {  	[sflag:s24] =	ssyncset.done $0x0  }
0x52: {  	s16 =	rddreg [dreg:$0xe];
	[sflag:s24] =	ssyncadd.s32 $0xFFFFD800  }
0x53: {  	[tilespmem:s22], [sflag:$0x3] =	stream.linear.gather [hbm4b:s16+s3], $0x2800, $0x38;
	[tilespmem:$0x1A180] =	vst v63  }
0x54: {  	_ =	swait.ge [sflag:s23], $0x2800  }
0x55: {  	[sflag:s23] =	ssyncset.done $0x0  }
0x56: {  	[sflag:s23] =	ssyncadd.s32 $0xFFFFD800  }
0x57: {  	[spmem:s11] =	stream.linear.scatter [tilespmem:s22], [sflag:$0x2], $0x2800, $0x38;
	[tilespmem:$0x1A180] =	vst v63  }
0x58: {  	_ =	swait.ge [sflag:s24], $0x2800  }
0x59: {  	[sflag:s24] =	ssyncset.done $0x0  }
0x5a: {  	s20 =	rddreg [dreg:$0x12];
	[sflag:s24] =	ssyncadd.s32 $0xFFFFD800  }
0x5b: {  	[tilespmem:s22], [sflag:$0x3] =	stream.linear.gather [hbm4b:s20+s3], $0x2800, $0x38;
	[tilespmem:$0x1A180] =	vst v63  }
0x5c: {  	_ =	swait.ge [sflag:s23], $0x2800  }
0x5d: {  	[sflag:s23] =	ssyncset.done $0x0  }
0x5e: {  	[sflag:s23] =	ssyncadd.s32 $0xFFFFD800  }
0x5f: {  	[spmem:s12] =	stream.linear.scatter [tilespmem:s22], [sflag:$0x2], $0x2800, $0x38;
	[tilespmem:$0x1A180] =	vst v63  }
0x60: {  	_ =	swait.ge [sflag:s24], $0x2800  }
0x61: {  	[sflag:s24] =	ssyncset.done $0x0  }
0x62: {  	s21 =	rddreg [dreg:$0x16];
	[sflag:s24] =	ssyncadd.s32 $0xFFFFD800  }
0x63: {  	[tilespmem:s22], [sflag:$0x3] =	stream.linear.gather [hbm4b:s21+s3], $0x2800, $0x38;
	[tilespmem:$0x1A180] =	vst v63  }
0x64: {  	_ =	swait.ge [sflag:s23], $0x2800  }
0x65: {  	[sflag:s23] =	ssyncset.done $0x0  }
0x66: {  	[sflag:s23] =	ssyncadd.s32 $0xFFFFD800  }
0x67: {  	[spmem:s13] =	stream.linear.scatter [tilespmem:s22], [sflag:$0x2], $0x2800, $0x38;
	[tilespmem:$0x1A180] =	vst v63  }
0x68: {  	_ =	swait.ge [sflag:s24], $0x2800  }
0x69: {  	[sflag:s24] =	ssyncset.done $0x0  }
0x6a: {  	s26 =	rddreg [dreg:$0x1a];
	[sflag:s24] =	ssyncadd.s32 $0xFFFFD800  }
0x6b: {  	[tilespmem:s22], [sflag:$0x3] =	stream.linear.gather [hbm4b:s26+s3], $0x2800, $0x38;
	[tilespmem:$0x1A180] =	vst v63  }
0x6c: {  	_ =	swait.ge [sflag:s23], $0x2800  }
0x6d: {  	[sflag:s23] =	ssyncset.done $0x0  }
0x6e: {  	[sflag:s23] =	ssyncadd.s32 $0xFFFFD800  }
0x6f: {  	[spmem:s14] =	stream.linear.scatter [tilespmem:s22], [sflag:$0x2], $0x2800, $0x38;
	[tilespmem:$0x1A180] =	vst v63  }
0x70: {  	_ =	swait.ge [sflag:s24], $0x2800  }
0x71: {  	[sflag:s24] =	ssyncset.done $0x0  }
0x72: {  	s31 =	rddreg [dreg:$0x1e];
	[sflag:s24] =	ssyncadd.s32 $0xFFFFD800  }
0x73: {  	[tilespmem:s22], [sflag:$0x3] =	stream.linear.gather [hbm4b:s31+s3], $0x2800, $0x38;
	[tilespmem:$0x1A180] =	vst v63  }
0x74: {  	_ =	swait.ge [sflag:s23], $0x2800  }
0x75: {  	[sflag:s23] =	ssyncset.done $0x0  }
0x76: {  	[sflag:s23] =	ssyncadd.s32 $0xFFFFD800  }
0x77: {  	[spmem:s15] =	stream.linear.scatter [tilespmem:s22], [sflag:$0x2], $0x2800, $0x38;
	[tilespmem:$0x1A180] =	vst v63  }
0x78: {  	_ =	swait.ge [sflag:s24], $0x2800  }
0x79: {  	s20 =	sld [smem:$0x7FD]  }
0x7a: {  	[sflag:s24] =	ssyncset.done $0x0  }
0x7b: {  	s0 =	simm.s32 @!p1 $0x0;
	s16 =	simm.s32 @!p1 $0x13880;
	[sflag:s24] =	ssyncadd.s32 $0xFFFFD800  }
0x7c: {  	[tilespmem:s16], [sflag:$0x3] =	stream.linear.gather @!p1 [hbm4b:s20+s0], $0x2800, $0x38;
	[tilespmem:$0x1A180] =	vst v63  }
0x7d: {  	s0 =	simm.s32 @!p1 $0x3  }
0x7e: {  	_ =	swait.ge @!p1 [sflag:s0], $0x2800  }
0x7f: {  	[sflag:s0] =	ssyncset.done @!p1 $0x0  }
0x80: {  	[sflag:s0] =	ssyncadd.s32 @!p1 $0xFFFFD800;
	s0 =	simm.s32 @!p1 $0x2  }
0x81: {  	[spmem:s17] =	stream.linear.scatter @!p1 [tilespmem:s16], [sflag:$0x2], $0x2800, $0x38;
	[tilespmem:$0x1A180] =	vst v63  }
0x82: {  	_ =	swait.ge @!p1 [sflag:s0], $0x2800  }
0x83: {  	p3 =	sgt.u32 s2, $0x9C3;
	[sflag:s0] =	ssyncset.done @!p1 $0x0  }
0x84: {  	s21 =	simm.s32 @!p3 $0x3;
	s20 =	simm.s32 @!p3 $0x16080;
	[sflag:s0] =	ssyncadd.s32 @!p1 $0xFFFFD800  }
0x85: {  	s16 =	simm.s32 @!p3 $0x0;
	s0 =	sadd.s32 @!p3 $0x0, s19;
	[bflag:$0x0] =	sbarrier.arrive $0xFFFF  }
0x86: {  	[tilespmem:s20], [sflag:$0x3] =	stream.linear.gather @!p3 [hbm4b:s0+s16], $0x80, $0x38;
	[tilespmem:$0x1A180] =	vst v63  }
0x87: {  	_ =	swait.ge @!p3 [sflag:s21], $0x80  }
0x88: {  	[sflag:s21] =	ssyncset.done @!p3 $0x0  }
0x89: {  	s26 =	simm.s32 @!p3 $0x16100;
	s0 =	sadd.s32 @!p3 $0x0, s18;
	[sflag:s21] =	ssyncadd.s32 @!p3 $0xFFFFFF80  }
0x8a: {  	[tilespmem:s26], [sflag:$0x3] =	stream.linear.gather @!p3 [hbm4b:s0+s16], $0x80, $0x38;
	[tilespmem:$0x1A180] =	vst v63  }
0x8b: {  	_ =	swait.ge @!p3 [sflag:s21], $0x80;
	p3 =	por p3, p3  }
0x8c: {  	[sflag:s21] =	ssyncset.done @!p3 $0x0  }
0x8d: {  	s0 =	simm.s32 @!p3 $0x80;
	s16 =	simm.s32 @!p3 $0x16180;
	[sflag:s21] =	ssyncadd.s32 @!p3 $0xFFFFFF80  }
0x8e: {  	[tilespmem:s16], [sflag:$0x1] =	stream.indirect.gather @!p3 [hbm4b:s5+s0], $0x80, s20, s0, $0xb8;
	[tilespmem:$0x1A180] =	vst v63  }
0x8f: {  	s20 =	simm.s32 @!p3 $0x1  }
0x90: {  	_ =	swait.ge @!p3 [sflag:s20], $0x4000  }
0x91: {  	s28 =	sadd.s32 $0x10, s2;
	[sflag:s20] =	ssyncset.done @!p3 $0x0  }
0x92: {  	s29 =	simm.s32 $0x200;
	s30 =	simm.s32 @!p3 $0x2;
	[sflag:s20] =	ssyncadd.s32 @!p3 $0xFFFFC000  }
0x93: {  	[spmem:s1] =	stream.indirect.scatter.add.f32 @!p3 [tilespmem:s16], [sflag:$0x2], $0x80, s26, s0, $0xb8;
	[tilespmem:$0x1A180] =	vst v63  }
0x94: {  	p4 =	sgt.u32 s28, $0x9C3;
	s26 =	simm.s32 $0x100;
	_ =	swait.ge @!p3 [sflag:s30], $0x4000  }
.LBB2_6:
0x95: {  	s0 =	sadd.s32 @!p4 s26, s19;
	s16 =	simm.s32 @!p4 $0x0;
	[sflag:s30] =	ssyncset.done @!p3 $0x0  }
0x96: {  	s20 =	simm.s32 @!p4 $0x16080;
	s21 =	simm.s32 @!p4 $0x3;
	[sflag:s30] =	ssyncadd.s32 @!p3 $0xFFFFC000  }
0x97: {  	[tilespmem:s20], [sflag:$0x3] =	stream.linear.gather @!p4 [hbm4b:s0+s16], $0x80, $0x38;
	[tilespmem:$0x1A180] =	vst v63  }
0x98: {  	s0 =	smov.u32 s29;
	s29 =	sadd.s32 $0x100, s29;
	_ =	swait.ge @!p4 [sflag:s21], $0x80  }
0x99: {  	s31 =	simm.s32 @!p4 $0x16100;
	s30 =	sadd.s32 @!p4 s26, s18;
	[sflag:s21] =	ssyncset.done @!p4 $0x0  }
0x9a: {  	p5 =	sne.s32 s29, $0x9D00;
	s26 =	smov.u32 s0;
	[sflag:s21] =	ssyncadd.s32 @!p4 $0xFFFFFF80  }
0x9b: {  	[tilespmem:s31], [sflag:$0x3] =	stream.linear.gather @!p4 [hbm4b:s30+s16], $0x80, $0x38;
	[tilespmem:$0x1A180] =	vst v63  }
0x9c: {  	p3 =	por p4, p4;
	_ =	swait.ge @!p4 [sflag:s21], $0x80  }
0x9d: {  	s0 =	simm.s32 @!p3 $0x80;
	s16 =	simm.s32 @!p3 $0x16180;
	[sflag:s21] =	ssyncset.done @!p3 $0x0  }
0x9e: {  	[sflag:s21] =	ssyncadd.s32 @!p3 $0xFFFFFF80;
	s21 =	simm.s32 @!p3 $0x1  }
0x9f: {  	[tilespmem:s16], [sflag:$0x1] =	stream.indirect.gather @!p3 [hbm4b:s5+s0], $0x80, s20, s0, $0xb8;
	[tilespmem:$0x1A180] =	vst v63  }
.Ltmp3:
0xa0: {  	_ =	swait.ge @!p3 [sflag:s21], $0x4000;
	(pc) =	sbr.rel @p5 .LBB2_6-.Ltmp3, $4  }
0xa1: {  	[sflag:s21] =	ssyncset.done @!p3 $0x0  }
0xa2: {  	s28 =	sadd.s32 $0x10, s28;
	s30 =	simm.s32 @!p3 $0x2;
	[sflag:s21] =	ssyncadd.s32 @!p3 $0xFFFFC000  }
0xa3: {  	[spmem:s1] =	stream.indirect.scatter.add.f32 @!p3 [tilespmem:s16], [sflag:$0x2], $0x80, s31, s0, $0xb8;
	[tilespmem:$0x1A180] =	vst v63  }
0xa4: {  	p4 =	sgt.u32 s28, $0x9C3;
	_ =	swait.ge @!p3 [sflag:s30], $0x4000  }
0xa5: {  	s0 =	sadd.s32 @!p4 s26, s19;
	s16 =	simm.s32 @!p4 $0x0;
	[sflag:s30] =	ssyncset.done @!p3 $0x0  }
0xa6: {  	s20 =	simm.s32 @!p4 $0x16080;
	s21 =	simm.s32 @!p4 $0x3;
	[sflag:s30] =	ssyncadd.s32 @!p3 $0xFFFFC000  }
0xa7: {  	[tilespmem:s20], [sflag:$0x3] =	stream.linear.gather @!p4 [hbm4b:s0+s16], $0x80, $0x38;
	[tilespmem:$0x1A180] =	vst v63  }
0xa8: {  	_ =	swait.ge @!p4 [sflag:s21], $0x80  }
0xa9: {  	[sflag:s21] =	ssyncset.done @!p4 $0x0  }
0xaa: {  	s0 =	sadd.s32 @!p4 s26, s18;
	s26 =	simm.s32 @!p4 $0x16100;
	[sflag:s21] =	ssyncadd.s32 @!p4 $0xFFFFFF80  }
0xab: {  	[tilespmem:s26], [sflag:$0x3] =	stream.linear.gather @!p4 [hbm4b:s0+s16], $0x80, $0x38;
	[tilespmem:$0x1A180] =	vst v63  }
0xac: {  	p3 =	por p4, p4;
	_ =	swait.ge @!p4 [sflag:s21], $0x80  }
0xad: {  	[sflag:s21] =	ssyncset.done @!p3 $0x0  }
0xae: {  	s0 =	simm.s32 @!p3 $0x80;
	s16 =	simm.s32 @!p3 $0x16180;
	[sflag:s21] =	ssyncadd.s32 @!p3 $0xFFFFFF80  }
0xaf: {  	[tilespmem:s16], [sflag:$0x1] =	stream.indirect.gather @!p3 [hbm4b:s5+s0], $0x80, s20, s0, $0xb8;
	[tilespmem:$0x1A180] =	vst v63  }
0xb0: {  	s20 =	simm.s32 @!p3 $0x1  }
0xb1: {  	_ =	swait.ge @!p3 [sflag:s20], $0x4000  }
0xb2: {  	[sflag:s20] =	ssyncset.done @!p3 $0x0  }
0xb3: {  	[sflag:s20] =	ssyncadd.s32 @!p3 $0xFFFFC000  }
0xb4: {  	[spmem:s1] =	stream.indirect.scatter.add.f32 @!p3 [tilespmem:s16], [sflag:$0x2], $0x80, s26, s0, $0xb8;
	[tilespmem:$0x1A180] =	vst v63  }
0xb5: {  	s0 =	simm.s32 @!p3 $0x2  }
0xb6: {  	_ =	swait.ge @!p3 [sflag:s0], $0x4000  }
0xb7: {  	[sflag:s0] =	ssyncset.done @!p3 $0x0  }
0xb8: {  	[sflag:s0] =	ssyncadd.s32 @!p3 $0xFFFFC000  }
0xb9: {  	[bflag:$0x0] =	sbarrier.arrive $0xFFFF  }
0xba: {  	[tilespmem:s22], [sflag:$0x3] =	stream.linear.gather [spmem:s9], $0x2800, $0x38;
	[tilespmem:$0x1A180] =	vst v63  }
0xbb: {  	_ =	swait.ge [sflag:s23], $0x2800  }
0xbc: {  	[sflag:s23] =	ssyncset.done $0x0  }
0xbd: {  	s20 =	rddreg [dreg:$0x7];
	[sflag:s23] =	ssyncadd.s32 $0xFFFFD800  }
0xbe: {  	[hbm4b:s20+s3] =	stream.linear.scatter [tilespmem:s22], [sflag:$0x2], $0x2800, $0x38;
	[tilespmem:$0x1A180] =	vst v63  }
0xbf: {  	_ =	swait.ge [sflag:s24], $0x2800  }
0xc0: {  	[sflag:s24] =	ssyncset.done $0x0  }
0xc1: {  	[sflag:s24] =	ssyncadd.s32 $0xFFFFD800  }
0xc2: {  	[tilespmem:s22], [sflag:$0x3] =	stream.linear.gather [spmem:s10], $0x2800, $0x38;
	[tilespmem:$0x1A180] =	vst v63  }
0xc3: {  	_ =	swait.ge [sflag:s23], $0x2800  }
0xc4: {  	[sflag:s23] =	ssyncset.done $0x0  }
0xc5: {  	s21 =	rddreg [dreg:$0xb];
	[sflag:s23] =	ssyncadd.s32 $0xFFFFD800  }
0xc6: {  	[hbm4b:s21+s3] =	stream.linear.scatter [tilespmem:s22], [sflag:$0x2], $0x2800, $0x38;
	[tilespmem:$0x1A180] =	vst v63  }
0xc7: {  	_ =	swait.ge [sflag:s24], $0x2800  }
0xc8: {  	[sflag:s24] =	ssyncset.done $0x0  }
0xc9: {  	[sflag:s24] =	ssyncadd.s32 $0xFFFFD800  }
0xca: {  	[tilespmem:s22], [sflag:$0x3] =	stream.linear.gather [spmem:s11], $0x2800, $0x38;
	[tilespmem:$0x1A180] =	vst v63  }
0xcb: {  	_ =	swait.ge [sflag:s23], $0x2800  }
0xcc: {  	[sflag:s23] =	ssyncset.done $0x0  }
0xcd: {  	s26 =	rddreg [dreg:$0xf];
	[sflag:s23] =	ssyncadd.s32 $0xFFFFD800  }
0xce: {  	[hbm4b:s26+s3] =	stream.linear.scatter [tilespmem:s22], [sflag:$0x2], $0x2800, $0x38;
	[tilespmem:$0x1A180] =	vst v63  }
0xcf: {  	_ =	swait.ge [sflag:s24], $0x2800  }
0xd0: {  	[sflag:s24] =	ssyncset.done $0x0  }
0xd1: {  	[sflag:s24] =	ssyncadd.s32 $0xFFFFD800  }
0xd2: {  	[tilespmem:s22], [sflag:$0x3] =	stream.linear.gather [spmem:s12], $0x2800, $0x38;
	[tilespmem:$0x1A180] =	vst v63  }
0xd3: {  	_ =	swait.ge [sflag:s23], $0x2800  }
0xd4: {  	[sflag:s23] =	ssyncset.done $0x0  }
0xd5: {  	s28 =	rddreg [dreg:$0x13];
	[sflag:s23] =	ssyncadd.s32 $0xFFFFD800  }
0xd6: {  	[hbm4b:s28+s3] =	stream.linear.scatter [tilespmem:s22], [sflag:$0x2], $0x2800, $0x38;
	[tilespmem:$0x1A180] =	vst v63  }
0xd7: {  	_ =	swait.ge [sflag:s24], $0x2800  }
0xd8: {  	[sflag:s24] =	ssyncset.done $0x0  }
0xd9: {  	[sflag:s24] =	ssyncadd.s32 $0xFFFFD800  }
0xda: {  	[tilespmem:s22], [sflag:$0x3] =	stream.linear.gather [spmem:s13], $0x2800, $0x38;
	[tilespmem:$0x1A180] =	vst v63  }
0xdb: {  	_ =	swait.ge [sflag:s23], $0x2800  }
0xdc: {  	[sflag:s23] =	ssyncset.done $0x0  }
0xdd: {  	s29 =	rddreg [dreg:$0x17];
	[sflag:s23] =	ssyncadd.s32 $0xFFFFD800  }
0xde: {  	[hbm4b:s29+s3] =	stream.linear.scatter [tilespmem:s22], [sflag:$0x2], $0x2800, $0x38;
	[tilespmem:$0x1A180] =	vst v63  }
0xdf: {  	_ =	swait.ge [sflag:s24], $0x2800  }
0xe0: {  	[sflag:s24] =	ssyncset.done $0x0  }
0xe1: {  	[sflag:s24] =	ssyncadd.s32 $0xFFFFD800  }
0xe2: {  	[tilespmem:s22], [sflag:$0x3] =	stream.linear.gather [spmem:s14], $0x2800, $0x38;
	[tilespmem:$0x1A180] =	vst v63  }
0xe3: {  	_ =	swait.ge [sflag:s23], $0x2800  }
0xe4: {  	[sflag:s23] =	ssyncset.done $0x0  }
0xe5: {  	s30 =	rddreg [dreg:$0x1b];
	[sflag:s23] =	ssyncadd.s32 $0xFFFFD800  }
0xe6: {  	[hbm4b:s30+s3] =	stream.linear.scatter [tilespmem:s22], [sflag:$0x2], $0x2800, $0x38;
	[tilespmem:$0x1A180] =	vst v63  }
0xe7: {  	_ =	swait.ge [sflag:s24], $0x2800  }
0xe8: {  	[sflag:s24] =	ssyncset.done $0x0  }
0xe9: {  	[sflag:s24] =	ssyncadd.s32 $0xFFFFD800  }
0xea: {  	[tilespmem:s22], [sflag:$0x3] =	stream.linear.gather [spmem:s15], $0x2800, $0x38;
	[tilespmem:$0x1A180] =	vst v63  }
0xeb: {  	_ =	swait.ge [sflag:s23], $0x2800  }
0xec: {  	[sflag:s23] =	ssyncset.done $0x0  }
0xed: {  	s31 =	rddreg [dreg:$0x1f];
	[sflag:s23] =	ssyncadd.s32 $0xFFFFD800  }
0xee: {  	[hbm4b:s31+s3] =	stream.linear.scatter [tilespmem:s22], [sflag:$0x2], $0x2800, $0x38;
	[tilespmem:$0x1A180] =	vst v63  }
.Ltmp4:
0xef: {  	_ = 	snop;
	(pc) =	sbr.rel @p1 .LBB2_9-.Ltmp4, $4  }
.Ltmp5:
0xf0: {  	_ = 	snop;
	(pc) =	sbr.rel @!p1 .LBB2_8-.Ltmp5, $4  }
0xf1: {  	_ =	swait.ge [sflag:s24], $0x2800  }
0xf2: {  	[sflag:s24] =	ssyncset.done $0x0  }
0xf3: {  	s26 =	smov.u32 s7;
	[sflag:s24] =	ssyncadd.s32 $0xFFFFD800  }
0xf4: {  	_ = 	snop  }
.LBB2_2:
0xf5: {  	s0 =	rddreg [dreg:$0x4]  }
0xf6: {  	[tilespmem:s22], [sflag:$0x3] =	stream.linear.gather [hbm4b:s0+s3], $0x2800, $0x38;
	[tilespmem:$0x1A180] =	vst v63  }
0xf7: {  	_ =	swait.ge [sflag:s23], $0x2800  }
0xf8: {  	[sflag:s23] =	ssyncset.done $0x0  }
0xf9: {  	[sflag:s23] =	ssyncadd.s32 $0xFFFFD800  }
0xfa: {  	[spmem:s9] =	stream.linear.scatter [tilespmem:s22], [sflag:$0x2], $0x2800, $0x38;
	[tilespmem:$0x1A180] =	vst v63  }
0xfb: {  	_ =	swait.ge [sflag:s24], $0x2800  }
0xfc: {  	[sflag:s24] =	ssyncset.done $0x0  }
0xfd: {  	s31 =	rddreg [dreg:$0x8];
	[sflag:s24] =	ssyncadd.s32 $0xFFFFD800  }
0xfe: {  	[tilespmem:s22], [sflag:$0x3] =	stream.linear.gather [hbm4b:s31+s3], $0x2800, $0x38;
	[tilespmem:$0x1A180] =	vst v63  }
0xff: {  	_ =	swait.ge [sflag:s23], $0x2800  }
0x100: {  	[sflag:s23] =	ssyncset.done $0x0  }
0x101: {  	[sflag:s23] =	ssyncadd.s32 $0xFFFFD800  }
0x102: {  	[spmem:s10] =	stream.linear.scatter [tilespmem:s22], [sflag:$0x2], $0x2800, $0x38;
	[tilespmem:$0x1A180] =	vst v63  }
0x103: {  	_ =	swait.ge [sflag:s24], $0x2800  }
0x104: {  	[sflag:s24] =	ssyncset.done $0x0  }
0x105: {  	s16 =	rddreg [dreg:$0xc];
	[sflag:s24] =	ssyncadd.s32 $0xFFFFD800  }
0x106: {  	[tilespmem:s22], [sflag:$0x3] =	stream.linear.gather [hbm4b:s16+s3], $0x2800, $0x38;
	[tilespmem:$0x1A180] =	vst v63  }
0x107: {  	_ =	swait.ge [sflag:s23], $0x2800  }
0x108: {  	[sflag:s23] =	ssyncset.done $0x0  }
0x109: {  	[sflag:s23] =	ssyncadd.s32 $0xFFFFD800  }
0x10a: {  	[spmem:s11] =	stream.linear.scatter [tilespmem:s22], [sflag:$0x2], $0x2800, $0x38;
	[tilespmem:$0x1A180] =	vst v63  }
0x10b: {  	_ =	swait.ge [sflag:s24], $0x2800  }
0x10c: {  	[sflag:s24] =	ssyncset.done $0x0  }
0x10d: {  	s20 =	rddreg [dreg:$0x10];
	[sflag:s24] =	ssyncadd.s32 $0xFFFFD800  }
0x10e: {  	[tilespmem:s22], [sflag:$0x3] =	stream.linear.gather [hbm4b:s20+s3], $0x2800, $0x38;
	[tilespmem:$0x1A180] =	vst v63  }
0x10f: {  	_ =	swait.ge [sflag:s23], $0x2800  }
0x110: {  	[sflag:s23] =	ssyncset.done $0x0  }
0x111: {  	[sflag:s23] =	ssyncadd.s32 $0xFFFFD800  }
0x112: {  	[spmem:s12] =	stream.linear.scatter [tilespmem:s22], [sflag:$0x2], $0x2800, $0x38;
	[tilespmem:$0x1A180] =	vst v63  }
0x113: {  	_ =	swait.ge [sflag:s24], $0x2800  }
0x114: {  	[sflag:s24] =	ssyncset.done $0x0  }
0x115: {  	s21 =	rddreg [dreg:$0x14];
	[sflag:s24] =	ssyncadd.s32 $0xFFFFD800  }
0x116: {  	[tilespmem:s22], [sflag:$0x3] =	stream.linear.gather [hbm4b:s21+s3], $0x2800, $0x38;
	[tilespmem:$0x1A180] =	vst v63  }
0x117: {  	_ =	swait.ge [sflag:s23], $0x2800  }
0x118: {  	[sflag:s23] =	ssyncset.done $0x0  }
0x119: {  	[sflag:s23] =	ssyncadd.s32 $0xFFFFD800  }
0x11a: {  	[spmem:s13] =	stream.linear.scatter [tilespmem:s22], [sflag:$0x2], $0x2800, $0x38;
	[tilespmem:$0x1A180] =	vst v63  }
0x11b: {  	_ =	swait.ge [sflag:s24], $0x2800  }
0x11c: {  	[sflag:s24] =	ssyncset.done $0x0  }
0x11d: {  	s26 =	rddreg [dreg:$0x18];
	[sflag:s24] =	ssyncadd.s32 $0xFFFFD800  }
0x11e: {  	[tilespmem:s22], [sflag:$0x3] =	stream.linear.gather [hbm4b:s26+s3], $0x2800, $0x38;
	[tilespmem:$0x1A180] =	vst v63  }
0x11f: {  	_ =	swait.ge [sflag:s23], $0x2800  }
0x120: {  	[sflag:s23] =	ssyncset.done $0x0  }
0x121: {  	[sflag:s23] =	ssyncadd.s32 $0xFFFFD800  }
0x122: {  	[spmem:s14] =	stream.linear.scatter [tilespmem:s22], [sflag:$0x2], $0x2800, $0x38;
	[tilespmem:$0x1A180] =	vst v63  }
0x123: {  	_ =	swait.ge [sflag:s24], $0x2800  }
0x124: {  	[sflag:s24] =	ssyncset.done $0x0  }
0x125: {  	s31 =	rddreg [dreg:$0x1c];
	[sflag:s24] =	ssyncadd.s32 $0xFFFFD800  }
0x126: {  	[tilespmem:s22], [sflag:$0x3] =	stream.linear.gather [hbm4b:s31+s3], $0x2800, $0x38;
	[tilespmem:$0x1A180] =	vst v63  }
0x127: {  	_ =	swait.ge [sflag:s23], $0x2800  }
0x128: {  	[sflag:s23] =	ssyncset.done $0x0  }
0x129: {  	[sflag:s23] =	ssyncadd.s32 $0xFFFFD800  }
0x12a: {  	[spmem:s15] =	stream.linear.scatter [tilespmem:s22], [sflag:$0x2], $0x2800, $0x38;
	[tilespmem:$0x1A180] =	vst v63  }
0x12b: {  	_ =	swait.ge [sflag:s24], $0x2800  }
0x12c: {  	s0 =	sld [smem:$0x7FC]  }
0x12d: {  	[sflag:s24] =	ssyncset.done $0x0  }
0x12e: {  	s28 =	simm.s32 @!p1 $0x13880;
	s26 =	simm.s32 @!p1 $0x0;
	[sflag:s24] =	ssyncadd.s32 $0xFFFFD800  }
0x12f: {  	[tilespmem:s28], [sflag:$0x3] =	stream.linear.gather @!p1 [hbm4b:s0+s26], $0x2800, $0x38;
	[tilespmem:$0x1A180] =	vst v63  }
0x130: {  	s26 =	simm.s32 @!p1 $0x3  }
0x131: {  	_ =	swait.ge @!p1 [sflag:s26], $0x2800  }
0x132: {  	[sflag:s26] =	ssyncset.done @!p1 $0x0  }
0x133: {  	[sflag:s26] =	ssyncadd.s32 @!p1 $0xFFFFD800;
	s26 =	simm.s32 @!p1 $0x2  }
0x134: {  	[spmem:s17] =	stream.linear.scatter @!p1 [tilespmem:s28], [sflag:$0x2], $0x2800, $0x38;
	[tilespmem:$0x1A180] =	vst v63  }
0x135: {  	_ =	swait.ge @!p1 [sflag:s26], $0x2800  }
0x136: {  	p3 =	sgt.u32 s2, $0x9C3;
	[sflag:s26] =	ssyncset.done @!p1 $0x0  }
0x137: {  	s29 =	simm.s32 @!p3 $0x16080;
	s30 =	simm.s32 @!p3 $0x3;
	[sflag:s26] =	ssyncadd.s32 @!p1 $0xFFFFD800  }
0x138: {  	s28 =	simm.s32 @!p3 $0x0;
	s26 =	sadd.s32 @!p3 $0x0, s19;
	[bflag:$0x0] =	sbarrier.arrive $0xFFFF  }
0x139: {  	[tilespmem:s29], [sflag:$0x3] =	stream.linear.gather @!p3 [hbm4b:s26+s28], $0x80, $0x38;
	[tilespmem:$0x1A180] =	vst v63  }
0x13a: {  	_ =	swait.ge @!p3 [sflag:s30], $0x80  }
0x13b: {  	[sflag:s30] =	ssyncset.done @!p3 $0x0  }
0x13c: {  	s31 =	simm.s32 @!p3 $0x16100;
	s26 =	sadd.s32 @!p3 $0x0, s18;
	[sflag:s30] =	ssyncadd.s32 @!p3 $0xFFFFFF80  }
0x13d: {  	[tilespmem:s31], [sflag:$0x3] =	stream.linear.gather @!p3 [hbm4b:s26+s28], $0x80, $0x38;
	[tilespmem:$0x1A180] =	vst v63  }
0x13e: {  	_ =	swait.ge @!p3 [sflag:s30], $0x80;
	p3 =	por p3, p3  }
0x13f: {  	[sflag:s30] =	ssyncset.done @!p3 $0x0  }
0x140: {  	s26 =	simm.s32 @!p3 $0x80;
	s28 =	simm.s32 @!p3 $0x16180;
	[sflag:s30] =	ssyncadd.s32 @!p3 $0xFFFFFF80  }
0x141: {  	[tilespmem:s28], [sflag:$0x1] =	stream.indirect.gather @!p3 [hbm4b:s4+s26], $0x80, s29, s26, $0xb8;
	[tilespmem:$0x1A180] =	vst v63  }
0x142: {  	s29 =	simm.s32 @!p3 $0x1  }
0x143: {  	_ =	swait.ge @!p3 [sflag:s29], $0x4000  }
0x144: {  	[sflag:s29] =	ssyncset.done @!p3 $0x0  }
0x145: {  	[sflag:s29] =	ssyncadd.s32 @!p3 $0xFFFFC000  }
0x146: {  	[spmem:s1] =	stream.indirect.scatter.add.f32 @!p3 [tilespmem:s28], [sflag:$0x2], $0x80, s31, s26, $0xb8;
	[tilespmem:$0x1A180] =	vst v63  }
0x147: {  	s30 =	simm.s32 @!p3 $0x2;
	s29 =	simm.s32 $0x200;
	s28 =	sadd.s32 $0x10, s2  }
0x148: {  	s26 =	simm.s32 $0x100;
	p4 =	sgt.u32 s28, $0x9C3;
	_ =	swait.ge @!p3 [sflag:s30], $0x4000  }
.LBB2_3:
0x149: {  	s31 =	sadd.s32 @!p4 s26, s19;
	s0 =	simm.s32 @!p4 $0x0;
	[sflag:s30] =	ssyncset.done @!p3 $0x0  }
0x14a: {  	s20 =	simm.s32 @!p4 $0x16080;
	s21 =	simm.s32 @!p4 $0x3;
	[sflag:s30] =	ssyncadd.s32 @!p3 $0xFFFFC000  }
0x14b: {  	[tilespmem:s20], [sflag:$0x3] =	stream.linear.gather @!p4 [hbm4b:s31+s0], $0x80, $0x38;
	[tilespmem:$0x1A180] =	vst v63  }
0x14c: {  	s30 =	smov.u32 s29;
	s29 =	sadd.s32 $0x100, s29;
	_ =	swait.ge @!p4 [sflag:s21], $0x80  }
0x14d: {  	s16 =	simm.s32 @!p4 $0x16100;
	s31 =	sadd.s32 @!p4 s26, s18;
	[sflag:s21] =	ssyncset.done @!p4 $0x0  }
0x14e: {  	p5 =	sne.s32 s29, $0x9D00;
	s26 =	smov.u32 s30;
	[sflag:s21] =	ssyncadd.s32 @!p4 $0xFFFFFF80  }
0x14f: {  	[tilespmem:s16], [sflag:$0x3] =	stream.linear.gather @!p4 [hbm4b:s31+s0], $0x80, $0x38;
	[tilespmem:$0x1A180] =	vst v63  }
0x150: {  	p3 =	por p4, p4;
	_ =	swait.ge @!p4 [sflag:s21], $0x80  }
0x151: {  	s0 =	simm.s32 @!p3 $0x80;
	s31 =	simm.s32 @!p3 $0x16180;
	[sflag:s21] =	ssyncset.done @!p3 $0x0  }
0x152: {  	[sflag:s21] =	ssyncadd.s32 @!p3 $0xFFFFFF80;
	s21 =	simm.s32 @!p3 $0x1  }
0x153: {  	[tilespmem:s31], [sflag:$0x1] =	stream.indirect.gather @!p3 [hbm4b:s4+s0], $0x80, s20, s0, $0xb8;
	[tilespmem:$0x1A180] =	vst v63  }
.Ltmp6:
0x154: {  	_ =	swait.ge @!p3 [sflag:s21], $0x4000;
	(pc) =	sbr.rel @p5 .LBB2_3-.Ltmp6, $4  }
0x155: {  	[sflag:s21] =	ssyncset.done @!p3 $0x0  }
0x156: {  	s28 =	sadd.s32 $0x10, s28;
	s30 =	simm.s32 @!p3 $0x2;
	[sflag:s21] =	ssyncadd.s32 @!p3 $0xFFFFC000  }
0x157: {  	[spmem:s1] =	stream.indirect.scatter.add.f32 @!p3 [tilespmem:s31], [sflag:$0x2], $0x80, s16, s0, $0xb8;
	[tilespmem:$0x1A180] =	vst v63  }
0x158: {  	p4 =	sgt.u32 s28, $0x9C3;
	_ =	swait.ge @!p3 [sflag:s30], $0x4000  }
0x159: {  	s0 =	sadd.s32 @!p4 s26, s19;
	s16 =	simm.s32 @!p4 $0x0;
	[sflag:s30] =	ssyncset.done @!p3 $0x0  }
0x15a: {  	s20 =	simm.s32 @!p4 $0x16080;
	s21 =	simm.s32 @!p4 $0x3;
	[sflag:s30] =	ssyncadd.s32 @!p3 $0xFFFFC000  }
0x15b: {  	[tilespmem:s20], [sflag:$0x3] =	stream.linear.gather @!p4 [hbm4b:s0+s16], $0x80, $0x38;
	[tilespmem:$0x1A180] =	vst v63  }
0x15c: {  	_ =	swait.ge @!p4 [sflag:s21], $0x80  }
0x15d: {  	[sflag:s21] =	ssyncset.done @!p4 $0x0  }
0x15e: {  	s0 =	sadd.s32 @!p4 s26, s18;
	s26 =	simm.s32 @!p4 $0x16100;
	[sflag:s21] =	ssyncadd.s32 @!p4 $0xFFFFFF80  }
0x15f: {  	[tilespmem:s26], [sflag:$0x3] =	stream.linear.gather @!p4 [hbm4b:s0+s16], $0x80, $0x38;
	[tilespmem:$0x1A180] =	vst v63  }
0x160: {  	p3 =	por p4, p4;
	_ =	swait.ge @!p4 [sflag:s21], $0x80  }
0x161: {  	[sflag:s21] =	ssyncset.done @!p3 $0x0  }
0x162: {  	s0 =	simm.s32 @!p3 $0x80;
	s16 =	simm.s32 @!p3 $0x16180;
	[sflag:s21] =	ssyncadd.s32 @!p3 $0xFFFFFF80  }
0x163: {  	[tilespmem:s16], [sflag:$0x1] =	stream.indirect.gather @!p3 [hbm4b:s4+s0], $0x80, s20, s0, $0xb8;
	[tilespmem:$0x1A180] =	vst v63  }
0x164: {  	s20 =	simm.s32 @!p3 $0x1  }
0x165: {  	_ =	swait.ge @!p3 [sflag:s20], $0x4000  }
0x166: {  	[sflag:s20] =	ssyncset.done @!p3 $0x0  }
0x167: {  	[sflag:s20] =	ssyncadd.s32 @!p3 $0xFFFFC000  }
0x168: {  	[spmem:s1] =	stream.indirect.scatter.add.f32 @!p3 [tilespmem:s16], [sflag:$0x2], $0x80, s26, s0, $0xb8;
	[tilespmem:$0x1A180] =	vst v63  }
0x169: {  	s0 =	simm.s32 @!p3 $0x2  }
0x16a: {  	_ =	swait.ge @!p3 [sflag:s0], $0x4000  }
0x16b: {  	[sflag:s0] =	ssyncset.done @!p3 $0x0  }
0x16c: {  	[sflag:s0] =	ssyncadd.s32 @!p3 $0xFFFFC000  }
0x16d: {  	[bflag:$0x0] =	sbarrier.arrive $0xFFFF  }
0x16e: {  	[tilespmem:s22], [sflag:$0x3] =	stream.linear.gather [spmem:s9], $0x2800, $0x38;
	[tilespmem:$0x1A180] =	vst v63  }
0x16f: {  	_ =	swait.ge [sflag:s23], $0x2800  }
0x170: {  	[sflag:s23] =	ssyncset.done $0x0  }
0x171: {  	s20 =	rddreg [dreg:$0x5];
	[sflag:s23] =	ssyncadd.s32 $0xFFFFD800  }
0x172: {  	[hbm4b:s20+s3] =	stream.linear.scatter [tilespmem:s22], [sflag:$0x2], $0x2800, $0x38;
	[tilespmem:$0x1A180] =	vst v63  }
0x173: {  	_ =	swait.ge [sflag:s24], $0x2800  }
0x174: {  	[sflag:s24] =	ssyncset.done $0x0  }
0x175: {  	[sflag:s24] =	ssyncadd.s32 $0xFFFFD800  }
0x176: {  	[tilespmem:s22], [sflag:$0x3] =	stream.linear.gather [spmem:s10], $0x2800, $0x38;
	[tilespmem:$0x1A180] =	vst v63  }
0x177: {  	_ =	swait.ge [sflag:s23], $0x2800  }
0x178: {  	[sflag:s23] =	ssyncset.done $0x0  }
0x179: {  	s21 =	rddreg [dreg:$0x9];
	[sflag:s23] =	ssyncadd.s32 $0xFFFFD800  }
0x17a: {  	[hbm4b:s21+s3] =	stream.linear.scatter [tilespmem:s22], [sflag:$0x2], $0x2800, $0x38;
	[tilespmem:$0x1A180] =	vst v63  }
0x17b: {  	_ =	swait.ge [sflag:s24], $0x2800  }
0x17c: {  	[sflag:s24] =	ssyncset.done $0x0  }
0x17d: {  	[sflag:s24] =	ssyncadd.s32 $0xFFFFD800  }
0x17e: {  	[tilespmem:s22], [sflag:$0x3] =	stream.linear.gather [spmem:s11], $0x2800, $0x38;
	[tilespmem:$0x1A180] =	vst v63  }
0x17f: {  	_ =	swait.ge [sflag:s23], $0x2800  }
0x180: {  	[sflag:s23] =	ssyncset.done $0x0  }
0x181: {  	s26 =	rddreg [dreg:$0xd];
	[sflag:s23] =	ssyncadd.s32 $0xFFFFD800  }
0x182: {  	[hbm4b:s26+s3] =	stream.linear.scatter [tilespmem:s22], [sflag:$0x2], $0x2800, $0x38;
	[tilespmem:$0x1A180] =	vst v63  }
0x183: {  	_ =	swait.ge [sflag:s24], $0x2800  }
0x184: {  	[sflag:s24] =	ssyncset.done $0x0  }
0x185: {  	[sflag:s24] =	ssyncadd.s32 $0xFFFFD800  }
0x186: {  	[tilespmem:s22], [sflag:$0x3] =	stream.linear.gather [spmem:s12], $0x2800, $0x38;
	[tilespmem:$0x1A180] =	vst v63  }
0x187: {  	_ =	swait.ge [sflag:s23], $0x2800  }
0x188: {  	[sflag:s23] =	ssyncset.done $0x0  }
0x189: {  	s28 =	rddreg [dreg:$0x11];
	[sflag:s23] =	ssyncadd.s32 $0xFFFFD800  }
0x18a: {  	[hbm4b:s28+s3] =	stream.linear.scatter [tilespmem:s22], [sflag:$0x2], $0x2800, $0x38;
	[tilespmem:$0x1A180] =	vst v63  }
0x18b: {  	_ =	swait.ge [sflag:s24], $0x2800  }
0x18c: {  	[sflag:s24] =	ssyncset.done $0x0  }
0x18d: {  	[sflag:s24] =	ssyncadd.s32 $0xFFFFD800  }
0x18e: {  	[tilespmem:s22], [sflag:$0x3] =	stream.linear.gather [spmem:s13], $0x2800, $0x38;
	[tilespmem:$0x1A180] =	vst v63  }
0x18f: {  	_ =	swait.ge [sflag:s23], $0x2800  }
0x190: {  	[sflag:s23] =	ssyncset.done $0x0  }
0x191: {  	s29 =	rddreg [dreg:$0x15];
	[sflag:s23] =	ssyncadd.s32 $0xFFFFD800  }
0x192: {  	[hbm4b:s29+s3] =	stream.linear.scatter [tilespmem:s22], [sflag:$0x2], $0x2800, $0x38;
	[tilespmem:$0x1A180] =	vst v63  }
0x193: {  	_ =	swait.ge [sflag:s24], $0x2800  }
0x194: {  	[sflag:s24] =	ssyncset.done $0x0  }
0x195: {  	[sflag:s24] =	ssyncadd.s32 $0xFFFFD800  }
0x196: {  	[tilespmem:s22], [sflag:$0x3] =	stream.linear.gather [spmem:s14], $0x2800, $0x38;
	[tilespmem:$0x1A180] =	vst v63  }
0x197: {  	_ =	swait.ge [sflag:s23], $0x2800  }
0x198: {  	[sflag:s23] =	ssyncset.done $0x0  }
0x199: {  	s30 =	rddreg [dreg:$0x19];
	[sflag:s23] =	ssyncadd.s32 $0xFFFFD800  }
0x19a: {  	[hbm4b:s30+s3] =	stream.linear.scatter [tilespmem:s22], [sflag:$0x2], $0x2800, $0x38;
	[tilespmem:$0x1A180] =	vst v63  }
0x19b: {  	_ =	swait.ge [sflag:s24], $0x2800  }
0x19c: {  	[sflag:s24] =	ssyncset.done $0x0  }
0x19d: {  	[sflag:s24] =	ssyncadd.s32 $0xFFFFD800  }
0x19e: {  	[tilespmem:s22], [sflag:$0x3] =	stream.linear.gather [spmem:s15], $0x2800, $0x38;
	[tilespmem:$0x1A180] =	vst v63  }
0x19f: {  	_ =	swait.ge [sflag:s23], $0x2800  }
0x1a0: {  	[sflag:s23] =	ssyncset.done $0x0  }
0x1a1: {  	s31 =	rddreg [dreg:$0x1d];
	[sflag:s23] =	ssyncadd.s32 $0xFFFFD800  }
0x1a2: {  	[hbm4b:s31+s3] =	stream.linear.scatter [tilespmem:s22], [sflag:$0x2], $0x2800, $0x38;
	[tilespmem:$0x1A180] =	vst v63  }
.Ltmp7:
0x1a3: {  	_ = 	snop;
	(pc) =	sbr.rel @p2 .LBB2_8-.Ltmp7, $4  }
.Ltmp8:
0x1a4: {  	_ = 	snop;
	(pc) =	sbr.rel @!p2 .LBB2_9-.Ltmp8, $4  }
0x1a5: {  	_ =	swait.ge [sflag:s24], $0x2800  }
0x1a6: {  	[sflag:s24] =	ssyncset.done $0x0  }
0x1a7: {  	s26 =	smov.u32 s6;
	[sflag:s24] =	ssyncadd.s32 $0xFFFFD800  }
0x1a8: {  	_ = 	snop  }
.LBB2_10:
0x1a9: {  	_ =	sfence.sel $0x180000  }
0x1aa: {  	[bflag:$0x0] =	sbarrier.arrive $0xFFFF  }
0x1ab: {  	_ =	strace $0x9000004A  }
0x1ac: {  	[bflag:$0x2] =	sbarrier.arrive $0xFFFF  }
0x1ad: {  	p0 =	sne.s32 s2, $0x0;
	s0 =	rddreg [dreg:$0x2]  }
0x1ae: {  	s0 =	sadd.s32 @!p0 $0x100000, s0  }
0x1af: {  	[sflag:s0] =	ssyncadd.tile.s32 @!p0 $0x1;
	_ =	shalt  }
.Lfunc_end2:
_tile_overlayer_lowered:
.L_overlay_start_2:
0x1b0: {  	(tag) =	ssettag $0x2  }
0x1b1: {  	s0 =	rddreg [dreg:$0x0];
	s2 =	stileid.u32  }
0x1b2: {  	s1 =	rddreg [dreg:$0x1];
	p0 =	sne.s32 s2, $0x0  }
0x1b3: {  	s3 =	rddreg [dreg:$0x2];
	[bflag:$0x3] =	sbarrier.arrive $0xFFFF;
	s2 =	simm.s32 @!p0 $0x1C02  }
0x1b4: {  	[timem:s3], [sflag:s2] =	dma.local @!p0 [hbm:s0], s1  }
0x1b5: {  	s0 =	simm.s32 @!p0 $0x2  }
0x1b6: {  	_ =	swait.ge @!p0 [sflag:s0], s1  }
0x1b7: {  	s1 =	ssub.s32 @!p0 $0x0, s1;
	[sflag:s0] =	ssyncset.done @!p0 $0x0  }
0x1b8: {  	[sflag:s0] =	ssyncadd.s32 @!p0 s1  }
0x1b9: {  	[bflag:$0x3] =	sbarrier.arrive $0xFFFF  }
0x1ba: {  	_ =	shalt  }

// kernel: kernel.14.cloned.1.call-start
scs
__scs_entry_jumppad:
0x0: {  	(pc) =	sbr.rel $0x88, $3  }
0x1: {  	(tag) =	ssettag $0x0;
	lr =	simm.s32 $0x1  }
0x2: {  	[smem:$0x3F99] =	sst lr;
	_ =	strace $0xD0000000  }
0x3: {  	_ = 	snop  }
0x4: {  	_ = 	snop  }
0x5: {  	_ = 	snop  }
0x6: {  	_ = 	snop  }
0x7: {  	_ = 	snop  }
__scs_overlays_trampoline_lowered:
0x8: {  	[smem:$0x3FA8] =	sst s0  }
0x9: {  	[smem:$0x3FA9] =	sst s1  }
0xa: {  	[smem:$0x3FAA] =	sst s2  }
0xb: {  	[smem:$0x3FAB] =	sst s3  }
0xc: {  	[smem:$0x3FAC] =	sst s4  }
0xd: {  	[smem:$0x3FAD] =	sst s5  }
0xe: {  	[smem:$0x3FAE] =	sst s6  }
0xf: {  	[smem:$0x3FAF] =	sst s7  }
0x10: {  	[smem:$0x3FB0] =	sst s8  }
0x11: {  	[smem:$0x3FB1] =	sst s9;
	s0 =	simm.s32 @!p0 $0x0  }
0x12: {  	s1 =	sld [smem:$0x3F97];
	s0 =	simm.s32 @p0 $0x1  }
0x13: {  	[smem:$0x3FB2] =	sst s0;
	s0 =	simm.s32 @!p1 $0x0  }
0x14: {  	s2 =	sld [smem:$0x3F96];
	s0 =	simm.s32 @p1 $0x1  }
0x15: {  	[smem:$0x3FB3] =	sst s0;
	s0 =	simm.s32 @!p2 $0x0  }
0x16: {  	s3 =	sld [smem:$0x3FDB];
	s0 =	simm.s32 @p2 $0x1  }
0x17: {  	s4 =	simm.s32 $0x1BF5;
	[smem:$0x3FB5] =	sst s0  }
0x18: {  	s0 =	sld [smem:$0x3F98];
	_ =	swait.ge [sflag:s4], $0x0  }
0x19: {  	s7 =	sld [smem:$0x3F99]  }
0x1a: {  	s8 =	sadd.s32 $0xFFFFE003, lr  }
0x1b: {  	s9 =	sadd.s32 $0xFFFFFEF7, lr;
	s5 =	simm.s32 $0xFFFFFFFF;
	p2 =	slt.u32 s8, $0xFFFFF086  }
0x1c: {  	p1 =	slt.u32 s9, $0xF7A;
	s5 =	simm.s32 @!p2 $0x0  }
0x1d: {  	s5 =	simm.s32 @p1 $0x1;
	p0 =	seq.s32 s7, s2  }
0x1e: {  	s7 =	smul.u32 @!p0 $0xF7A, s2;
	p2 =	seq.s32 @!p0 s5, $0x0  }
0x1f: {  	s9 =	smul.u32 $0xF7A, s1;
	s8 =	simm.s32 @!p0 $0x1BF5;
	p2 =	por !p2, p0  }
0x20: {  	[sflag:s8] =	ssyncset.s32 @!p0 $0xFFFFF086;
	s6 =	sadd.s32 @!p0 s3, s7;
	s7 =	simm.s32 @!p0 $0x108  }
0x21: {  	s3 =	sadd.s32 s3, s9;
	s6 =	sadd.s32 @!p0 $0x88, s6;
	s7 =	simm.s32 @p2 $0x1082  }
0x22: {  	[simem:s7], [sflag:s8] =	dma.local @!p0 [hbm:s6], $0xF7A  }
0x23: {  	s9 =	sor.u32 $0xD0000000, s2;
	s6 =	simm.s32 $0x108;
	_ =	swait.ge @!p0 [sflag:s8], $0x0  }
0x24: {  	s3 =	sadd.s32 $0x88, s3;
	s6 =	simm.s32 @!p1 $0x1082;
	[sflag:s4] =	ssyncset.s32 $0xFFFFF086  }
0x25: {  	[simem:s6], [sflag:s4] =	dma.local [hbm:s3], $0xF7A  }
0x26: {  	[smem:$0x3F99] =	sst s1;
	(tag) =	ssettag s2;
	_ =	strace s9  }
0x27: {  	s1 =	sld [smem:$0x3FA9]  }
0x28: {  	s2 =	sld [smem:$0x3FAA]  }
0x29: {  	s4 =	sld [smem:$0x3FAC]  }
0x2a: {  	p0 =	seq.s32 s5, $0x0;
	s5 =	sld [smem:$0x3FAD]  }
0x2b: {  	s6 =	sld [smem:$0x3FAE]  }
0x2c: {  	s7 =	sld [smem:$0x3FAF]  }
0x2d: {  	s3 =	simm.s32 $0x108;
	s8 =	sld [smem:$0x3FB0]  }
0x2e: {  	s3 =	simm.s32 @!p0 $0x1082;
	s9 =	sld [smem:$0x3FB1]  }
0x2f: {  	lr =	sadd.s32 s0, s3;
	s0 =	sld [smem:$0x3FA8]  }
0x30: {  	s3 =	sld [smem:$0x3FAB]  }
0x31: {  	[smem:$0x3FB4] =	sst s10  }
0x32: {  	s10 =	sld [smem:$0x3FB2];
	_ =	sdelay $0x3  }
0x33: {  	p0 =	seq.s32 s10, $0x1;
	s10 =	sld [smem:$0x3FB4];
	_ =	sdelay $0x3  }
0x34: {  	[smem:$0x3FB4] =	sst s10  }
0x35: {  	s10 =	sld [smem:$0x3FB3];
	_ =	sdelay $0x3  }
0x36: {  	p1 =	seq.s32 s10, $0x1;
	s10 =	sld [smem:$0x3FB4];
	_ =	sdelay $0x3  }
0x37: {  	[smem:$0x3FB4] =	sst s10  }
0x38: {  	s10 =	sld [smem:$0x3FB5]  }
0x39: {  	_ = 	snop;
	(pc) =	sbr.ind lr, $3  }
0x3a: {  	_ = 	snop  }
0x3b: {  	_ = 	snop  }
0x3c: {  	p2 =	seq.s32 s10, $0x1;
	s10 =	sld [smem:$0x3FB4]  }
0x3d: {  	_ =	shalt  }
0x3e: {  	_ =	shalt  }
0x3f: {  	_ =	shalt  }
0x40: {  	_ =	shalt  }
0x41: {  	_ =	shalt  }
0x42: {  	_ =	shalt  }
0x43: {  	_ =	shalt  }
0x44: {  	_ =	shalt  }
0x45: {  	_ =	shalt  }
0x46: {  	_ =	shalt  }
0x47: {  	_ =	shalt  }
0x48: {  	_ =	shalt  }
0x49: {  	_ =	shalt  }
0x4a: {  	_ =	shalt  }
0x4b: {  	_ =	shalt  }
0x4c: {  	_ =	shalt  }
0x4d: {  	_ =	shalt  }
0x4e: {  	_ =	shalt  }
0x4f: {  	_ =	shalt  }
0x50: {  	_ =	shalt  }
0x51: {  	_ =	shalt  }
0x52: {  	_ =	shalt  }
0x53: {  	_ =	shalt  }
0x54: {  	_ =	shalt  }
0x55: {  	_ =	shalt  }
0x56: {  	_ =	shalt  }
0x57: {  	_ =	shalt  }
0x58: {  	_ =	shalt  }
0x59: {  	_ =	shalt  }
0x5a: {  	_ =	shalt  }
0x5b: {  	_ =	shalt  }
0x5c: {  	_ =	shalt  }
0x5d: {  	_ =	shalt  }
0x5e: {  	_ =	shalt  }
0x5f: {  	_ =	shalt  }
0x60: {  	_ =	shalt  }
0x61: {  	_ =	shalt  }
0x62: {  	_ =	shalt  }
0x63: {  	_ =	shalt  }
0x64: {  	_ =	shalt  }
0x65: {  	_ =	shalt  }
0x66: {  	_ =	shalt  }
0x67: {  	_ =	shalt  }
0x68: {  	_ =	shalt  }
0x69: {  	_ =	shalt  }
0x6a: {  	_ =	shalt  }
0x6b: {  	_ =	shalt  }
0x6c: {  	_ =	shalt  }
0x6d: {  	_ =	shalt  }
0x6e: {  	_ =	shalt  }
0x6f: {  	_ =	shalt  }
0x70: {  	_ =	shalt  }
0x71: {  	_ =	shalt  }
0x72: {  	_ =	shalt  }
0x73: {  	_ =	shalt  }
0x74: {  	_ =	shalt  }
0x75: {  	_ =	shalt  }
0x76: {  	_ =	shalt  }
0x77: {  	_ =	shalt  }
0x78: {  	_ =	shalt  }
0x79: {  	_ =	shalt  }
0x7a: {  	_ =	shalt  }
0x7b: {  	_ =	shalt  }
0x7c: {  	_ =	shalt  }
0x7d: {  	_ =	shalt  }
0x7e: {  	_ =	shalt  }
0x7f: {  	_ =	shalt  }
0x80: {  	_ =	shalt  }
0x81: {  	_ =	shalt  }
0x82: {  	_ =	shalt  }
0x83: {  	_ =	shalt  }
0x84: {  	_ =	shalt  }
0x85: {  	_ =	shalt  }
0x86: {  	_ =	shalt  }
0x87: {  	_ =	shalt  }
.Lfunc_end0:
.L_simem_size_0:
called_computation.2_lowered:
.L_overlay_start_0:
0x88: {  	s2 =	sld [smem:$0x3FD9]  }
0x89: {  	s3 =	sld [smem:$0x3FFE];
	_ =	sdelay $0x1  }
0x8a: {  	s1 =	srdreg.scid  }
0x8b: {  	s0 =	sand.u32 $0x1, s1  }
0x8c: {  	s16 =	sshll.u32 s0, $0xA;
	s2 =	sadd.s32 s3, s2  }
0x8d: {  	s2 =	sadd.s32 s2, s16  }
0x8e: {  	[smem:$0x3FC0] =	sst s2  }
0x8f: {  	_ = 	snop  }
0x90: {  	(tm) =	ssettm $0x1  }
0x91: {  	s17 =	sld [smem:$0x3FFB];
	_ =	sdelay $0x3  }
0x92: {  	_ =	strace s17  }
0x93: {  	s2 =	sld [smem:$0x3FFC];
	_ =	sdelay $0x3  }
0x94: {  	_ =	strace s2  }
0x95: {  	s2 =	sld [smem:$0x3FFD];
	_ =	sdelay $0x3  }
0x96: {  	_ =	strace s2  }
0x97: {  	_ =	strace $0x8FFFFFFF  }
0x98: {  	s18 =	sld [smem:$0x3FDB];
	_ =	sdelay $0x1  }
0x99: {  	s19 =	simm.s32 $_scs_section_size  }
0x9a: {  	s4 =	simm.s32 $_size__tile_overlayer_lowered;
	s5 =	simm.s32 $_tile_overlayer_lowered  }
0x9b: {  	s22 =	simm.s32 $0x1BFF;
	s21 =	sshll.u32 s5, $0x1;
	s2 =	sadd.s32 s19, s18  }
0x9c: {  	s6 =	simm.s32 $0x0;
	s20 =	sshll.u32 s4, $0x1;
	s4 =	sadd.s32 s21, s2  }
0x9d: {  	[timem:s6], [sflag:s22] =	dma.local [hbm:s4], s20  }
0x9e: {  	_ =	swait.ge [sflag:s22], s20  }
0x9f: {  	s3 =	ssub.s32 $0x0, s20;
	[sflag:s22] =	ssyncset.done $0x0  }
0xa0: {  	[sflag:s22] =	ssyncadd.s32 s3;
	_ =	sdelay $0x1  }
0xa1: {  	s23 =	simm.s32 $0x1B8B  }
0xa2: {  	_ =	swait.ge [sflag:s23], $0x1  }
0xa3: {  	[sflag:s23] =	ssyncset.done $0x0  }
0xa4: {  	s25 =	simm.s32 $0x1B8E;
	s24 =	sld [smem:$0x3FFE];
	[sflag:s23] =	ssyncadd.s32 $0xFFFFFFFF  }
0xa5: {  	s26 =	simm.s32 $execute0_lowered;
	[smem:$0x3FD2] =	sst s25  }
0xa6: {  	s4 =	sshll.u32 s26, $0x1;
	_ =	strace $0x8000004C;
	[dreg:$0x1] =	wrdreg $0xFFFFFFFF  }
0xa7: {  	s28 =	simm.s32 $_size_execute0_lowered;
	s2 =	sadd.s32 s2, s4;
	[dreg:$0x0] =	wrdreg $0x0  }
0xa8: {  	s4 =	sshll.u32 s28, $0x1;
	[dreg:$0x2] =	wrdreg s2  }
0xa9: {  	[dreg:$0x3] =	wrdreg s4  }
0xaa: {  	[dreg:$0x4] =	wrdreg $0xC0  }
0xab: {  	_ =	task [dreg:s6], $0x5FFFF  }
0xac: {  	[dreg:$0x1] =	wrdreg $0xFFFFFFFF  }
0xad: {  	[dreg:$0x0] =	wrdreg $0x60  }
0xae: {  	[dreg:$0x2] =	wrdreg s24  }
0xaf: {  	[dreg:$0x3] =	wrdreg $0x0  }
0xb0: {  	[dreg:$0x4] =	wrdreg $0x9  }
0xb1: {  	_ =	task.clear_ibuf [dreg:s6], $0x5FFFF;
	_ =	strace $0x9000004C  }
0xb2: {  	s29 =	simm.s32 $0x9;
	_ =	strace $0x8000004E  }
0xb3: {  	_ =	swait.ge [sflag:s29], $0x1  }
0xb4: {  	[sflag:s29] =	ssyncadd.s32 $0xFFFFFFFF  }
0xb5: {  	_ =	strace $0x9000004E  }
0xb6: {  	_ =	sfence  }
0xb7: {  	s30 =	sld [smem:$0x0];
	_ =	sdelay $0x2  }
0xb8: {  	s31 =	sshll.u32 s1, $0xD;
	s1 =	sshrl.u32 s1, $0x2  }
0xb9: {  	s3 =	sand.u32 $0x4000, s31;
	s1 =	sadd.s32 s1, s30  }
0xba: {  	s0 =	sor.u32 s3, s0;
	s1 =	sshll.u32 s1, $0x11  }
0xbb: {  	s0 =	sor.u32 s1, s0  }
0xbc: {  	s0 =	sadd.s32 $0x8F2B, s0  }
0xbd: {  	[sflag:s0] =	ssyncadd.remote.s32 $0x1  }
0xbe: {  	_ =	sfence.sel $0xFFFF  }
0xbf: {  	[dreg:$0x0] =	wrdreg $0xFFFFFFFF;
	(pc) =	sbr.abs _section_cstart, $3  }
0xc0: {  	[dreg:$0x1] =	wrdreg $0xFFFFFFFF  }
0xc1: {  	_ =	task.clear_ibuf [dreg:s6], $0x2FFFF;
	_ =	strace $0x9FFFFFFF  }
0xc2: {  	(tm) =	ssettm $0x7FFFFFFF  }
0xc3: {  	_ =	shalt  }
tec
execute0_lowered:
.L_overlay_start_1:
0x0: {  	(tag) =	ssettag $0x1  }
0x1: {  	s2 =	stileid.u32  }
0x2: {  	s18 =	smul.u32 $0x500, s2  }
0x3: {  	s9 =	smul.u32 $0xA000, s2;
	s7 =	sor.u32 $0x10, s2  }
0x4: {  	s20 =	smul.u32 $0x500, s7  }
0x5: {  	s0 =	rddreg [dreg:$0x0];
	s13 =	sor.u32 $0x20, s2;
	s12 =	smul.u32 $0xA000, s7  }
0x6: {  	s1 =	rddreg [dreg:$0x1];
	s3 =	simm.s32 $0x0;
	s21 =	smul.u32 $0x500, s13  }
0x7: {  	s4 =	sadd.s32 $0x3F600, s0;
	s29 =	sor.u32 $0x30, s2;
	s28 =	smul.u32 $0xA000, s13  }
0x8: {  	s5 =	sadd.s32 $0x66800, s0;
	s6 =	sshll.u32 s2, $0x4;
	s22 =	smul.u32 $0x500, s29  }
0x9: {  	s14 =	sor.u32 $0x40, s2;
	s19 =	sadd.s32 s6, s0;
	s31 =	smul.u32 $0xA000, s29  }
0xa: {  	s6 =	sadd.s32 $0x8DA00, s0;
	s7 =	sadd.s32 $0xB4C00, s0;
	s0 =	smul.u32 $0x500, s14  }
0xb: {  	s25 =	srdreg.scid;
	s15 =	sor.u32 $0x50, s2;
	s14 =	smul.u32 $0xA000, s14  }
0xc: {  	[smem:$0x7FF] =	sst s3;
	s8 =	sand.u32 $0x1, s25;
	s23 =	smul.u32 $0x500, s15  }
0xd: {  	s16 =	sor.u32 $0x60, s2;
	s24 =	sor.u32 $0x70, s2;
	s15 =	smul.u32 $0xA000, s15  }
0xe: {  	_ =	strace $0x8000004D;
	s10 =	ssub.s32 $0x2, s8;
	s17 =	smul.u32 $0xA000, s16  }
0xf: {  	p0 =	seq.s32 s8, $0x1;
	s25 =	smul.u32 $0xA000, s24;
	p1 =	sgt.u32 s24, $0x7C  }
0x10: {  	p2 =	slt.u32 s24, $0x7D;
	s11 =	sshrl.u32 s10, $0x1;
	s30 =	sshrl.u32 s9, $0x2  }
0x11: {  	s29 =	sadd.s32 s6, s18;
	s26 =	ssub.s32 s10, s11;
	s12 =	sshrl.u32 s12, $0x2  }
0x12: {  	s9 =	sadd.s32 s30, s1;
	s11 =	sshrl.u32 s28, $0x2;
	s13 =	sshrl.u32 s31, $0x2  }
0x13: {  	s14 =	sshrl.u32 s14, $0x2;
	s15 =	sshrl.u32 s15, $0x2;
	s17 =	sshrl.u32 s17, $0x2  }
0x14: {  	s25 =	sshrl.u32 s25, $0x2;
	s28 =	sadd.s32 s4, s18;
	[dreg:$0x5] =	wrdreg s29  }
0x15: {  	s30 =	sadd.s32 s5, s18;
	s18 =	sadd.s32 s7, s18;
	s31 =	sadd.s32 s4, s20  }
0x16: {  	s29 =	sadd.s32 s4, s21;
	s8 =	smax.u32 s26, $0x1;
	[dreg:$0x4] =	wrdreg s28  }
0x17: {  	s10 =	sadd.s32 s12, s1;
	s12 =	sadd.s32 s13, s1;
	[dreg:$0x6] =	wrdreg s30  }
0x18: {  	s13 =	sadd.s32 s14, s1;
	s14 =	sadd.s32 s15, s1;
	[dreg:$0x7] =	wrdreg s18  }
0x19: {  	s26 =	smul.u32 $0x500, s16;
	s15 =	sadd.s32 s17, s1;
	[dreg:$0x8] =	wrdreg s31  }
0x1a: {  	s16 =	smul.u32 $0x500, s24;
	s24 =	sadd.s32 s6, s20;
	[dreg:$0xc] =	wrdreg s29  }
0x1b: {  	s17 =	sadd.s32 s25, s1;
	s25 =	sadd.s32 s5, s20;
	[dreg:$0x9] =	wrdreg s24  }
0x1c: {  	s28 =	sadd.s32 s7, s20;
	[dreg:$0xa] =	wrdreg s25  }
0x1d: {  	s30 =	sadd.s32 s6, s21;
	[dreg:$0xb] =	wrdreg s28  }
0x1e: {  	s31 =	sadd.s32 s5, s21;
	[dreg:$0xd] =	wrdreg s30  }
0x1f: {  	s20 =	sadd.s32 s7, s21;
	[dreg:$0xe] =	wrdreg s31  }
0x20: {  	s21 =	sadd.s32 s4, s22;
	[dreg:$0xf] =	wrdreg s20  }
0x21: {  	s29 =	sadd.s32 s4, s0;
	[dreg:$0x10] =	wrdreg s21  }
0x22: {  	s24 =	sadd.s32 s6, s22;
	[dreg:$0x14] =	wrdreg s29  }
0x23: {  	s25 =	sadd.s32 s5, s22;
	[dreg:$0x11] =	wrdreg s24  }
0x24: {  	s28 =	sadd.s32 s7, s22;
	[dreg:$0x12] =	wrdreg s25  }
0x25: {  	s30 =	sadd.s32 s6, s0;
	[dreg:$0x13] =	wrdreg s28  }
0x26: {  	s31 =	sadd.s32 s5, s0;
	[dreg:$0x15] =	wrdreg s30  }
0x27: {  	s0 =	sadd.s32 s7, s0;
	[dreg:$0x16] =	wrdreg s31  }
0x28: {  	s20 =	sadd.s32 s4, s23;
	[dreg:$0x17] =	wrdreg s0  }
0x29: {  	s21 =	sadd.s32 s6, s23;
	[dreg:$0x18] =	wrdreg s20  }
0x2a: {  	s22 =	sadd.s32 s5, s23;
	[dreg:$0x19] =	wrdreg s21  }
0x2b: {  	s23 =	sadd.s32 s7, s23;
	[dreg:$0x1a] =	wrdreg s22  }
0x2c: {  	[dreg:$0x1b] =	wrdreg s23  }
0x2d: {  	s11 =	sadd.s32 s11, s1;
	s24 =	sadd.s32 s4, s26;
	[dreg:$0x3] =	wrdreg s16  }
0x2e: {  	s18 =	sadd.s32 $0xE600, s19;
	s25 =	sadd.s32 s6, s26;
	[dreg:$0x1c] =	wrdreg s24  }
.Ltmp0:
0x2f: {  	s28 =	sadd.s32 s5, s26;
	[dreg:$0x1d] =	wrdreg s25;
	(pc) =	sbr.rel .LBB2_1-.Ltmp0, $4  }
0x30: {  	s19 =	sadd.s32 $0x4800, s19;
	s29 =	sadd.s32 s7, s26;
	[dreg:$0x1e] =	wrdreg s28  }
0x31: {  	s30 =	sadd.s32 s4, s16;
	s31 =	sadd.s32 s5, s16;
	[dreg:$0x1f] =	wrdreg s29  }
0x32: {  	s22 =	simm.s32 $0x13880;
	s23 =	simm.s32 $0x3;
	[smem:$0x7FC] =	sst s30  }
0x33: {  	[smem:$0x7FD] =	sst s31;
	s24 =	simm.s32 $0x2;
	s25 =	simm.s32 $0x0  }
.LBB2_8:
0x34: {  	[tilespmem:s22], [sflag:$0x3] =	stream.linear.gather [spmem:s17], $0x2800, $0x38;
	[tilespmem:$0x1A180] =	vst v63  }
0x35: {  	_ =	swait.ge [sflag:s23], $0x2800  }
0x36: {  	[sflag:s23] =	ssyncset.done $0x0;
	s0 =	rddreg [dreg:$0x3]  }
0x37: {  	s0 =	sadd.s32 s26, s0;
	[sflag:s23] =	ssyncadd.s32 $0xFFFFD800  }
0x38: {  	[hbm4b:s0+s3] =	stream.linear.scatter [tilespmem:s22], [sflag:$0x2], $0x2800, $0x38;
	[tilespmem:$0x1A180] =	vst v63  }
0x39: {  	_ =	swait.ge [sflag:s24], $0x2800  }
0x3a: {  	[sflag:s24] =	ssyncset.done $0x0  }
0x3b: {  	[sflag:s24] =	ssyncadd.s32 $0xFFFFD800  }
.LBB2_9:
0x3c: {  	s25 =	sadd.s32 $0x1, s25  }
0x3d: {  	p3 =	sne.s32 s25, s8  }
.Ltmp1:
0x3e: {  	_ = 	snop;
	(pc) =	sbr.rel @!p3 .LBB2_10-.Ltmp1, $1  }
0x3f: {  	_ =	sdelay $0x3  }
.LBB2_1:
.Ltmp2:
0x40: {  	(pc) =	sbr.rel @!p0 .LBB2_2-.Ltmp2, $1  }
0x41: {  	_ =	sdelay $0x3  }
0x42: {  	s0 =	rddreg [dreg:$0x6]  }
0x43: {  	[tilespmem:s22], [sflag:$0x3] =	stream.linear.gather [hbm4b:s0+s3], $0x2800, $0x38;
	[tilespmem:$0x1A180] =	vst v63  }
0x44: {  	_ =	swait.ge [sflag:s23], $0x2800  }
0x45: {  	[sflag:s23] =	ssyncset.done $0x0  }
0x46: {  	[sflag:s23] =	ssyncadd.s32 $0xFFFFD800  }
0x47: {  	[spmem:s9] =	stream.linear.scatter [tilespmem:s22], [sflag:$0x2], $0x2800, $0x38;
	[tilespmem:$0x1A180] =	vst v63  }
0x48: {  	_ =	swait.ge [sflag:s24], $0x2800  }
0x49: {  	[sflag:s24] =	ssyncset.done $0x0  }
0x4a: {  	s31 =	rddreg [dreg:$0xa];
	[sflag:s24] =	ssyncadd.s32 $0xFFFFD800  }
0x4b: {  	[tilespmem:s22], [sflag:$0x3] =	stream.linear.gather [hbm4b:s31+s3], $0x2800, $0x38;
	[tilespmem:$0x1A180] =	vst v63  }
0x4c: {  	_ =	swait.ge [sflag:s23], $0x2800  }
0x4d: {  	[sflag:s23] =	ssyncset.done $0x0  }
0x4e: {  	[sflag:s23] =	ssyncadd.s32 $0xFFFFD800  }
0x4f: {  	[spmem:s10] =	stream.linear.scatter [tilespmem:s22], [sflag:$0x2], $0x2800, $0x38;
	[tilespmem:$0x1A180] =	vst v63  }
0x50: {  	_ =	swait.ge [sflag:s24], $0x2800  }
0x51: {  	[sflag:s24] =	ssyncset.done $0x0  }
0x52: {  	s16 =	rddreg [dreg:$0xe];
	[sflag:s24] =	ssyncadd.s32 $0xFFFFD800  }
0x53: {  	[tilespmem:s22], [sflag:$0x3] =	stream.linear.gather [hbm4b:s16+s3], $0x2800, $0x38;
	[tilespmem:$0x1A180] =	vst v63  }
0x54: {  	_ =	swait.ge [sflag:s23], $0x2800  }
0x55: {  	[sflag:s23] =	ssyncset.done $0x0  }
0x56: {  	[sflag:s23] =	ssyncadd.s32 $0xFFFFD800  }
0x57: {  	[spmem:s11] =	stream.linear.scatter [tilespmem:s22], [sflag:$0x2], $0x2800, $0x38;
	[tilespmem:$0x1A180] =	vst v63  }
0x58: {  	_ =	swait.ge [sflag:s24], $0x2800  }
0x59: {  	[sflag:s24] =	ssyncset.done $0x0  }
0x5a: {  	s20 =	rddreg [dreg:$0x12];
	[sflag:s24] =	ssyncadd.s32 $0xFFFFD800  }
0x5b: {  	[tilespmem:s22], [sflag:$0x3] =	stream.linear.gather [hbm4b:s20+s3], $0x2800, $0x38;
	[tilespmem:$0x1A180] =	vst v63  }
0x5c: {  	_ =	swait.ge [sflag:s23], $0x2800  }
0x5d: {  	[sflag:s23] =	ssyncset.done $0x0  }
0x5e: {  	[sflag:s23] =	ssyncadd.s32 $0xFFFFD800  }
0x5f: {  	[spmem:s12] =	stream.linear.scatter [tilespmem:s22], [sflag:$0x2], $0x2800, $0x38;
	[tilespmem:$0x1A180] =	vst v63  }
0x60: {  	_ =	swait.ge [sflag:s24], $0x2800  }
0x61: {  	[sflag:s24] =	ssyncset.done $0x0  }
0x62: {  	s21 =	rddreg [dreg:$0x16];
	[sflag:s24] =	ssyncadd.s32 $0xFFFFD800  }
0x63: {  	[tilespmem:s22], [sflag:$0x3] =	stream.linear.gather [hbm4b:s21+s3], $0x2800, $0x38;
	[tilespmem:$0x1A180] =	vst v63  }
0x64: {  	_ =	swait.ge [sflag:s23], $0x2800  }
0x65: {  	[sflag:s23] =	ssyncset.done $0x0  }
0x66: {  	[sflag:s23] =	ssyncadd.s32 $0xFFFFD800  }
0x67: {  	[spmem:s13] =	stream.linear.scatter [tilespmem:s22], [sflag:$0x2], $0x2800, $0x38;
	[tilespmem:$0x1A180] =	vst v63  }
0x68: {  	_ =	swait.ge [sflag:s24], $0x2800  }
0x69: {  	[sflag:s24] =	ssyncset.done $0x0  }
0x6a: {  	s26 =	rddreg [dreg:$0x1a];
	[sflag:s24] =	ssyncadd.s32 $0xFFFFD800  }
0x6b: {  	[tilespmem:s22], [sflag:$0x3] =	stream.linear.gather [hbm4b:s26+s3], $0x2800, $0x38;
	[tilespmem:$0x1A180] =	vst v63  }
0x6c: {  	_ =	swait.ge [sflag:s23], $0x2800  }
0x6d: {  	[sflag:s23] =	ssyncset.done $0x0  }
0x6e: {  	[sflag:s23] =	ssyncadd.s32 $0xFFFFD800  }
0x6f: {  	[spmem:s14] =	stream.linear.scatter [tilespmem:s22], [sflag:$0x2], $0x2800, $0x38;
	[tilespmem:$0x1A180] =	vst v63  }
0x70: {  	_ =	swait.ge [sflag:s24], $0x2800  }
0x71: {  	[sflag:s24] =	ssyncset.done $0x0  }
0x72: {  	s31 =	rddreg [dreg:$0x1e];
	[sflag:s24] =	ssyncadd.s32 $0xFFFFD800  }
0x73: {  	[tilespmem:s22], [sflag:$0x3] =	stream.linear.gather [hbm4b:s31+s3], $0x2800, $0x38;
	[tilespmem:$0x1A180] =	vst v63  }
0x74: {  	_ =	swait.ge [sflag:s23], $0x2800  }
0x75: {  	[sflag:s23] =	ssyncset.done $0x0  }
0x76: {  	[sflag:s23] =	ssyncadd.s32 $0xFFFFD800  }
0x77: {  	[spmem:s15] =	stream.linear.scatter [tilespmem:s22], [sflag:$0x2], $0x2800, $0x38;
	[tilespmem:$0x1A180] =	vst v63  }
0x78: {  	_ =	swait.ge [sflag:s24], $0x2800  }
0x79: {  	s20 =	sld [smem:$0x7FD]  }
0x7a: {  	[sflag:s24] =	ssyncset.done $0x0  }
0x7b: {  	s0 =	simm.s32 @!p1 $0x0;
	s16 =	simm.s32 @!p1 $0x13880;
	[sflag:s24] =	ssyncadd.s32 $0xFFFFD800  }
0x7c: {  	[tilespmem:s16], [sflag:$0x3] =	stream.linear.gather @!p1 [hbm4b:s20+s0], $0x2800, $0x38;
	[tilespmem:$0x1A180] =	vst v63  }
0x7d: {  	s0 =	simm.s32 @!p1 $0x3  }
0x7e: {  	_ =	swait.ge @!p1 [sflag:s0], $0x2800  }
0x7f: {  	[sflag:s0] =	ssyncset.done @!p1 $0x0  }
0x80: {  	[sflag:s0] =	ssyncadd.s32 @!p1 $0xFFFFD800;
	s0 =	simm.s32 @!p1 $0x2  }
0x81: {  	[spmem:s17] =	stream.linear.scatter @!p1 [tilespmem:s16], [sflag:$0x2], $0x2800, $0x38;
	[tilespmem:$0x1A180] =	vst v63  }
0x82: {  	_ =	swait.ge @!p1 [sflag:s0], $0x2800  }
0x83: {  	p3 =	sgt.u32 s2, $0x9C3;
	[sflag:s0] =	ssyncset.done @!p1 $0x0  }
0x84: {  	s21 =	simm.s32 @!p3 $0x3;
	s20 =	simm.s32 @!p3 $0x16080;
	[sflag:s0] =	ssyncadd.s32 @!p1 $0xFFFFD800  }
0x85: {  	s16 =	simm.s32 @!p3 $0x0;
	s0 =	sadd.s32 @!p3 $0x0, s19;
	[bflag:$0x0] =	sbarrier.arrive $0xFFFF  }
0x86: {  	[tilespmem:s20], [sflag:$0x3] =	stream.linear.gather @!p3 [hbm4b:s0+s16], $0x80, $0x38;
	[tilespmem:$0x1A180] =	vst v63  }
0x87: {  	_ =	swait.ge @!p3 [sflag:s21], $0x80  }
0x88: {  	[sflag:s21] =	ssyncset.done @!p3 $0x0  }
0x89: {  	s26 =	simm.s32 @!p3 $0x16100;
	s0 =	sadd.s32 @!p3 $0x0, s18;
	[sflag:s21] =	ssyncadd.s32 @!p3 $0xFFFFFF80  }
0x8a: {  	[tilespmem:s26], [sflag:$0x3] =	stream.linear.gather @!p3 [hbm4b:s0+s16], $0x80, $0x38;
	[tilespmem:$0x1A180] =	vst v63  }
0x8b: {  	_ =	swait.ge @!p3 [sflag:s21], $0x80;
	p3 =	por p3, p3  }
0x8c: {  	[sflag:s21] =	ssyncset.done @!p3 $0x0  }
0x8d: {  	s0 =	simm.s32 @!p3 $0x80;
	s16 =	simm.s32 @!p3 $0x16180;
	[sflag:s21] =	ssyncadd.s32 @!p3 $0xFFFFFF80  }
0x8e: {  	[tilespmem:s16], [sflag:$0x1] =	stream.indirect.gather @!p3 [hbm4b:s5+s0], $0x80, s20, s0, $0xb8;
	[tilespmem:$0x1A180] =	vst v63  }
0x8f: {  	s20 =	simm.s32 @!p3 $0x1  }
0x90: {  	_ =	swait.ge @!p3 [sflag:s20], $0x4000  }
0x91: {  	s28 =	sadd.s32 $0x10, s2;
	[sflag:s20] =	ssyncset.done @!p3 $0x0  }
0x92: {  	s29 =	simm.s32 $0x200;
	s30 =	simm.s32 @!p3 $0x2;
	[sflag:s20] =	ssyncadd.s32 @!p3 $0xFFFFC000  }
0x93: {  	[spmem:s1] =	stream.indirect.scatter.add.f32 @!p3 [tilespmem:s16], [sflag:$0x2], $0x80, s26, s0, $0xb8;
	[tilespmem:$0x1A180] =	vst v63  }
0x94: {  	p4 =	sgt.u32 s28, $0x9C3;
	s26 =	simm.s32 $0x100;
	_ =	swait.ge @!p3 [sflag:s30], $0x4000  }
.LBB2_6:
0x95: {  	s0 =	sadd.s32 @!p4 s26, s19;
	s16 =	simm.s32 @!p4 $0x0;
	[sflag:s30] =	ssyncset.done @!p3 $0x0  }
0x96: {  	s20 =	simm.s32 @!p4 $0x16080;
	s21 =	simm.s32 @!p4 $0x3;
	[sflag:s30] =	ssyncadd.s32 @!p3 $0xFFFFC000  }
0x97: {  	[tilespmem:s20], [sflag:$0x3] =	stream.linear.gather @!p4 [hbm4b:s0+s16], $0x80, $0x38;
	[tilespmem:$0x1A180] =	vst v63  }
0x98: {  	s0 =	smov.u32 s29;
	s29 =	sadd.s32 $0x100, s29;
	_ =	swait.ge @!p4 [sflag:s21], $0x80  }
0x99: {  	s31 =	simm.s32 @!p4 $0x16100;
	s30 =	sadd.s32 @!p4 s26, s18;
	[sflag:s21] =	ssyncset.done @!p4 $0x0  }
0x9a: {  	p5 =	sne.s32 s29, $0x9D00;
	s26 =	smov.u32 s0;
	[sflag:s21] =	ssyncadd.s32 @!p4 $0xFFFFFF80  }
0x9b: {  	[tilespmem:s31], [sflag:$0x3] =	stream.linear.gather @!p4 [hbm4b:s30+s16], $0x80, $0x38;
	[tilespmem:$0x1A180] =	vst v63  }
0x9c: {  	p3 =	por p4, p4;
	_ =	swait.ge @!p4 [sflag:s21], $0x80  }
0x9d: {  	s0 =	simm.s32 @!p3 $0x80;
	s16 =	simm.s32 @!p3 $0x16180;
	[sflag:s21] =	ssyncset.done @!p3 $0x0  }
0x9e: {  	[sflag:s21] =	ssyncadd.s32 @!p3 $0xFFFFFF80;
	s21 =	simm.s32 @!p3 $0x1  }
0x9f: {  	[tilespmem:s16], [sflag:$0x1] =	stream.indirect.gather @!p3 [hbm4b:s5+s0], $0x80, s20, s0, $0xb8;
	[tilespmem:$0x1A180] =	vst v63  }
.Ltmp3:
0xa0: {  	_ =	swait.ge @!p3 [sflag:s21], $0x4000;
	(pc) =	sbr.rel @p5 .LBB2_6-.Ltmp3, $4  }
0xa1: {  	[sflag:s21] =	ssyncset.done @!p3 $0x0  }
0xa2: {  	s28 =	sadd.s32 $0x10, s28;
	s30 =	simm.s32 @!p3 $0x2;
	[sflag:s21] =	ssyncadd.s32 @!p3 $0xFFFFC000  }
0xa3: {  	[spmem:s1] =	stream.indirect.scatter.add.f32 @!p3 [tilespmem:s16], [sflag:$0x2], $0x80, s31, s0, $0xb8;
	[tilespmem:$0x1A180] =	vst v63  }
0xa4: {  	p4 =	sgt.u32 s28, $0x9C3;
	_ =	swait.ge @!p3 [sflag:s30], $0x4000  }
0xa5: {  	s0 =	sadd.s32 @!p4 s26, s19;
	s16 =	simm.s32 @!p4 $0x0;
	[sflag:s30] =	ssyncset.done @!p3 $0x0  }
0xa6: {  	s20 =	simm.s32 @!p4 $0x16080;
	s21 =	simm.s32 @!p4 $0x3;
	[sflag:s30] =	ssyncadd.s32 @!p3 $0xFFFFC000  }
0xa7: {  	[tilespmem:s20], [sflag:$0x3] =	stream.linear.gather @!p4 [hbm4b:s0+s16], $0x80, $0x38;
	[tilespmem:$0x1A180] =	vst v63  }
0xa8: {  	_ =	swait.ge @!p4 [sflag:s21], $0x80  }
0xa9: {  	[sflag:s21] =	ssyncset.done @!p4 $0x0  }
0xaa: {  	s0 =	sadd.s32 @!p4 s26, s18;
	s26 =	simm.s32 @!p4 $0x16100;
	[sflag:s21] =	ssyncadd.s32 @!p4 $0xFFFFFF80  }
0xab: {  	[tilespmem:s26], [sflag:$0x3] =	stream.linear.gather @!p4 [hbm4b:s0+s16], $0x80, $0x38;
	[tilespmem:$0x1A180] =	vst v63  }
0xac: {  	p3 =	por p4, p4;
	_ =	swait.ge @!p4 [sflag:s21], $0x80  }
0xad: {  	[sflag:s21] =	ssyncset.done @!p3 $0x0  }
0xae: {  	s0 =	simm.s32 @!p3 $0x80;
	s16 =	simm.s32 @!p3 $0x16180;
	[sflag:s21] =	ssyncadd.s32 @!p3 $0xFFFFFF80  }
0xaf: {  	[tilespmem:s16], [sflag:$0x1] =	stream.indirect.gather @!p3 [hbm4b:s5+s0], $0x80, s20, s0, $0xb8;
	[tilespmem:$0x1A180] =	vst v63  }
0xb0: {  	s20 =	simm.s32 @!p3 $0x1  }
0xb1: {  	_ =	swait.ge @!p3 [sflag:s20], $0x4000  }
0xb2: {  	[sflag:s20] =	ssyncset.done @!p3 $0x0  }
0xb3: {  	[sflag:s20] =	ssyncadd.s32 @!p3 $0xFFFFC000  }
0xb4: {  	[spmem:s1] =	stream.indirect.scatter.add.f32 @!p3 [tilespmem:s16], [sflag:$0x2], $0x80, s26, s0, $0xb8;
	[tilespmem:$0x1A180] =	vst v63  }
0xb5: {  	s0 =	simm.s32 @!p3 $0x2  }
0xb6: {  	_ =	swait.ge @!p3 [sflag:s0], $0x4000  }
0xb7: {  	[sflag:s0] =	ssyncset.done @!p3 $0x0  }
0xb8: {  	[sflag:s0] =	ssyncadd.s32 @!p3 $0xFFFFC000  }
0xb9: {  	[bflag:$0x0] =	sbarrier.arrive $0xFFFF  }
0xba: {  	[tilespmem:s22], [sflag:$0x3] =	stream.linear.gather [spmem:s9], $0x2800, $0x38;
	[tilespmem:$0x1A180] =	vst v63  }
0xbb: {  	_ =	swait.ge [sflag:s23], $0x2800  }
0xbc: {  	[sflag:s23] =	ssyncset.done $0x0  }
0xbd: {  	s20 =	rddreg [dreg:$0x7];
	[sflag:s23] =	ssyncadd.s32 $0xFFFFD800  }
0xbe: {  	[hbm4b:s20+s3] =	stream.linear.scatter [tilespmem:s22], [sflag:$0x2], $0x2800, $0x38;
	[tilespmem:$0x1A180] =	vst v63  }
0xbf: {  	_ =	swait.ge [sflag:s24], $0x2800  }
0xc0: {  	[sflag:s24] =	ssyncset.done $0x0  }
0xc1: {  	[sflag:s24] =	ssyncadd.s32 $0xFFFFD800  }
0xc2: {  	[tilespmem:s22], [sflag:$0x3] =	stream.linear.gather [spmem:s10], $0x2800, $0x38;
	[tilespmem:$0x1A180] =	vst v63  }
0xc3: {  	_ =	swait.ge [sflag:s23], $0x2800  }
0xc4: {  	[sflag:s23] =	ssyncset.done $0x0  }
0xc5: {  	s21 =	rddreg [dreg:$0xb];
	[sflag:s23] =	ssyncadd.s32 $0xFFFFD800  }
0xc6: {  	[hbm4b:s21+s3] =	stream.linear.scatter [tilespmem:s22], [sflag:$0x2], $0x2800, $0x38;
	[tilespmem:$0x1A180] =	vst v63  }
0xc7: {  	_ =	swait.ge [sflag:s24], $0x2800  }
0xc8: {  	[sflag:s24] =	ssyncset.done $0x0  }
0xc9: {  	[sflag:s24] =	ssyncadd.s32 $0xFFFFD800  }
0xca: {  	[tilespmem:s22], [sflag:$0x3] =	stream.linear.gather [spmem:s11], $0x2800, $0x38;
	[tilespmem:$0x1A180] =	vst v63  }
0xcb: {  	_ =	swait.ge [sflag:s23], $0x2800  }
0xcc: {  	[sflag:s23] =	ssyncset.done $0x0  }
0xcd: {  	s26 =	rddreg [dreg:$0xf];
	[sflag:s23] =	ssyncadd.s32 $0xFFFFD800  }
0xce: {  	[hbm4b:s26+s3] =	stream.linear.scatter [tilespmem:s22], [sflag:$0x2], $0x2800, $0x38;
	[tilespmem:$0x1A180] =	vst v63  }
0xcf: {  	_ =	swait.ge [sflag:s24], $0x2800  }
0xd0: {  	[sflag:s24] =	ssyncset.done $0x0  }
0xd1: {  	[sflag:s24] =	ssyncadd.s32 $0xFFFFD800  }
0xd2: {  	[tilespmem:s22], [sflag:$0x3] =	stream.linear.gather [spmem:s12], $0x2800, $0x38;
	[tilespmem:$0x1A180] =	vst v63  }
0xd3: {  	_ =	swait.ge [sflag:s23], $0x2800  }
0xd4: {  	[sflag:s23] =	ssyncset.done $0x0  }
0xd5: {  	s28 =	rddreg [dreg:$0x13];
	[sflag:s23] =	ssyncadd.s32 $0xFFFFD800  }
0xd6: {  	[hbm4b:s28+s3] =	stream.linear.scatter [tilespmem:s22], [sflag:$0x2], $0x2800, $0x38;
	[tilespmem:$0x1A180] =	vst v63  }
0xd7: {  	_ =	swait.ge [sflag:s24], $0x2800  }
0xd8: {  	[sflag:s24] =	ssyncset.done $0x0  }
0xd9: {  	[sflag:s24] =	ssyncadd.s32 $0xFFFFD800  }
0xda: {  	[tilespmem:s22], [sflag:$0x3] =	stream.linear.gather [spmem:s13], $0x2800, $0x38;
	[tilespmem:$0x1A180] =	vst v63  }
0xdb: {  	_ =	swait.ge [sflag:s23], $0x2800  }
0xdc: {  	[sflag:s23] =	ssyncset.done $0x0  }
0xdd: {  	s29 =	rddreg [dreg:$0x17];
	[sflag:s23] =	ssyncadd.s32 $0xFFFFD800  }
0xde: {  	[hbm4b:s29+s3] =	stream.linear.scatter [tilespmem:s22], [sflag:$0x2], $0x2800, $0x38;
	[tilespmem:$0x1A180] =	vst v63  }
0xdf: {  	_ =	swait.ge [sflag:s24], $0x2800  }
0xe0: {  	[sflag:s24] =	ssyncset.done $0x0  }
0xe1: {  	[sflag:s24] =	ssyncadd.s32 $0xFFFFD800  }
0xe2: {  	[tilespmem:s22], [sflag:$0x3] =	stream.linear.gather [spmem:s14], $0x2800, $0x38;
	[tilespmem:$0x1A180] =	vst v63  }
0xe3: {  	_ =	swait.ge [sflag:s23], $0x2800  }
0xe4: {  	[sflag:s23] =	ssyncset.done $0x0  }
0xe5: {  	s30 =	rddreg [dreg:$0x1b];
	[sflag:s23] =	ssyncadd.s32 $0xFFFFD800  }
0xe6: {  	[hbm4b:s30+s3] =	stream.linear.scatter [tilespmem:s22], [sflag:$0x2], $0x2800, $0x38;
	[tilespmem:$0x1A180] =	vst v63  }
0xe7: {  	_ =	swait.ge [sflag:s24], $0x2800  }
0xe8: {  	[sflag:s24] =	ssyncset.done $0x0  }
0xe9: {  	[sflag:s24] =	ssyncadd.s32 $0xFFFFD800  }
0xea: {  	[tilespmem:s22], [sflag:$0x3] =	stream.linear.gather [spmem:s15], $0x2800, $0x38;
	[tilespmem:$0x1A180] =	vst v63  }
0xeb: {  	_ =	swait.ge [sflag:s23], $0x2800  }
0xec: {  	[sflag:s23] =	ssyncset.done $0x0  }
0xed: {  	s31 =	rddreg [dreg:$0x1f];
	[sflag:s23] =	ssyncadd.s32 $0xFFFFD800  }
0xee: {  	[hbm4b:s31+s3] =	stream.linear.scatter [tilespmem:s22], [sflag:$0x2], $0x2800, $0x38;
	[tilespmem:$0x1A180] =	vst v63  }
.Ltmp4:
0xef: {  	_ = 	snop;
	(pc) =	sbr.rel @p1 .LBB2_9-.Ltmp4, $4  }
.Ltmp5:
0xf0: {  	_ = 	snop;
	(pc) =	sbr.rel @!p1 .LBB2_8-.Ltmp5, $4  }
0xf1: {  	_ =	swait.ge [sflag:s24], $0x2800  }
0xf2: {  	[sflag:s24] =	ssyncset.done $0x0  }
0xf3: {  	s26 =	smov.u32 s7;
	[sflag:s24] =	ssyncadd.s32 $0xFFFFD800  }
0xf4: {  	_ = 	snop  }
.LBB2_2:
0xf5: {  	s0 =	rddreg [dreg:$0x4]  }
0xf6: {  	[tilespmem:s22], [sflag:$0x3] =	stream.linear.gather [hbm4b:s0+s3], $0x2800, $0x38;
	[tilespmem:$0x1A180] =	vst v63  }
0xf7: {  	_ =	swait.ge [sflag:s23], $0x2800  }
0xf8: {  	[sflag:s23] =	ssyncset.done $0x0  }
0xf9: {  	[sflag:s23] =	ssyncadd.s32 $0xFFFFD800  }
0xfa: {  	[spmem:s9] =	stream.linear.scatter [tilespmem:s22], [sflag:$0x2], $0x2800, $0x38;
	[tilespmem:$0x1A180] =	vst v63  }
0xfb: {  	_ =	swait.ge [sflag:s24], $0x2800  }
0xfc: {  	[sflag:s24] =	ssyncset.done $0x0  }
0xfd: {  	s31 =	rddreg [dreg:$0x8];
	[sflag:s24] =	ssyncadd.s32 $0xFFFFD800  }
0xfe: {  	[tilespmem:s22], [sflag:$0x3] =	stream.linear.gather [hbm4b:s31+s3], $0x2800, $0x38;
	[tilespmem:$0x1A180] =	vst v63  }
0xff: {  	_ =	swait.ge [sflag:s23], $0x2800  }
0x100: {  	[sflag:s23] =	ssyncset.done $0x0  }
0x101: {  	[sflag:s23] =	ssyncadd.s32 $0xFFFFD800  }
0x102: {  	[spmem:s10] =	stream.linear.scatter [tilespmem:s22], [sflag:$0x2], $0x2800, $0x38;
	[tilespmem:$0x1A180] =	vst v63  }
0x103: {  	_ =	swait.ge [sflag:s24], $0x2800  }
0x104: {  	[sflag:s24] =	ssyncset.done $0x0  }
0x105: {  	s16 =	rddreg [dreg:$0xc];
	[sflag:s24] =	ssyncadd.s32 $0xFFFFD800  }
0x106: {  	[tilespmem:s22], [sflag:$0x3] =	stream.linear.gather [hbm4b:s16+s3], $0x2800, $0x38;
	[tilespmem:$0x1A180] =	vst v63  }
0x107: {  	_ =	swait.ge [sflag:s23], $0x2800  }
0x108: {  	[sflag:s23] =	ssyncset.done $0x0  }
0x109: {  	[sflag:s23] =	ssyncadd.s32 $0xFFFFD800  }
0x10a: {  	[spmem:s11] =	stream.linear.scatter [tilespmem:s22], [sflag:$0x2], $0x2800, $0x38;
	[tilespmem:$0x1A180] =	vst v63  }
0x10b: {  	_ =	swait.ge [sflag:s24], $0x2800  }
0x10c: {  	[sflag:s24] =	ssyncset.done $0x0  }
0x10d: {  	s20 =	rddreg [dreg:$0x10];
	[sflag:s24] =	ssyncadd.s32 $0xFFFFD800  }
0x10e: {  	[tilespmem:s22], [sflag:$0x3] =	stream.linear.gather [hbm4b:s20+s3], $0x2800, $0x38;
	[tilespmem:$0x1A180] =	vst v63  }
0x10f: {  	_ =	swait.ge [sflag:s23], $0x2800  }
0x110: {  	[sflag:s23] =	ssyncset.done $0x0  }
0x111: {  	[sflag:s23] =	ssyncadd.s32 $0xFFFFD800  }
0x112: {  	[spmem:s12] =	stream.linear.scatter [tilespmem:s22], [sflag:$0x2], $0x2800, $0x38;
	[tilespmem:$0x1A180] =	vst v63  }
0x113: {  	_ =	swait.ge [sflag:s24], $0x2800  }
0x114: {  	[sflag:s24] =	ssyncset.done $0x0  }
0x115: {  	s21 =	rddreg [dreg:$0x14];
	[sflag:s24] =	ssyncadd.s32 $0xFFFFD800  }
0x116: {  	[tilespmem:s22], [sflag:$0x3] =	stream.linear.gather [hbm4b:s21+s3], $0x2800, $0x38;
	[tilespmem:$0x1A180] =	vst v63  }
0x117: {  	_ =	swait.ge [sflag:s23], $0x2800  }
0x118: {  	[sflag:s23] =	ssyncset.done $0x0  }
0x119: {  	[sflag:s23] =	ssyncadd.s32 $0xFFFFD800  }
0x11a: {  	[spmem:s13] =	stream.linear.scatter [tilespmem:s22], [sflag:$0x2], $0x2800, $0x38;
	[tilespmem:$0x1A180] =	vst v63  }
0x11b: {  	_ =	swait.ge [sflag:s24], $0x2800  }
0x11c: {  	[sflag:s24] =	ssyncset.done $0x0  }
0x11d: {  	s26 =	rddreg [dreg:$0x18];
	[sflag:s24] =	ssyncadd.s32 $0xFFFFD800  }
0x11e: {  	[tilespmem:s22], [sflag:$0x3] =	stream.linear.gather [hbm4b:s26+s3], $0x2800, $0x38;
	[tilespmem:$0x1A180] =	vst v63  }
0x11f: {  	_ =	swait.ge [sflag:s23], $0x2800  }
0x120: {  	[sflag:s23] =	ssyncset.done $0x0  }
0x121: {  	[sflag:s23] =	ssyncadd.s32 $0xFFFFD800  }
0x122: {  	[spmem:s14] =	stream.linear.scatter [tilespmem:s22], [sflag:$0x2], $0x2800, $0x38;
	[tilespmem:$0x1A180] =	vst v63  }
0x123: {  	_ =	swait.ge [sflag:s24], $0x2800  }
0x124: {  	[sflag:s24] =	ssyncset.done $0x0  }
0x125: {  	s31 =	rddreg [dreg:$0x1c];
	[sflag:s24] =	ssyncadd.s32 $0xFFFFD800  }
0x126: {  	[tilespmem:s22], [sflag:$0x3] =	stream.linear.gather [hbm4b:s31+s3], $0x2800, $0x38;
	[tilespmem:$0x1A180] =	vst v63  }
0x127: {  	_ =	swait.ge [sflag:s23], $0x2800  }
0x128: {  	[sflag:s23] =	ssyncset.done $0x0  }
0x129: {  	[sflag:s23] =	ssyncadd.s32 $0xFFFFD800  }
0x12a: {  	[spmem:s15] =	stream.linear.scatter [tilespmem:s22], [sflag:$0x2], $0x2800, $0x38;
	[tilespmem:$0x1A180] =	vst v63  }
0x12b: {  	_ =	swait.ge [sflag:s24], $0x2800  }
0x12c: {  	s0 =	sld [smem:$0x7FC]  }
0x12d: {  	[sflag:s24] =	ssyncset.done $0x0  }
0x12e: {  	s28 =	simm.s32 @!p1 $0x13880;
	s26 =	simm.s32 @!p1 $0x0;
	[sflag:s24] =	ssyncadd.s32 $0xFFFFD800  }
0x12f: {  	[tilespmem:s28], [sflag:$0x3] =	stream.linear.gather @!p1 [hbm4b:s0+s26], $0x2800, $0x38;
	[tilespmem:$0x1A180] =	vst v63  }
0x130: {  	s26 =	simm.s32 @!p1 $0x3  }
0x131: {  	_ =	swait.ge @!p1 [sflag:s26], $0x2800  }
0x132: {  	[sflag:s26] =	ssyncset.done @!p1 $0x0  }
0x133: {  	[sflag:s26] =	ssyncadd.s32 @!p1 $0xFFFFD800;
	s26 =	simm.s32 @!p1 $0x2  }
0x134: {  	[spmem:s17] =	stream.linear.scatter @!p1 [tilespmem:s28], [sflag:$0x2], $0x2800, $0x38;
	[tilespmem:$0x1A180] =	vst v63  }
0x135: {  	_ =	swait.ge @!p1 [sflag:s26], $0x2800  }
0x136: {  	p3 =	sgt.u32 s2, $0x9C3;
	[sflag:s26] =	ssyncset.done @!p1 $0x0  }
0x137: {  	s29 =	simm.s32 @!p3 $0x16080;
	s30 =	simm.s32 @!p3 $0x3;
	[sflag:s26] =	ssyncadd.s32 @!p1 $0xFFFFD800  }
0x138: {  	s28 =	simm.s32 @!p3 $0x0;
	s26 =	sadd.s32 @!p3 $0x0, s19;
	[bflag:$0x0] =	sbarrier.arrive $0xFFFF  }
0x139: {  	[tilespmem:s29], [sflag:$0x3] =	stream.linear.gather @!p3 [hbm4b:s26+s28], $0x80, $0x38;
	[tilespmem:$0x1A180] =	vst v63  }
0x13a: {  	_ =	swait.ge @!p3 [sflag:s30], $0x80  }
0x13b: {  	[sflag:s30] =	ssyncset.done @!p3 $0x0  }
0x13c: {  	s31 =	simm.s32 @!p3 $0x16100;
	s26 =	sadd.s32 @!p3 $0x0, s18;
	[sflag:s30] =	ssyncadd.s32 @!p3 $0xFFFFFF80  }
0x13d: {  	[tilespmem:s31], [sflag:$0x3] =	stream.linear.gather @!p3 [hbm4b:s26+s28], $0x80, $0x38;
	[tilespmem:$0x1A180] =	vst v63  }
0x13e: {  	_ =	swait.ge @!p3 [sflag:s30], $0x80;
	p3 =	por p3, p3  }
0x13f: {  	[sflag:s30] =	ssyncset.done @!p3 $0x0  }
0x140: {  	s26 =	simm.s32 @!p3 $0x80;
	s28 =	simm.s32 @!p3 $0x16180;
	[sflag:s30] =	ssyncadd.s32 @!p3 $0xFFFFFF80  }
0x141: {  	[tilespmem:s28], [sflag:$0x1] =	stream.indirect.gather @!p3 [hbm4b:s4+s26], $0x80, s29, s26, $0xb8;
	[tilespmem:$0x1A180] =	vst v63  }
0x142: {  	s29 =	simm.s32 @!p3 $0x1  }
0x143: {  	_ =	swait.ge @!p3 [sflag:s29], $0x4000  }
0x144: {  	[sflag:s29] =	ssyncset.done @!p3 $0x0  }
0x145: {  	[sflag:s29] =	ssyncadd.s32 @!p3 $0xFFFFC000  }
0x146: {  	[spmem:s1] =	stream.indirect.scatter.add.f32 @!p3 [tilespmem:s28], [sflag:$0x2], $0x80, s31, s26, $0xb8;
	[tilespmem:$0x1A180] =	vst v63  }
0x147: {  	s30 =	simm.s32 @!p3 $0x2;
	s29 =	simm.s32 $0x200;
	s28 =	sadd.s32 $0x10, s2  }
0x148: {  	s26 =	simm.s32 $0x100;
	p4 =	sgt.u32 s28, $0x9C3;
	_ =	swait.ge @!p3 [sflag:s30], $0x4000  }
.LBB2_3:
0x149: {  	s31 =	sadd.s32 @!p4 s26, s19;
	s0 =	simm.s32 @!p4 $0x0;
	[sflag:s30] =	ssyncset.done @!p3 $0x0  }
0x14a: {  	s20 =	simm.s32 @!p4 $0x16080;
	s21 =	simm.s32 @!p4 $0x3;
	[sflag:s30] =	ssyncadd.s32 @!p3 $0xFFFFC000  }
0x14b: {  	[tilespmem:s20], [sflag:$0x3] =	stream.linear.gather @!p4 [hbm4b:s31+s0], $0x80, $0x38;
	[tilespmem:$0x1A180] =	vst v63  }
0x14c: {  	s30 =	smov.u32 s29;
	s29 =	sadd.s32 $0x100, s29;
	_ =	swait.ge @!p4 [sflag:s21], $0x80  }
0x14d: {  	s16 =	simm.s32 @!p4 $0x16100;
	s31 =	sadd.s32 @!p4 s26, s18;
	[sflag:s21] =	ssyncset.done @!p4 $0x0  }
0x14e: {  	p5 =	sne.s32 s29, $0x9D00;
	s26 =	smov.u32 s30;
	[sflag:s21] =	ssyncadd.s32 @!p4 $0xFFFFFF80  }
0x14f: {  	[tilespmem:s16], [sflag:$0x3] =	stream.linear.gather @!p4 [hbm4b:s31+s0], $0x80, $0x38;
	[tilespmem:$0x1A180] =	vst v63  }
0x150: {  	p3 =	por p4, p4;
	_ =	swait.ge @!p4 [sflag:s21], $0x80  }
0x151: {  	s0 =	simm.s32 @!p3 $0x80;
	s31 =	simm.s32 @!p3 $0x16180;
	[sflag:s21] =	ssyncset.done @!p3 $0x0  }
0x152: {  	[sflag:s21] =	ssyncadd.s32 @!p3 $0xFFFFFF80;
	s21 =	simm.s32 @!p3 $0x1  }
0x153: {  	[tilespmem:s31], [sflag:$0x1] =	stream.indirect.gather @!p3 [hbm4b:s4+s0], $0x80, s20, s0, $0xb8;
	[tilespmem:$0x1A180] =	vst v63  }
.Ltmp6:
0x154: {  	_ =	swait.ge @!p3 [sflag:s21], $0x4000;
	(pc) =	sbr.rel @p5 .LBB2_3-.Ltmp6, $4  }
0x155: {  	[sflag:s21] =	ssyncset.done @!p3 $0x0  }
0x156: {  	s28 =	sadd.s32 $0x10, s28;
	s30 =	simm.s32 @!p3 $0x2;
	[sflag:s21] =	ssyncadd.s32 @!p3 $0xFFFFC000  }
0x157: {  	[spmem:s1] =	stream.indirect.scatter.add.f32 @!p3 [tilespmem:s31], [sflag:$0x2], $0x80, s16, s0, $0xb8;
	[tilespmem:$0x1A180] =	vst v63  }
0x158: {  	p4 =	sgt.u32 s28, $0x9C3;
	_ =	swait.ge @!p3 [sflag:s30], $0x4000  }
0x159: {  	s0 =	sadd.s32 @!p4 s26, s19;
	s16 =	simm.s32 @!p4 $0x0;
	[sflag:s30] =	ssyncset.done @!p3 $0x0  }
0x15a: {  	s20 =	simm.s32 @!p4 $0x16080;
	s21 =	simm.s32 @!p4 $0x3;
	[sflag:s30] =	ssyncadd.s32 @!p3 $0xFFFFC000  }
0x15b: {  	[tilespmem:s20], [sflag:$0x3] =	stream.linear.gather @!p4 [hbm4b:s0+s16], $0x80, $0x38;
	[tilespmem:$0x1A180] =	vst v63  }
0x15c: {  	_ =	swait.ge @!p4 [sflag:s21], $0x80  }
0x15d: {  	[sflag:s21] =	ssyncset.done @!p4 $0x0  }
0x15e: {  	s0 =	sadd.s32 @!p4 s26, s18;
	s26 =	simm.s32 @!p4 $0x16100;
	[sflag:s21] =	ssyncadd.s32 @!p4 $0xFFFFFF80  }
0x15f: {  	[tilespmem:s26], [sflag:$0x3] =	stream.linear.gather @!p4 [hbm4b:s0+s16], $0x80, $0x38;
	[tilespmem:$0x1A180] =	vst v63  }
0x160: {  	p3 =	por p4, p4;
	_ =	swait.ge @!p4 [sflag:s21], $0x80  }
0x161: {  	[sflag:s21] =	ssyncset.done @!p3 $0x0  }
0x162: {  	s0 =	simm.s32 @!p3 $0x80;
	s16 =	simm.s32 @!p3 $0x16180;
	[sflag:s21] =	ssyncadd.s32 @!p3 $0xFFFFFF80  }
0x163: {  	[tilespmem:s16], [sflag:$0x1] =	stream.indirect.gather @!p3 [hbm4b:s4+s0], $0x80, s20, s0, $0xb8;
	[tilespmem:$0x1A180] =	vst v63  }
0x164: {  	s20 =	simm.s32 @!p3 $0x1  }
0x165: {  	_ =	swait.ge @!p3 [sflag:s20], $0x4000  }
0x166: {  	[sflag:s20] =	ssyncset.done @!p3 $0x0  }
0x167: {  	[sflag:s20] =	ssyncadd.s32 @!p3 $0xFFFFC000  }
0x168: {  	[spmem:s1] =	stream.indirect.scatter.add.f32 @!p3 [tilespmem:s16], [sflag:$0x2], $0x80, s26, s0, $0xb8;
	[tilespmem:$0x1A180] =	vst v63  }
0x169: {  	s0 =	simm.s32 @!p3 $0x2  }
0x16a: {  	_ =	swait.ge @!p3 [sflag:s0], $0x4000  }
0x16b: {  	[sflag:s0] =	ssyncset.done @!p3 $0x0  }
0x16c: {  	[sflag:s0] =	ssyncadd.s32 @!p3 $0xFFFFC000  }
0x16d: {  	[bflag:$0x0] =	sbarrier.arrive $0xFFFF  }
0x16e: {  	[tilespmem:s22], [sflag:$0x3] =	stream.linear.gather [spmem:s9], $0x2800, $0x38;
	[tilespmem:$0x1A180] =	vst v63  }
0x16f: {  	_ =	swait.ge [sflag:s23], $0x2800  }
0x170: {  	[sflag:s23] =	ssyncset.done $0x0  }
0x171: {  	s20 =	rddreg [dreg:$0x5];
	[sflag:s23] =	ssyncadd.s32 $0xFFFFD800  }
0x172: {  	[hbm4b:s20+s3] =	stream.linear.scatter [tilespmem:s22], [sflag:$0x2], $0x2800, $0x38;
	[tilespmem:$0x1A180] =	vst v63  }
0x173: {  	_ =	swait.ge [sflag:s24], $0x2800  }
0x174: {  	[sflag:s24] =	ssyncset.done $0x0  }
0x175: {  	[sflag:s24] =	ssyncadd.s32 $0xFFFFD800  }
0x176: {  	[tilespmem:s22], [sflag:$0x3] =	stream.linear.gather [spmem:s10], $0x2800, $0x38;
	[tilespmem:$0x1A180] =	vst v63  }
0x177: {  	_ =	swait.ge [sflag:s23], $0x2800  }
0x178: {  	[sflag:s23] =	ssyncset.done $0x0  }
0x179: {  	s21 =	rddreg [dreg:$0x9];
	[sflag:s23] =	ssyncadd.s32 $0xFFFFD800  }
0x17a: {  	[hbm4b:s21+s3] =	stream.linear.scatter [tilespmem:s22], [sflag:$0x2], $0x2800, $0x38;
	[tilespmem:$0x1A180] =	vst v63  }
0x17b: {  	_ =	swait.ge [sflag:s24], $0x2800  }
0x17c: {  	[sflag:s24] =	ssyncset.done $0x0  }
0x17d: {  	[sflag:s24] =	ssyncadd.s32 $0xFFFFD800  }
0x17e: {  	[tilespmem:s22], [sflag:$0x3] =	stream.linear.gather [spmem:s11], $0x2800, $0x38;
	[tilespmem:$0x1A180] =	vst v63  }
0x17f: {  	_ =	swait.ge [sflag:s23], $0x2800  }
0x180: {  	[sflag:s23] =	ssyncset.done $0x0  }
0x181: {  	s26 =	rddreg [dreg:$0xd];
	[sflag:s23] =	ssyncadd.s32 $0xFFFFD800  }
0x182: {  	[hbm4b:s26+s3] =	stream.linear.scatter [tilespmem:s22], [sflag:$0x2], $0x2800, $0x38;
	[tilespmem:$0x1A180] =	vst v63  }
0x183: {  	_ =	swait.ge [sflag:s24], $0x2800  }
0x184: {  	[sflag:s24] =	ssyncset.done $0x0  }
0x185: {  	[sflag:s24] =	ssyncadd.s32 $0xFFFFD800  }
0x186: {  	[tilespmem:s22], [sflag:$0x3] =	stream.linear.gather [spmem:s12], $0x2800, $0x38;
	[tilespmem:$0x1A180] =	vst v63  }
0x187: {  	_ =	swait.ge [sflag:s23], $0x2800  }
0x188: {  	[sflag:s23] =	ssyncset.done $0x0  }
0x189: {  	s28 =	rddreg [dreg:$0x11];
	[sflag:s23] =	ssyncadd.s32 $0xFFFFD800  }
0x18a: {  	[hbm4b:s28+s3] =	stream.linear.scatter [tilespmem:s22], [sflag:$0x2], $0x2800, $0x38;
	[tilespmem:$0x1A180] =	vst v63  }
0x18b: {  	_ =	swait.ge [sflag:s24], $0x2800  }
0x18c: {  	[sflag:s24] =	ssyncset.done $0x0  }
0x18d: {  	[sflag:s24] =	ssyncadd.s32 $0xFFFFD800  }
0x18e: {  	[tilespmem:s22], [sflag:$0x3] =	stream.linear.gather [spmem:s13], $0x2800, $0x38;
	[tilespmem:$0x1A180] =	vst v63  }
0x18f: {  	_ =	swait.ge [sflag:s23], $0x2800  }
0x190: {  	[sflag:s23] =	ssyncset.done $0x0  }
0x191: {  	s29 =	rddreg [dreg:$0x15];
	[sflag:s23] =	ssyncadd.s32 $0xFFFFD800  }
0x192: {  	[hbm4b:s29+s3] =	stream.linear.scatter [tilespmem:s22], [sflag:$0x2], $0x2800, $0x38;
	[tilespmem:$0x1A180] =	vst v63  }
0x193: {  	_ =	swait.ge [sflag:s24], $0x2800  }
0x194: {  	[sflag:s24] =	ssyncset.done $0x0  }
0x195: {  	[sflag:s24] =	ssyncadd.s32 $0xFFFFD800  }
0x196: {  	[tilespmem:s22], [sflag:$0x3] =	stream.linear.gather [spmem:s14], $0x2800, $0x38;
	[tilespmem:$0x1A180] =	vst v63  }
0x197: {  	_ =	swait.ge [sflag:s23], $0x2800  }
0x198: {  	[sflag:s23] =	ssyncset.done $0x0  }
0x199: {  	s30 =	rddreg [dreg:$0x19];
	[sflag:s23] =	ssyncadd.s32 $0xFFFFD800  }
0x19a: {  	[hbm4b:s30+s3] =	stream.linear.scatter [tilespmem:s22], [sflag:$0x2], $0x2800, $0x38;
	[tilespmem:$0x1A180] =	vst v63  }
0x19b: {  	_ =	swait.ge [sflag:s24], $0x2800  }
0x19c: {  	[sflag:s24] =	ssyncset.done $0x0  }
0x19d: {  	[sflag:s24] =	ssyncadd.s32 $0xFFFFD800  }
0x19e: {  	[tilespmem:s22], [sflag:$0x3] =	stream.linear.gather [spmem:s15], $0x2800, $0x38;
	[tilespmem:$0x1A180] =	vst v63  }
0x19f: {  	_ =	swait.ge [sflag:s23], $0x2800  }
0x1a0: {  	[sflag:s23] =	ssyncset.done $0x0  }
0x1a1: {  	s31 =	rddreg [dreg:$0x1d];
	[sflag:s23] =	ssyncadd.s32 $0xFFFFD800  }
0x1a2: {  	[hbm4b:s31+s3] =	stream.linear.scatter [tilespmem:s22], [sflag:$0x2], $0x2800, $0x38;
	[tilespmem:$0x1A180] =	vst v63  }
.Ltmp7:
0x1a3: {  	_ = 	snop;
	(pc) =	sbr.rel @p2 .LBB2_8-.Ltmp7, $4  }
.Ltmp8:
0x1a4: {  	_ = 	snop;
	(pc) =	sbr.rel @!p2 .LBB2_9-.Ltmp8, $4  }
0x1a5: {  	_ =	swait.ge [sflag:s24], $0x2800  }
0x1a6: {  	[sflag:s24] =	ssyncset.done $0x0  }
0x1a7: {  	s26 =	smov.u32 s6;
	[sflag:s24] =	ssyncadd.s32 $0xFFFFD800  }
0x1a8: {  	_ = 	snop  }
.LBB2_10:
0x1a9: {  	_ =	sfence.sel $0x180000  }
0x1aa: {  	[bflag:$0x0] =	sbarrier.arrive $0xFFFF  }
0x1ab: {  	_ =	strace $0x9000004D  }
0x1ac: {  	[bflag:$0x2] =	sbarrier.arrive $0xFFFF  }
0x1ad: {  	p0 =	sne.s32 s2, $0x0;
	s0 =	rddreg [dreg:$0x2]  }
0x1ae: {  	s0 =	sadd.s32 @!p0 $0x100000, s0  }
0x1af: {  	[sflag:s0] =	ssyncadd.tile.s32 @!p0 $0x1;
	_ =	shalt  }
.Lfunc_end2:
_tile_overlayer_lowered:
.L_overlay_start_2:
0x1b0: {  	(tag) =	ssettag $0x2  }
0x1b1: {  	s0 =	rddreg [dreg:$0x0];
	s2 =	stileid.u32  }
0x1b2: {  	s1 =	rddreg [dreg:$0x1];
	p0 =	sne.s32 s2, $0x0  }
0x1b3: {  	s3 =	rddreg [dreg:$0x2];
	[bflag:$0x3] =	sbarrier.arrive $0xFFFF;
	s2 =	simm.s32 @!p0 $0x1C02  }
0x1b4: {  	[timem:s3], [sflag:s2] =	dma.local @!p0 [hbm:s0], s1  }
0x1b5: {  	s0 =	simm.s32 @!p0 $0x2  }
0x1b6: {  	_ =	swait.ge @!p0 [sflag:s0], s1  }
0x1b7: {  	s1 =	ssub.s32 @!p0 $0x0, s1;
	[sflag:s0] =	ssyncset.done @!p0 $0x0  }
0x1b8: {  	[sflag:s0] =	ssyncadd.s32 @!p0 s1  }
0x1b9: {  	[bflag:$0x3] =	sbarrier.arrive $0xFFFF  }
0x1ba: {  	_ =	shalt  }

// kernel: kernel.8.cloned.1.call-start
scs
__scs_entry_jumppad:
0x0: {  	(pc) =	sbr.rel $0x88, $3  }
0x1: {  	(tag) =	ssettag $0x0;
	lr =	simm.s32 $0x1  }
0x2: {  	[smem:$0x3F99] =	sst lr;
	_ =	strace $0xD0000000  }
0x3: {  	_ = 	snop  }
0x4: {  	_ = 	snop  }
0x5: {  	_ = 	snop  }
0x6: {  	_ = 	snop  }
0x7: {  	_ = 	snop  }
__scs_overlays_trampoline_lowered:
0x8: {  	[smem:$0x3FA8] =	sst s0  }
0x9: {  	[smem:$0x3FA9] =	sst s1  }
0xa: {  	[smem:$0x3FAA] =	sst s2  }
0xb: {  	[smem:$0x3FAB] =	sst s3  }
0xc: {  	[smem:$0x3FAC] =	sst s4  }
0xd: {  	[smem:$0x3FAD] =	sst s5  }
0xe: {  	[smem:$0x3FAE] =	sst s6  }
0xf: {  	[smem:$0x3FAF] =	sst s7  }
0x10: {  	[smem:$0x3FB0] =	sst s8  }
0x11: {  	[smem:$0x3FB1] =	sst s9;
	s0 =	simm.s32 @!p0 $0x0  }
0x12: {  	s1 =	sld [smem:$0x3F97];
	s0 =	simm.s32 @p0 $0x1  }
0x13: {  	[smem:$0x3FB2] =	sst s0;
	s0 =	simm.s32 @!p1 $0x0  }
0x14: {  	s2 =	sld [smem:$0x3F96];
	s0 =	simm.s32 @p1 $0x1  }
0x15: {  	[smem:$0x3FB3] =	sst s0;
	s0 =	simm.s32 @!p2 $0x0  }
0x16: {  	s3 =	sld [smem:$0x3FDB];
	s0 =	simm.s32 @p2 $0x1  }
0x17: {  	s4 =	simm.s32 $0x1BF5;
	[smem:$0x3FB5] =	sst s0  }
0x18: {  	s0 =	sld [smem:$0x3F98];
	_ =	swait.ge [sflag:s4], $0x0  }
0x19: {  	s7 =	sld [smem:$0x3F99]  }
0x1a: {  	s8 =	sadd.s32 $0xFFFFE003, lr  }
0x1b: {  	s9 =	sadd.s32 $0xFFFFFEF7, lr;
	s5 =	simm.s32 $0xFFFFFFFF;
	p2 =	slt.u32 s8, $0xFFFFF086  }
0x1c: {  	p1 =	slt.u32 s9, $0xF7A;
	s5 =	simm.s32 @!p2 $0x0  }
0x1d: {  	s5 =	simm.s32 @p1 $0x1;
	p0 =	seq.s32 s7, s2  }
0x1e: {  	s7 =	smul.u32 @!p0 $0xF7A, s2;
	p2 =	seq.s32 @!p0 s5, $0x0  }
0x1f: {  	s9 =	smul.u32 $0xF7A, s1;
	s8 =	simm.s32 @!p0 $0x1BF5;
	p2 =	por !p2, p0  }
0x20: {  	[sflag:s8] =	ssyncset.s32 @!p0 $0xFFFFF086;
	s6 =	sadd.s32 @!p0 s3, s7;
	s7 =	simm.s32 @!p0 $0x108  }
0x21: {  	s3 =	sadd.s32 s3, s9;
	s6 =	sadd.s32 @!p0 $0x88, s6;
	s7 =	simm.s32 @p2 $0x1082  }
0x22: {  	[simem:s7], [sflag:s8] =	dma.local @!p0 [hbm:s6], $0xF7A  }
0x23: {  	s9 =	sor.u32 $0xD0000000, s2;
	s6 =	simm.s32 $0x108;
	_ =	swait.ge @!p0 [sflag:s8], $0x0  }
0x24: {  	s3 =	sadd.s32 $0x88, s3;
	s6 =	simm.s32 @!p1 $0x1082;
	[sflag:s4] =	ssyncset.s32 $0xFFFFF086  }
0x25: {  	[simem:s6], [sflag:s4] =	dma.local [hbm:s3], $0xF7A  }
0x26: {  	[smem:$0x3F99] =	sst s1;
	(tag) =	ssettag s2;
	_ =	strace s9  }
0x27: {  	s1 =	sld [smem:$0x3FA9]  }
0x28: {  	s2 =	sld [smem:$0x3FAA]  }
0x29: {  	s4 =	sld [smem:$0x3FAC]  }
0x2a: {  	p0 =	seq.s32 s5, $0x0;
	s5 =	sld [smem:$0x3FAD]  }
0x2b: {  	s6 =	sld [smem:$0x3FAE]  }
0x2c: {  	s7 =	sld [smem:$0x3FAF]  }
0x2d: {  	s3 =	simm.s32 $0x108;
	s8 =	sld [smem:$0x3FB0]  }
0x2e: {  	s3 =	simm.s32 @!p0 $0x1082;
	s9 =	sld [smem:$0x3FB1]  }
0x2f: {  	lr =	sadd.s32 s0, s3;
	s0 =	sld [smem:$0x3FA8]  }
0x30: {  	s3 =	sld [smem:$0x3FAB]  }
0x31: {  	[smem:$0x3FB4] =	sst s10  }
0x32: {  	s10 =	sld [smem:$0x3FB2];
	_ =	sdelay $0x3  }
0x33: {  	p0 =	seq.s32 s10, $0x1;
	s10 =	sld [smem:$0x3FB4];
	_ =	sdelay $0x3  }
0x34: {  	[smem:$0x3FB4] =	sst s10  }
0x35: {  	s10 =	sld [smem:$0x3FB3];
	_ =	sdelay $0x3  }
0x36: {  	p1 =	seq.s32 s10, $0x1;
	s10 =	sld [smem:$0x3FB4];
	_ =	sdelay $0x3  }
0x37: {  	[smem:$0x3FB4] =	sst s10  }
0x38: {  	s10 =	sld [smem:$0x3FB5]  }
0x39: {  	_ = 	snop;
	(pc) =	sbr.ind lr, $3  }
0x3a: {  	_ = 	snop  }
0x3b: {  	_ = 	snop  }
0x3c: {  	p2 =	seq.s32 s10, $0x1;
	s10 =	sld [smem:$0x3FB4]  }
0x3d: {  	_ =	shalt  }
0x3e: {  	_ =	shalt  }
0x3f: {  	_ =	shalt  }
0x40: {  	_ =	shalt  }
0x41: {  	_ =	shalt  }
0x42: {  	_ =	shalt  }
0x43: {  	_ =	shalt  }
0x44: {  	_ =	shalt  }
0x45: {  	_ =	shalt  }
0x46: {  	_ =	shalt  }
0x47: {  	_ =	shalt  }
0x48: {  	_ =	shalt  }
0x49: {  	_ =	shalt  }
0x4a: {  	_ =	shalt  }
0x4b: {  	_ =	shalt  }
0x4c: {  	_ =	shalt  }
0x4d: {  	_ =	shalt  }
0x4e: {  	_ =	shalt  }
0x4f: {  	_ =	shalt  }
0x50: {  	_ =	shalt  }
0x51: {  	_ =	shalt  }
0x52: {  	_ =	shalt  }
0x53: {  	_ =	shalt  }
0x54: {  	_ =	shalt  }
0x55: {  	_ =	shalt  }
0x56: {  	_ =	shalt  }
0x57: {  	_ =	shalt  }
0x58: {  	_ =	shalt  }
0x59: {  	_ =	shalt  }
0x5a: {  	_ =	shalt  }
0x5b: {  	_ =	shalt  }
0x5c: {  	_ =	shalt  }
0x5d: {  	_ =	shalt  }
0x5e: {  	_ =	shalt  }
0x5f: {  	_ =	shalt  }
0x60: {  	_ =	shalt  }
0x61: {  	_ =	shalt  }
0x62: {  	_ =	shalt  }
0x63: {  	_ =	shalt  }
0x64: {  	_ =	shalt  }
0x65: {  	_ =	shalt  }
0x66: {  	_ =	shalt  }
0x67: {  	_ =	shalt  }
0x68: {  	_ =	shalt  }
0x69: {  	_ =	shalt  }
0x6a: {  	_ =	shalt  }
0x6b: {  	_ =	shalt  }
0x6c: {  	_ =	shalt  }
0x6d: {  	_ =	shalt  }
0x6e: {  	_ =	shalt  }
0x6f: {  	_ =	shalt  }
0x70: {  	_ =	shalt  }
0x71: {  	_ =	shalt  }
0x72: {  	_ =	shalt  }
0x73: {  	_ =	shalt  }
0x74: {  	_ =	shalt  }
0x75: {  	_ =	shalt  }
0x76: {  	_ =	shalt  }
0x77: {  	_ =	shalt  }
0x78: {  	_ =	shalt  }
0x79: {  	_ =	shalt  }
0x7a: {  	_ =	shalt  }
0x7b: {  	_ =	shalt  }
0x7c: {  	_ =	shalt  }
0x7d: {  	_ =	shalt  }
0x7e: {  	_ =	shalt  }
0x7f: {  	_ =	shalt  }
0x80: {  	_ =	shalt  }
0x81: {  	_ =	shalt  }
0x82: {  	_ =	shalt  }
0x83: {  	_ =	shalt  }
0x84: {  	_ =	shalt  }
0x85: {  	_ =	shalt  }
0x86: {  	_ =	shalt  }
0x87: {  	_ =	shalt  }
.Lfunc_end0:
.L_simem_size_0:
called_computation_lowered:
.L_overlay_start_0:
0x88: {  	s2 =	sld [smem:$0x3FD9]  }
0x89: {  	s3 =	sld [smem:$0x3FFE];
	_ =	sdelay $0x1  }
0x8a: {  	s1 =	srdreg.scid  }
0x8b: {  	s0 =	sand.u32 $0x1, s1  }
0x8c: {  	s17 =	sshll.u32 s0, $0xA;
	s2 =	sadd.s32 s3, s2  }
0x8d: {  	s2 =	sadd.s32 s2, s17  }
0x8e: {  	[smem:$0x3FC0] =	sst s2  }
0x8f: {  	_ = 	snop  }
0x90: {  	s2 =	sld [smem:$0x3FD0];
	(tm) =	ssettm $0x1  }
0x91: {  	s18 =	sld [smem:$0x3FFB];
	_ =	sdelay $0x3  }
0x92: {  	_ =	strace s18  }
0x93: {  	s3 =	sld [smem:$0x3FFC];
	_ =	sdelay $0x3  }
0x94: {  	_ =	strace s3  }
0x95: {  	s3 =	sld [smem:$0x3FFD];
	_ =	sdelay $0x3  }
0x96: {  	_ =	strace s3  }
0x97: {  	_ =	strace $0x8FFFFFFF  }
0x98: {  	s19 =	sld [smem:$0x3FDB];
	_ =	sdelay $0x1  }
0x99: {  	s4 =	simm.s32 $_scs_section_size  }
0x9a: {  	s5 =	simm.s32 $_size__tile_overlayer_lowered;
	s6 =	simm.s32 $_tile_overlayer_lowered  }
0x9b: {  	s22 =	simm.s32 $0x1BFF;
	s21 =	sshll.u32 s6, $0x1;
	s3 =	sadd.s32 s4, s19  }
0x9c: {  	s7 =	simm.s32 $0x0;
	s20 =	sshll.u32 s5, $0x1;
	s5 =	sadd.s32 s21, s3  }
0x9d: {  	[timem:s7], [sflag:s22] =	dma.local [hbm:s5], s20  }
0x9e: {  	_ =	swait.ge [sflag:s22], s20  }
0x9f: {  	s4 =	ssub.s32 $0x0, s20;
	[sflag:s22] =	ssyncset.done $0x0  }
0xa0: {  	[sflag:s22] =	ssyncadd.s32 s4;
	_ =	sdelay $0x1  }
0xa1: {  	s23 =	simm.s32 $0x1B8B  }
0xa2: {  	_ =	swait.ge [sflag:s23], $0x1  }
0xa3: {  	[sflag:s23] =	ssyncset.done $0x0  }
0xa4: {  	s25 =	simm.s32 $0x1B8E;
	s24 =	sld [smem:$0x3FFE];
	[sflag:s23] =	ssyncadd.s32 $0xFFFFFFFF  }
0xa5: {  	s26 =	simm.s32 $execute0_lowered;
	[smem:$0x3FD2] =	sst s25  }
0xa6: {  	s5 =	sshll.u32 s26, $0x1;
	_ =	strace $0x80000046;
	[dreg:$0x1] =	wrdreg $0xFFFFFFFF  }
0xa7: {  	s28 =	simm.s32 $_size_execute0_lowered;
	s3 =	sadd.s32 s3, s5;
	[dreg:$0x0] =	wrdreg $0x0  }
0xa8: {  	s5 =	sshll.u32 s28, $0x1;
	[dreg:$0x2] =	wrdreg s3  }
0xa9: {  	[dreg:$0x3] =	wrdreg s5  }
0xaa: {  	[dreg:$0x4] =	wrdreg $0xC0  }
0xab: {  	_ =	task [dreg:s7], $0x5FFFF  }
0xac: {  	[dreg:$0x1] =	wrdreg $0xFFFFFFFF  }
0xad: {  	[dreg:$0x0] =	wrdreg $0x60  }
0xae: {  	[dreg:$0x2] =	wrdreg s24  }
0xaf: {  	[dreg:$0x3] =	wrdreg s2  }
0xb0: {  	[dreg:$0x4] =	wrdreg $0x0  }
0xb1: {  	[dreg:$0x5] =	wrdreg $0x9  }
0xb2: {  	_ =	task.clear_ibuf [dreg:s7], $0x6FFFF;
	_ =	strace $0x90000046  }
0xb3: {  	s29 =	simm.s32 $0x9;
	_ =	strace $0x80000048  }
0xb4: {  	_ =	swait.ge [sflag:s29], $0x1  }
0xb5: {  	[sflag:s29] =	ssyncadd.s32 $0xFFFFFFFF  }
0xb6: {  	_ =	strace $0x90000048  }
0xb7: {  	_ =	sfence  }
0xb8: {  	s30 =	sld [smem:$0x0];
	_ =	sdelay $0x2  }
0xb9: {  	s31 =	sshll.u32 s1, $0xD;
	s1 =	sshrl.u32 s1, $0x2  }
0xba: {  	s3 =	sand.u32 $0x4000, s31;
	s1 =	sadd.s32 s1, s30  }
0xbb: {  	s0 =	sor.u32 s3, s0;
	s1 =	sshll.u32 s1, $0x11  }
0xbc: {  	s0 =	sor.u32 s1, s0  }
0xbd: {  	s0 =	sadd.s32 $0x8F2B, s0  }
0xbe: {  	[sflag:s0] =	ssyncadd.remote.s32 $0x1  }
0xbf: {  	_ =	sfence.sel $0xFFFF  }
0xc0: {  	[dreg:$0x0] =	wrdreg $0xFFFFFFFF;
	(pc) =	sbr.abs _section_cstart, $3  }
0xc1: {  	[dreg:$0x1] =	wrdreg $0xFFFFFFFF  }
0xc2: {  	_ =	task.clear_ibuf [dreg:s7], $0x2FFFF;
	_ =	strace $0x9FFFFFFF  }
0xc3: {  	(tm) =	ssettm $0x7FFFFFFF  }
tec
execute0_lowered:
.L_overlay_start_1:
0x0: {  	(tag) =	ssettag $0x1  }
0x1: {  	s4 =	rddreg [dreg:$0x0]  }
0x2: {  	s6 =	rddreg [dreg:$0x1]  }
0x3: {  	s2 =	rddreg [dreg:$0x2]  }
0x4: {  	s0 =	rddreg [dreg:$0x3];
	s5 =	srdreg.scid  }
0x5: {  	s3 =	simm.s32 $0x0;
	s1 =	stileid.u32;
	s5 =	sand.u32 $0x1, s5  }
0x6: {  	[smem:$0x7FF] =	sst s3;
	s8 =	smul.u32 $0x280, s1;
	s9 =	sshll.u32 s1, $0x5  }
0x7: {  	s7 =	ssub.s32 $0x2, s5;
	s11 =	smul.u32 $0x2800, s5;
	_ =	strace $0x80000047  }
0x8: {  	s9 =	sadd.s32 s9, s4;
	s4 =	sshll.u32 s1, $0x1;
	s30 =	sshll.u32 s5, $0x4  }
0x9: {  	s10 =	sshrl.u32 s7, $0x1;
	s5 =	sadd.s32 s8, s2;
	s9 =	sadd.s32 s30, s9  }
0xa: {  	s7 =	ssub.s32 s7, s10;
	s29 =	sadd.s32 s8, s11;
	s8 =	sadd.s32 $0xE600, s9  }
0xb: {  	s9 =	simm.s32 $0x280;
	s10 =	simm.s32 $0x1;
	s31 =	sshrl.u32 s29, $0x3  }
0xc: {  	v0 =	vimm.f32 $0.0e+00;
	v1 =	vimm.f32 $1.000000000e+00;
	s11 =	simm.s32 $0x0;
	s7 =	smax.u32 s7, $0x1;
	s6 =	sadd.s32 s6, s31  }
.LBB2_1:
0xd: {  	[tilespmem:$0x280] =	vst v0  }
0xe: {  	[tilespmem:$0x290] =	vst v0  }
0xf: {  	[tilespmem:$0x2A0] =	vst v0  }
0x10: {  	[tilespmem:$0x2B0] =	vst v0  }
0x11: {  	[tilespmem:$0x2C0] =	vst v0  }
0x12: {  	[tilespmem:$0x2D0] =	vst v0  }
0x13: {  	[tilespmem:$0x2E0] =	vst v0  }
0x14: {  	[tilespmem:$0x2F0] =	vst v0  }
0x15: {  	[tilespmem:$0x300] =	vst v0  }
0x16: {  	[tilespmem:$0x310] =	vst v0  }
0x17: {  	[tilespmem:$0x320] =	vst v0  }
0x18: {  	[tilespmem:$0x330] =	vst v0  }
0x19: {  	[tilespmem:$0x340] =	vst v0  }
0x1a: {  	[tilespmem:$0x350] =	vst v0  }
0x1b: {  	[tilespmem:$0x360] =	vst v0  }
0x1c: {  	[tilespmem:$0x370] =	vst v0  }
0x1d: {  	[tilespmem:$0x380] =	vst v0  }
0x1e: {  	[tilespmem:$0x390] =	vst v0  }
0x1f: {  	[tilespmem:$0x3A0] =	vst v0  }
0x20: {  	[tilespmem:$0x3B0] =	vst v0  }
0x21: {  	[tilespmem:$0x3C0] =	vst v0  }
0x22: {  	[tilespmem:$0x3D0] =	vst v0  }
0x23: {  	[tilespmem:$0x3E0] =	vst v0  }
0x24: {  	[tilespmem:$0x3F0] =	vst v0  }
0x25: {  	[tilespmem:$0x400] =	vst v0  }
0x26: {  	[tilespmem:$0x410] =	vst v0  }
0x27: {  	[tilespmem:$0x420] =	vst v0  }
0x28: {  	[tilespmem:$0x430] =	vst v0  }
0x29: {  	[tilespmem:$0x440] =	vst v0  }
0x2a: {  	[tilespmem:$0x450] =	vst v0  }
0x2b: {  	[tilespmem:$0x460] =	vst v0  }
0x2c: {  	[tilespmem:$0x470] =	vst v0  }
0x2d: {  	[tilespmem:$0x480] =	vst v0  }
0x2e: {  	[tilespmem:$0x490] =	vst v0  }
0x2f: {  	[tilespmem:$0x4A0] =	vst v0  }
0x30: {  	[tilespmem:$0x4B0] =	vst v0  }
0x31: {  	[tilespmem:$0x4C0] =	vst v0  }
0x32: {  	[tilespmem:$0x4D0] =	vst v0  }
0x33: {  	[tilespmem:$0x4E0] =	vst v0  }
0x34: {  	[tilespmem:$0x4F0] =	vst v0  }
0x35: {  	[tilespmem:$0x580] =	vst v1  }
0x36: {  	[tilespmem:$0x590] =	vst v1  }
0x37: {  	[tilespmem:$0x5A0] =	vst v1  }
0x38: {  	[tilespmem:$0x5B0] =	vst v1  }
0x39: {  	[tilespmem:$0x5C0] =	vst v1  }
0x3a: {  	[tilespmem:$0x5D0] =	vst v1  }
0x3b: {  	[tilespmem:$0x5E0] =	vst v1  }
0x3c: {  	[tilespmem:$0x5F0] =	vst v1  }
0x3d: {  	[spmem:s5] =	stream.linear.scatter [tilespmem:s9], [sflag:$0x1], $0x280, $0x38;
	[tilespmem:$0x600] =	vst v63  }
0x3e: {  	s12 =	sadd.s32 $0x0, s4;
	_ =	swait.ge [sflag:s10], $0x280  }
0x3f: {  	p1 =	sgt.u32 s12, $0x9C3;
	[sflag:s10] =	ssyncset.done $0x0  }
0x40: {  	p0 =	por p1, p1;
	s12 =	simm.s32 @!p1 $0x0;
	[sflag:s10] =	ssyncadd.s32 $0xFFFFFD80  }
0x41: {  	s13 =	simm.s32 @!p1 $0x500;
	s14 =	simm.s32 @!p0 $0x2;
	[bflag:$0x0] =	sbarrier.arrive $0xFFFF  }
0x42: {  	[tilespmem:s13], [sflag:$0x2] =	stream.linear.gather @!p0 [hbm4b:s8+s12], $0x80, $0x38;
	[tilespmem:$0x600] =	vst v63  }
0x43: {  	_ =	swait.ge @!p0 [sflag:s14], $0x80  }
0x44: {  	s31 =	sadd.s32 $0x20, s4;
	[sflag:s14] =	ssyncset.done @!p0 $0x0  }
0x45: {  	s12 =	simm.s32 @!p0 $0x80;
	[sflag:s14] =	ssyncadd.s32 @!p0 $0xFFFFFF80;
	s14 =	simm.s32 @!p0 $0x580  }
0x46: {  	[spmem:s2] =	stream.indirect.scatter.add.f32 @!p0 [tilespmem:s14], [sflag:$0x1], $0x1, s13, s12, $0xb8;
	[tilespmem:$0x600] =	vst v63  }
0x47: {  	p1 =	sgt.u32 s31, $0x9C3;
	s14 =	simm.s32 @!p0 $0x1  }
0x48: {  	s13 =	simm.s32 $0x40;
	s12 =	sadd.s32 $0x200, s8;
	_ =	swait.ge @!p0 [sflag:s14], $0x80  }
.LBB2_2:
0x49: {  	s15 =	simm.s32 @!p1 $0x0  }
0x4a: {  	s16 =	simm.s32 @!p1 $0x500;
	[sflag:s14] =	ssyncset.done @!p0 $0x0;
	s17 =	smov.u32 s13  }
0x4b: {  	p2 =	por p0, p0;
	p0 =	por p1, p1;
	s13 =	sadd.s32 $0x20, s13  }
0x4c: {  	s18 =	simm.s32 @!p0 $0x2;
	[sflag:s14] =	ssyncadd.s32 @!p2 $0xFFFFFF80;
	p2 =	sne.s32 s13, $0x9E0  }
0x4d: {  	[tilespmem:s16], [sflag:$0x2] =	stream.linear.gather @!p0 [hbm4b:s12+s15], $0x80, $0x38;
	[tilespmem:$0x600] =	vst v63  }
.Ltmp0:
0x4e: {  	_ =	swait.ge @!p0 [sflag:s18], $0x80;
	(pc) =	sbr.rel @p2 .LBB2_2-.Ltmp0, $4  }
0x4f: {  	s14 =	simm.s32 @!p0 $0x1;
	s15 =	sadd.s32 s17, s4;
	[sflag:s18] =	ssyncset.done @!p0 $0x0  }
0x50: {  	s17 =	simm.s32 @!p0 $0x80;
	[sflag:s18] =	ssyncadd.s32 @!p0 $0xFFFFFF80;
	s18 =	simm.s32 @!p0 $0x580  }
0x51: {  	[spmem:s2] =	stream.indirect.scatter.add.f32 @!p0 [tilespmem:s18], [sflag:$0x1], $0x1, s16, s17, $0xb8;
	[tilespmem:$0x600] =	vst v63  }
0x52: {  	s12 =	sadd.s32 $0x200, s12;
	p1 =	sgt.u32 s15, $0x9C3;
	_ =	swait.ge @!p0 [sflag:s14], $0x80  }
0x53: {  	s13 =	simm.s32 @!p1 $0x0  }
0x54: {  	[sflag:s14] =	ssyncset.done @!p0 $0x0;
	p0 =	por p0, p0;
	p2 =	por p1, p1  }
0x55: {  	s15 =	simm.s32 @!p1 $0x500;
	s16 =	simm.s32 @!p2 $0x2;
	[sflag:s14] =	ssyncadd.s32 @!p0 $0xFFFFFF80  }
0x56: {  	[tilespmem:s15], [sflag:$0x2] =	stream.linear.gather @!p2 [hbm4b:s12+s13], $0x80, $0x38;
	[tilespmem:$0x600] =	vst v63  }
0x57: {  	_ =	swait.ge @!p2 [sflag:s16], $0x80  }
0x58: {  	s14 =	simm.s32 @!p2 $0x580;
	[sflag:s16] =	ssyncset.done @!p2 $0x0  }
0x59: {  	s12 =	simm.s32 @!p2 $0x1;
	s13 =	simm.s32 @!p2 $0x80;
	[sflag:s16] =	ssyncadd.s32 @!p2 $0xFFFFFF80  }
0x5a: {  	[spmem:s2] =	stream.indirect.scatter.add.f32 @!p2 [tilespmem:s14], [sflag:$0x1], $0x1, s15, s13, $0xb8;
	[tilespmem:$0x600] =	vst v63  }
0x5b: {  	_ =	swait.ge @!p2 [sflag:s12], $0x80  }
0x5c: {  	p0 =	por p2, p2;
	[sflag:s12] =	ssyncset.done @!p2 $0x0  }
0x5d: {  	[sflag:s12] =	ssyncadd.s32 @!p0 $0xFFFFFF80  }
0x5e: {  	[bflag:$0x0] =	sbarrier.arrive $0xFFFF  }
0x5f: {  	[tilespmem:s9], [sflag:$0x1] =	stream.linear.gather [spmem:s5], $0x280, $0x38;
	[tilespmem:$0x600] =	vst v63  }
0x60: {  	s11 =	sadd.s32 $0x1, s11;
	_ =	swait.ge [sflag:s10], $0x280  }
0x61: {  	p0 =	sne.s32 s11, s7;
	[sflag:s10] =	ssyncset.done $0x0  }
.Ltmp1:
0x62: {  	[sflag:s10] =	ssyncadd.s32 $0xFFFFFD80;
	(pc) =	sbr.rel @p0 .LBB2_1-.Ltmp1, $4  }
0x63: {  	[hbm4b:s6+s3] =	stream.linear.scatter [tilespmem:s9], [sflag:$0x1], $0x280, $0x38;
	[tilespmem:$0x600] =	vst v63  }
0x64: {  	_ =	swait.ge [sflag:s10], $0x280  }
0x65: {  	[sflag:s10] =	ssyncset.done $0x0  }
0x66: {  	[sflag:s10] =	ssyncadd.s32 $0xFFFFFD80  }
0x67: {  	_ =	sfence.sel $0x180000  }
0x68: {  	[bflag:$0x0] =	sbarrier.arrive $0xFFFF  }
0x69: {  	p0 =	sne.s32 s1, $0x0;
	_ =	strace $0x90000047  }
0x6a: {  	s0 =	sadd.s32 @!p0 $0x100000, s0;
	[bflag:$0x2] =	sbarrier.arrive $0xFFFF  }
0x6b: {  	[sflag:s0] =	ssyncadd.tile.s32 @!p0 $0x1;
	_ =	shalt  }
.Lfunc_end2:
_tile_overlayer_lowered:
.L_overlay_start_2:
0x6c: {  	(tag) =	ssettag $0x2  }
0x6d: {  	s0 =	rddreg [dreg:$0x0];
	s2 =	stileid.u32  }
0x6e: {  	s1 =	rddreg [dreg:$0x1];
	p0 =	sne.s32 s2, $0x0  }
0x6f: {  	s3 =	rddreg [dreg:$0x2];
	[bflag:$0x3] =	sbarrier.arrive $0xFFFF;
	s2 =	simm.s32 @!p0 $0x1C01  }
0x70: {  	[timem:s3], [sflag:s2] =	dma.local @!p0 [hbm:s0], s1  }
0x71: {  	s0 =	simm.s32 @!p0 $0x1  }
0x72: {  	_ =	swait.ge @!p0 [sflag:s0], s1  }
0x73: {  	s1 =	ssub.s32 @!p0 $0x0, s1;
	[sflag:s0] =	ssyncset.done @!p0 $0x0  }
0x74: {  	[sflag:s0] =	ssyncadd.s32 @!p0 s1  }
0x75: {  	[bflag:$0x3] =	sbarrier.arrive $0xFFFF  }
0x76: {  	_ =	shalt  }

</sc_bundles>
